<compile_context>
chip_gen: v7x
topology: tpu7x:2x2x1
jax: 0.10.2.dev20260603
libtpu: 0.0.44.dev20260713+nightly
codegen_flags: <defaults>
</compile_context>

<pallas_src>
import functools

import jax
import jax.numpy as jnp
from jax import lax
from jax.experimental import pallas as pl
from jax.experimental.pallas import tpu as pltpu
from jax.experimental.pallas import tpu_sc as plsc

N = 10000
E = 320000
D = 128
H = 32
C = 64
EPS = 0.1
BN_EPS = 1e-5

NUM_CORES = 2
NUM_SUBCORES = 16
NUM_TILES = NUM_CORES * NUM_SUBCORES

EDGES_PER_TILE = E // NUM_TILES
CHUNK = 125
CHUNKS_PER_TILE = EDGES_PER_TILE // CHUNK
NBUF = 12
PREFETCH = 6

NP = 10016
FLAT = NP * H // 128
FREAL = N * H // 128
ROWS_Z = NP // NUM_SUBCORES


def _sc_segment_sum(y, ei):
  mesh = plsc.VectorSubcoreMesh(
      core_axis_name="c", subcore_axis_name="s",
      num_cores=NUM_CORES, num_subcores=NUM_SUBCORES)

  @functools.partial(
      pl.kernel,
      out_type=jax.ShapeDtypeStruct((NUM_CORES, NP, H), jnp.float32),
      mesh=mesh,
      scratch_types=[
          pltpu.VMEM((CHUNKS_PER_TILE, CHUNK), jnp.int32),
          pltpu.VMEM((CHUNKS_PER_TILE, CHUNK), jnp.int32),
          pltpu.VMEM((NBUF, CHUNK, H), jnp.float32),
          pltpu.VMEM((ROWS_Z, H), jnp.float32),
          pltpu.VMEM_SHARED((NP, H), jnp.float32),
          pltpu.SemaphoreType.DMA((NBUF,)),
          pltpu.SemaphoreType.DMA((NBUF,)),
          pltpu.SemaphoreType.DMA,
      ],
      compiler_params=pltpu.CompilerParams(use_tc_tiling_on_sc=False),
  )
  def seg_kernel(y_hbm, ei_hbm, out_hbm,
                 src_v, dst_v, rows, zbuf, acc, gsem, ssem, isem):
    c = lax.axis_index("c")
    s = lax.axis_index("s")
    wid = c * NUM_SUBCORES + s

    i_src = pltpu.async_copy(ei_hbm.at[0].at[wid], src_v, isem)
    i_dst = pltpu.async_copy(ei_hbm.at[1].at[wid], dst_v, isem)

    zero16 = jnp.zeros((16,), jnp.float32)

    @pl.loop(0, ROWS_Z)
    def _(r):
      zbuf[r, pl.ds(0, 16)] = zero16
      zbuf[r, pl.ds(16, 16)] = zero16

    row0 = s * ROWS_Z
    pltpu.sync_copy(zbuf, acc.at[pl.ds(row0, ROWS_Z)])

    i_src.wait()
    i_dst.wait()

    def fire_gather(i, b):
      pltpu.async_copy(y_hbm.at[src_v.at[i]], rows.at[b], gsem.at[b])

    def fire_scatter(i, b):
      pltpu.async_copy(rows.at[b], acc.at[dst_v.at[i]], ssem.at[b], add=True)

    def wait_gather(b):
      pltpu.make_async_copy(y_hbm.at[src_v.at[0]], rows.at[b],
                            gsem.at[b]).wait()

    def wait_scatter(b):
      pltpu.make_async_copy(rows.at[b], acc.at[dst_v.at[0]],
                            ssem.at[b]).wait()

    for k in range(PREFETCH):
      fire_gather(k, k)

    plsc.subcore_barrier()

    for i in range(PREFETCH):
      fire_gather(i + PREFETCH, (i + PREFETCH) % NBUF)
      wait_gather(i % NBUF)
      fire_scatter(i, i % NBUF)

    @pl.loop(PREFETCH, CHUNKS_PER_TILE - PREFETCH)
    def _(i):
      b = lax.rem(i, NBUF)
      bn = lax.rem(i + PREFETCH, NBUF)
      wait_scatter(bn)
      fire_gather(i + PREFETCH, bn)
      wait_gather(b)
      fire_scatter(i, b)

    for i in range(CHUNKS_PER_TILE - PREFETCH, CHUNKS_PER_TILE):
      b = i % NBUF
      wait_gather(b)
      fire_scatter(i, b)

    for i in range(CHUNKS_PER_TILE - NBUF, CHUNKS_PER_TILE):
      wait_scatter(i % NBUF)

    plsc.subcore_barrier()
    pltpu.sync_copy(acc.at[pl.ds(row0, ROWS_Z)],
                    out_hbm.at[c].at[pl.ds(row0, ROWS_Z)])

  return seg_kernel(y, ei)


def _tc_project(x, W0, ei):
  def body(x_ref, w_ref, ei_ref, o_ref):
    del ei_ref
    d = jnp.dot(x_ref[...], w_ref[...],
                preferred_element_type=jnp.float32,
                precision=lax.Precision.HIGHEST)
    o_ref[...] = jnp.concatenate(
        [d, jnp.zeros((NP - N, H), jnp.float32)], axis=0)
  return pl.pallas_call(
      body,
      in_specs=[pl.BlockSpec(memory_space=pltpu.MemorySpace.VMEM),
                pl.BlockSpec(memory_space=pltpu.MemorySpace.VMEM),
                pl.BlockSpec(memory_space=pltpu.MemorySpace.HBM)],
      out_shape=jax.ShapeDtypeStruct((NP, H), jnp.float32))(x, W0, ei)


def _row_mask(v):
  rows = lax.broadcasted_iota(jnp.int32, (FLAT, 1), 0)
  return jnp.where(rows < FREAL, v, 0.0)


def _tc_combine_project(acc, y, Wbig, bias128):
  def body(a_ref, y_ref, w_ref, b_ref, o_ref):
    pre = a_ref[0] + a_ref[1] + (1.0 + EPS) * y_ref[...]
    h = _row_mask(jnp.maximum(pre + b_ref[...], 0.0))
    o_ref[...] = jnp.dot(h, w_ref[...],
                         preferred_element_type=jnp.float32,
                         precision=lax.Precision.HIGHEST)
  return pl.pallas_call(
      body, out_shape=jax.ShapeDtypeStruct((FLAT, 128), jnp.float32))(
          acc, y, Wbig, bias128)


def _tc_finalize(acc, y, WoutBig, bias128):
  def body(a_ref, y_ref, w_ref, b_ref, o_ref):
    pre = a_ref[0] + a_ref[1] + (1.0 + EPS) * y_ref[...]
    h = _row_mask(jnp.maximum(pre + b_ref[...], 0.0))
    pooled = jnp.sum(h, axis=0, keepdims=True)
    o_ref[...] = jnp.dot(pooled, w_ref[...],
                         preferred_element_type=jnp.float32,
                         precision=lax.Precision.HIGHEST)
  return pl.pallas_call(
      body, out_shape=jax.ShapeDtypeStruct((1, C), jnp.float32))(
          acc, y, WoutBig, bias128)


def kernel(x, edge_index, W0, W1, W_out, bn_scale, bn_bias, bn_mean, bn_var):
  ei = edge_index.astype(jnp.int32).reshape(
      2, NUM_TILES, CHUNKS_PER_TILE, CHUNK)
  s = (bn_scale * lax.rsqrt(bn_var + BN_EPS)).astype(jnp.float32)
  cvec = bn_bias - bn_mean * s
  bias128 = jnp.tile(cvec.reshape(1, H), (1, 4))
  W0f = W0 * s[None, :]
  W1f = W1 * s[None, :]
  W1big = jnp.kron(jnp.eye(4, dtype=jnp.float32), W1f)
  WoutBig = jnp.tile(W_out, (4, 1))

  y0p = _tc_project(x, W0f, ei)
  acc0 = _sc_segment_sum(y0p, ei)
  y1 = _tc_combine_project(
      acc0.reshape(NUM_CORES, FLAT, 128), y0p.reshape(FLAT, 128),
      W1big, bias128)
  acc1 = _sc_segment_sum(y1.reshape(NP, H), ei)
  out = _tc_finalize(
      acc1.reshape(NUM_CORES, FLAT, 128), y1, WoutBig, bias128)
  return out.reshape(C)

# --- scband reference (transcript-rebuilt; emitter-appended) ---
"""Pipeline reference for scband-gin-24223615549809 (READ-ONLY COPY).

The authoritative reference and input builder live on the scoring server;
editing this copy changes nothing except your own understanding.
"""

import jax, jax.numpy as jnp
import numpy as np

N = 10000
E = 320000
D = 128
H = 32
C = 64
EPS = 0.1
BN_EPS = 1e-5


def setup_inputs(seed: int = 0) -> dict:
    key = jax.random.key(seed)
    ks = jax.random.split(key, 8)
    x = jax.random.normal(ks[0], (N, D), dtype=jnp.float32)
    edge_index = jax.random.randint(ks[1], (2, E), 0, N)
    W0 = jax.random.normal(ks[2], (D, H), dtype=jnp.float32) / np.sqrt(D)
    W1 = jax.random.normal(ks[3], (H, H), dtype=jnp.float32) / np.sqrt(H)
    W_out = jax.random.normal(ks[4], (H, C), dtype=jnp.float32) / np.sqrt(H)
    bn_scale = jnp.ones((H,), dtype=jnp.float32)
    bn_bias = jnp.zeros((H,), dtype=jnp.float32)
    bn_mean = jnp.zeros((H,), dtype=jnp.float32)
    bn_var = jnp.ones((H,), dtype=jnp.float32)
    return {
        'x': x,
        'edge_index': edge_index,
        'W0': W0,
        'W1': W1,
        'W_out': W_out,
        'bn_scale': bn_scale,
        'bn_bias': bn_bias,
        'bn_mean': bn_mean,
        'bn_var': bn_var,
    }


def reference(x, edge_index, W0, W1, W_out, bn_scale, bn_bias, bn_mean, bn_var):
    # GIN layer: h <- Dense((A + (1+eps) I) @ h); BatchNorm(running stats); ReLU
    src = edge_index[0]
    dst = edge_index[1]
    h = x
    for W in (W0, W1):
        # adj @ h with self-loop weight (1 + eps): gather neighbor feats, scatter-add by dst
        gathered = jnp.take(h, src, axis=0)
        agg = jax.ops.segment_sum(gathered, dst, num_segments=h.shape[0])
        agg = agg + (1.0 + EPS) * h
        h = agg @ W
        # BatchNorm with use_running_average=True
        h = (h - bn_mean) * jax.lax.rsqrt(bn_var + BN_EPS) * bn_scale + bn_bias
        # i < num_hidden_layers is always true inside the loop -> relu every layer
        h = jax.nn.relu(h)
    pooled = jnp.sum(h, axis=0)
    return pooled @ W_out

if __name__ == "__main__":
    import jax
    _d = setup_inputs()
    print(jax.jit(kernel)(*tuple(_d.values())))

</pallas_src>

<mosaic_0001>
#map = affine_map<(d0, d1) -> (0, 0)>
#map1 = affine_map<(d0, d1) -> (0, 0, 0, 0)>
#map2 = affine_map<(d0, d1) -> (0, 0, 0)>
module attributes {stable_mosaic.version = 14 : i64} {
  func.func @seg_kernel(%arg0: i32, %arg1: i32, %arg2: memref<10016x32xf32, #tpu.memory_space<hbm>>, %arg3: memref<2x32x80x125xi32, #tpu.memory_space<hbm>>, %arg4: memref<2x10016x32xf32, #tpu.memory_space<hbm>>, %arg5: memref<80x125xi32, #tpu.memory_space<vmem>>, %arg6: memref<80x125xi32, #tpu.memory_space<vmem>>, %arg7: memref<12x125x32xf32, #tpu.memory_space<vmem>>, %arg8: memref<626x32xf32, #tpu.memory_space<vmem>>, %arg9: memref<10016x32xf32, #tpu.memory_space<vmem_shared>>, %arg10: memref<12x!tpu.dma_semaphore, #tpu.memory_space<semaphore_mem>>, %arg11: memref<12x!tpu.dma_semaphore, #tpu.memory_space<semaphore_mem>>, %arg12: memref<!tpu.dma_semaphore, #tpu.memory_space<semaphore_mem>>) attributes {dimension_semantics = [#tpu.dimension_semantics<core_parallel>, #tpu.dimension_semantics<subcore_parallel>], iteration_bounds = array<i64: 2, 16>, scalar_prefetch = 0 : i64, scratch_operands = 8 : i64, tpu.core_type = #tpu.core_type<sc_vector_subcore>, window_params = [{transform_indices = #map}, {transform_indices = #map1}, {transform_indices = #map2}]} {
    %mul3A = arith.constant 16 : i32
    %mul3A_0 = arith.muli %arg0, %mul3A : i32
    %add3A = arith.addi %mul3A_0, %arg1 : i32
    %dma_start3A = arith.constant 0 : i32
    %dma_start3A_1 = arith.constant 0 : i32
    %dma_start3A_2 = arith.constant 0 : i32
    %dma_start3A_3 = arith.constant 0 : i32
    %dma_start3A_4 = tpu.memref_slice %arg3[%dma_start3A, %dma_start3A_1, %dma_start3A_2, %dma_start3A_3] : memref<2x32x80x125xi32, #tpu.memory_space<hbm>> -> memref<1x32x80x125xi32, #tpu.memory_space<hbm>>
    %dma_start3A_5 = tpu.memref_squeeze %dma_start3A_4 : memref<1x32x80x125xi32, #tpu.memory_space<hbm>> -> memref<32x80x125xi32, #tpu.memory_space<hbm>>
    %dma_start3A_6 = arith.constant 0 : i32
    %dma_start3A_7 = arith.constant 0 : i32
    %dma_start3A_8 = tpu.memref_slice %dma_start3A_5[%add3A, %dma_start3A_6, %dma_start3A_7] : memref<32x80x125xi32, #tpu.memory_space<hbm>> -> memref<1x80x125xi32, #tpu.memory_space<hbm>>
    %dma_start3A_9 = tpu.memref_squeeze %dma_start3A_8 : memref<1x80x125xi32, #tpu.memory_space<hbm>> -> memref<80x125xi32, #tpu.memory_space<hbm>>
    %dma_start3A_10 = arith.constant 0 : i32
    %dma_start3A_11 = arith.constant 0 : i32
    %dma_start3A_12 = arith.constant 0 : i32
    %dma_start3A_13 = tpu.memref_slice %arg3[%dma_start3A, %dma_start3A_10, %dma_start3A_11, %dma_start3A_12] : memref<2x32x80x125xi32, #tpu.memory_space<hbm>> -> memref<1x32x80x125xi32, #tpu.memory_space<hbm>>
    %dma_start3A_14 = tpu.memref_squeeze %dma_start3A_13 : memref<1x32x80x125xi32, #tpu.memory_space<hbm>> -> memref<32x80x125xi32, #tpu.memory_space<hbm>>
    %dma_start3A_15 = arith.constant 0 : i32
    %dma_start3A_16 = arith.constant 0 : i32
    %dma_start3A_17 = tpu.memref_slice %dma_start3A_14[%add3A, %dma_start3A_15, %dma_start3A_16] : memref<32x80x125xi32, #tpu.memory_space<hbm>> -> memref<1x80x125xi32, #tpu.memory_space<hbm>>
    %dma_start3A_18 = tpu.memref_squeeze %dma_start3A_17 : memref<1x80x125xi32, #tpu.memory_space<hbm>> -> memref<80x125xi32, #tpu.memory_space<hbm>>
    tpu.enqueue_dma source(%dma_start3A_18 : memref<80x125xi32, #tpu.memory_space<hbm>>) target(%arg5 : memref<80x125xi32, #tpu.memory_space<vmem>>) target_semaphore(%arg12 : memref<!tpu.dma_semaphore, #tpu.memory_space<semaphore_mem>>)
    %dma_start3A_19 = arith.constant 1 : i32
    %dma_start3A_20 = arith.constant 0 : i32
    %dma_start3A_21 = arith.constant 0 : i32
    %dma_start3A_22 = arith.constant 0 : i32
    %dma_start3A_23 = tpu.memref_slice %arg3[%dma_start3A_19, %dma_start3A_20, %dma_start3A_21, %dma_start3A_22] : memref<2x32x80x125xi32, #tpu.memory_space<hbm>> -> memref<1x32x80x125xi32, #tpu.memory_space<hbm>>
    %dma_start3A_24 = tpu.memref_squeeze %dma_start3A_23 : memref<1x32x80x125xi32, #tpu.memory_space<hbm>> -> memref<32x80x125xi32, #tpu.memory_space<hbm>>
    %dma_start3A_25 = arith.constant 0 : i32
    %dma_start3A_26 = arith.constant 0 : i32
    %dma_start3A_27 = tpu.memref_slice %dma_start3A_24[%add3A, %dma_start3A_25, %dma_start3A_26] : memref<32x80x125xi32, #tpu.memory_space<hbm>> -> memref<1x80x125xi32, #tpu.memory_space<hbm>>
    %dma_start3A_28 = tpu.memref_squeeze %dma_start3A_27 : memref<1x80x125xi32, #tpu.memory_space<hbm>> -> memref<80x125xi32, #tpu.memory_space<hbm>>
    %dma_start3A_29 = arith.constant 0 : i32
    %dma_start3A_30 = arith.constant 0 : i32
    %dma_start3A_31 = arith.constant 0 : i32
    %dma_start3A_32 = tpu.memref_slice %arg3[%dma_start3A_19, %dma_start3A_29, %dma_start3A_30, %dma_start3A_31] : memref<2x32x80x125xi32, #tpu.memory_space<hbm>> -> memref<1x32x80x125xi32, #tpu.memory_space<hbm>>
    %dma_start3A_33 = tpu.memref_squeeze %dma_start3A_32 : memref<1x32x80x125xi32, #tpu.memory_space<hbm>> -> memref<32x80x125xi32, #tpu.memory_space<hbm>>
    %dma_start3A_34 = arith.constant 0 : i32
    %dma_start3A_35 = arith.constant 0 : i32
    %dma_start3A_36 = tpu.memref_slice %dma_start3A_33[%add3A, %dma_start3A_34, %dma_start3A_35] : memref<32x80x125xi32, #tpu.memory_space<hbm>> -> memref<1x80x125xi32, #tpu.memory_space<hbm>>
    %dma_start3A_37 = tpu.memref_squeeze %dma_start3A_36 : memref<1x80x125xi32, #tpu.memory_space<hbm>> -> memref<80x125xi32, #tpu.memory_space<hbm>>
    tpu.enqueue_dma source(%dma_start3A_37 : memref<80x125xi32, #tpu.memory_space<hbm>>) target(%arg6 : memref<80x125xi32, #tpu.memory_space<vmem>>) target_semaphore(%arg12 : memref<!tpu.dma_semaphore, #tpu.memory_space<semaphore_mem>>)
    %broadcast_in_dim3A = arith.constant 0.000000e+00 : f32
    %broadcast_in_dim3A_38 = vector.broadcast %broadcast_in_dim3A : f32 to vector<16xf32>
    %scan3A = arith.constant 0 : i32
    %scan3A_39 = arith.constant 626 : i32
    %scan3A_40 = arith.addi %scan3A, %scan3A_39 : i32
    %scan3A_41 = arith.constant 1 : i32
    scf.for %scan3A_808 = %scan3A to %scan3A_40 step %scan3A_41  : i32 {
      %mul3A_809 = arith.constant 1 : i32
      %mul3A_810 = arith.muli %scan3A_808, %mul3A_809 : i32
      %add3A_811 = arith.constant 0 : i32
      %add3A_812 = arith.addi %add3A_811, %mul3A_810 : i32
      %swap3A = arith.index_cast %add3A_812 : i32 to index
      %swap3A_813 = arith.constant 0 : index
      %swap3A_814 = tpu.vector_load %arg8[%swap3A, %swap3A_813] {strides = array<i32>} : memref<626x32xf32, #tpu.memory_space<vmem>>, vector<1x16xf32>,
      %swap3A_815 = vector.shape_cast %swap3A_814 : vector<1x16xf32> to vector<16xf32>
      %swap3A_816 = vector.shape_cast %broadcast_in_dim3A_38 : vector<16xf32> to vector<1x16xf32>
      tpu.vector_store %arg8[%swap3A, %swap3A_813], %swap3A_816 {strides = array<i32>} : memref<626x32xf32, #tpu.memory_space<vmem>>, vector<1x16xf32>,
      %swap3A_817 = arith.index_cast %add3A_812 : i32 to index
      %swap3A_818 = arith.constant 16 : index
      %swap3A_819 = tpu.vector_load %arg8[%swap3A_817, %swap3A_818] {strides = array<i32>} : memref<626x32xf32, #tpu.memory_space<vmem>>, vector<1x16xf32>,
      %swap3A_820 = vector.shape_cast %swap3A_819 : vector<1x16xf32> to vector<16xf32>
      %swap3A_821 = vector.shape_cast %broadcast_in_dim3A_38 : vector<16xf32> to vector<1x16xf32>
      tpu.vector_store %arg8[%swap3A_817, %swap3A_818], %swap3A_821 {strides = array<i32>} : memref<626x32xf32, #tpu.memory_space<vmem>>, vector<1x16xf32>,
    }
    %scan3A_42 = arith.constant 626 : i32
    %mul3A_43 = arith.constant 626 : i32
    %mul3A_44 = arith.muli %arg1, %mul3A_43 : i32
    "tpu.region"() ({
      %run_scoped3A = tpu.sem_alloc : memref<!tpu.dma_semaphore, #tpu.memory_space<semaphore_mem>>
      %dma_start3A_808 = arith.constant 0 : i32
      %dma_start3A_809 = tpu.memref_slice %arg9[%mul3A_44, %dma_start3A_808] : memref<10016x32xf32, #tpu.memory_space<vmem_shared>> -> memref<626x32xf32, #tpu.memory_space<vmem_shared>>
      %dma_start3A_810 = arith.constant 0 : i32
      %dma_start3A_811 = tpu.memref_slice %arg9[%mul3A_44, %dma_start3A_810] : memref<10016x32xf32, #tpu.memory_space<vmem_shared>> -> memref<626x32xf32, #tpu.memory_space<vmem_shared>>
      tpu.enqueue_dma source(%arg8 : memref<626x32xf32, #tpu.memory_space<vmem>>) target(%dma_start3A_811 : memref<626x32xf32, #tpu.memory_space<vmem_shared>>) target_semaphore(%run_scoped3A : memref<!tpu.dma_semaphore, #tpu.memory_space<semaphore_mem>>)
      %dma_wait3A_812 = arith.constant 0 : i32
      %dma_wait3A_813 = tpu.memref_slice %arg9[%mul3A_44, %dma_wait3A_812] : memref<10016x32xf32, #tpu.memory_space<vmem_shared>> -> memref<626x32xf32, #tpu.memory_space<vmem_shared>>
      %dma_wait3A_814 = arith.constant 0 : i32
      %dma_wait3A_815 = tpu.memref_slice %arg9[%mul3A_44, %dma_wait3A_814] : memref<10016x32xf32, #tpu.memory_space<vmem_shared>> -> memref<626x32xf32, #tpu.memory_space<vmem_shared>>
      tpu.wait_dma2 semaphore(%run_scoped3A : memref<!tpu.dma_semaphore, #tpu.memory_space<semaphore_mem>>) src(%arg8 : memref<626x32xf32, #tpu.memory_space<vmem>>) dst(%dma_wait3A_815 : memref<626x32xf32, #tpu.memory_space<vmem_shared>>)
      tpu.yield
    }) : () -> ()
    %dma_wait3A = arith.constant 0 : i32
    %dma_wait3A_45 = arith.constant 0 : i32
    %dma_wait3A_46 = arith.constant 0 : i32
    %dma_wait3A_47 = arith.constant 0 : i32
    %dma_wait3A_48 = tpu.memref_slice %arg3[%dma_wait3A, %dma_wait3A_45, %dma_wait3A_46, %dma_wait3A_47] : memref<2x32x80x125xi32, #tpu.memory_space<hbm>> -> memref<1x32x80x125xi32, #tpu.memory_space<hbm>>
    %dma_wait3A_49 = tpu.memref_squeeze %dma_wait3A_48 : memref<1x32x80x125xi32, #tpu.memory_space<hbm>> -> memref<32x80x125xi32, #tpu.memory_space<hbm>>
    %dma_wait3A_50 = arith.constant 0 : i32
    %dma_wait3A_51 = arith.constant 0 : i32
    %dma_wait3A_52 = tpu.memref_slice %dma_wait3A_49[%add3A, %dma_wait3A_50, %dma_wait3A_51] : memref<32x80x125xi32, #tpu.memory_space<hbm>> -> memref<1x80x125xi32, #tpu.memory_space<hbm>>
    %dma_wait3A_53 = tpu.memref_squeeze %dma_wait3A_52 : memref<1x80x125xi32, #tpu.memory_space<hbm>> -> memref<80x125xi32, #tpu.memory_space<hbm>>
    %dma_wait3A_54 = arith.constant 0 : i32
    %dma_wait3A_55 = arith.constant 0 : i32
    %dma_wait3A_56 = arith.constant 0 : i32
    %dma_wait3A_57 = tpu.memref_slice %arg3[%dma_wait3A, %dma_wait3A_54, %dma_wait3A_55, %dma_wait3A_56] : memref<2x32x80x125xi32, #tpu.memory_space<hbm>> -> memref<1x32x80x125xi32, #tpu.memory_space<hbm>>
    %dma_wait3A_58 = tpu.memref_squeeze %dma_wait3A_57 : memref<1x32x80x125xi32, #tpu.memory_space<hbm>> -> memref<32x80x125xi32, #tpu.memory_space<hbm>>
    %dma_wait3A_59 = arith.constant 0 : i32
    %dma_wait3A_60 = arith.constant 0 : i32
    %dma_wait3A_61 = tpu.memref_slice %dma_wait3A_58[%add3A, %dma_wait3A_59, %dma_wait3A_60] : memref<32x80x125xi32, #tpu.memory_space<hbm>> -> memref<1x80x125xi32, #tpu.memory_space<hbm>>
    %dma_wait3A_62 = tpu.memref_squeeze %dma_wait3A_61 : memref<1x80x125xi32, #tpu.memory_space<hbm>> -> memref<80x125xi32, #tpu.memory_space<hbm>>
    tpu.wait_dma2 semaphore(%arg12 : memref<!tpu.dma_semaphore, #tpu.memory_space<semaphore_mem>>) src(%dma_wait3A_62 : memref<80x125xi32, #tpu.memory_space<hbm>>) dst(%arg5 : memref<80x125xi32, #tpu.memory_space<vmem>>)
    %dma_wait3A_63 = arith.constant 1 : i32
    %dma_wait3A_64 = arith.constant 0 : i32
    %dma_wait3A_65 = arith.constant 0 : i32
    %dma_wait3A_66 = arith.constant 0 : i32
    %dma_wait3A_67 = tpu.memref_slice %arg3[%dma_wait3A_63, %dma_wait3A_64, %dma_wait3A_65, %dma_wait3A_66] : memref<2x32x80x125xi32, #tpu.memory_space<hbm>> -> memref<1x32x80x125xi32, #tpu.memory_space<hbm>>
    %dma_wait3A_68 = tpu.memref_squeeze %dma_wait3A_67 : memref<1x32x80x125xi32, #tpu.memory_space<hbm>> -> memref<32x80x125xi32, #tpu.memory_space<hbm>>
    %dma_wait3A_69 = arith.constant 0 : i32
    %dma_wait3A_70 = arith.constant 0 : i32
    %dma_wait3A_71 = tpu.memref_slice %dma_wait3A_68[%add3A, %dma_wait3A_69, %dma_wait3A_70] : memref<32x80x125xi32, #tpu.memory_space<hbm>> -> memref<1x80x125xi32, #tpu.memory_space<hbm>>
    %dma_wait3A_72 = tpu.memref_squeeze %dma_wait3A_71 : memref<1x80x125xi32, #tpu.memory_space<hbm>> -> memref<80x125xi32, #tpu.memory_space<hbm>>
    %dma_wait3A_73 = arith.constant 0 : i32
    %dma_wait3A_74 = arith.constant 0 : i32
    %dma_wait3A_75 = arith.constant 0 : i32
    %dma_wait3A_76 = tpu.memref_slice %arg3[%dma_wait3A_63, %dma_wait3A_73, %dma_wait3A_74, %dma_wait3A_75] : memref<2x32x80x125xi32, #tpu.memory_space<hbm>> -> memref<1x32x80x125xi32, #tpu.memory_space<hbm>>
    %dma_wait3A_77 = tpu.memref_squeeze %dma_wait3A_76 : memref<1x32x80x125xi32, #tpu.memory_space<hbm>> -> memref<32x80x125xi32, #tpu.memory_space<hbm>>
    %dma_wait3A_78 = arith.constant 0 : i32
    %dma_wait3A_79 = arith.constant 0 : i32
    %dma_wait3A_80 = tpu.memref_slice %dma_wait3A_77[%add3A, %dma_wait3A_78, %dma_wait3A_79] : memref<32x80x125xi32, #tpu.memory_space<hbm>> -> memref<1x80x125xi32, #tpu.memory_space<hbm>>
    %dma_wait3A_81 = tpu.memref_squeeze %dma_wait3A_80 : memref<1x80x125xi32, #tpu.memory_space<hbm>> -> memref<80x125xi32, #tpu.memory_space<hbm>>
    tpu.wait_dma2 semaphore(%arg12 : memref<!tpu.dma_semaphore, #tpu.memory_space<semaphore_mem>>) src(%dma_wait3A_81 : memref<80x125xi32, #tpu.memory_space<hbm>>) dst(%arg6 : memref<80x125xi32, #tpu.memory_space<vmem>>)
    %dma_start3A_82 = arith.constant 0 : i32
    %dma_start3A_83 = arith.constant 0 : i32
    %dma_start3A_84 = arith.constant 0 : i32
    %dma_start3A_85 = arith.constant 0 : i32
    %dma_start3A_86 = arith.constant 0 : i32
    %dma_start3A_87 = tpu.memref_slice %arg7[%dma_start3A_83, %dma_start3A_85, %dma_start3A_86] : memref<12x125x32xf32, #tpu.memory_space<vmem>> -> memref<1x125x32xf32, #tpu.memory_space<vmem>>
    %dma_start3A_88 = tpu.memref_squeeze %dma_start3A_87 : memref<1x125x32xf32, #tpu.memory_space<vmem>> -> memref<125x32xf32, #tpu.memory_space<vmem>>
    %dma_start3A_89 = arith.constant 0 : i32
    %dma_start3A_90 = tpu.memref_slice %arg5[%dma_start3A_82, %dma_start3A_89] : memref<80x125xi32, #tpu.memory_space<vmem>> -> memref<1x125xi32, #tpu.memory_space<vmem>>
    %dma_start3A_91 = tpu.memref_squeeze %dma_start3A_90 : memref<1x125xi32, #tpu.memory_space<vmem>> -> memref<125xi32, #tpu.memory_space<vmem>>
    %dma_start3A_92 = arith.constant 0 : i32
    %dma_start3A_93 = arith.constant 0 : i32
    %dma_start3A_94 = tpu.memref_slice %arg2[%dma_start3A_92, %dma_start3A_93] : memref<10016x32xf32, #tpu.memory_space<hbm>> -> memref<10016x32xf32, #tpu.memory_space<hbm>>
    %dma_start3A_95 = tpu.memref_slice %arg10[%dma_start3A_84] : memref<12x!tpu.dma_semaphore, #tpu.memory_space<semaphore_mem>> -> memref<1x!tpu.dma_semaphore, #tpu.memory_space<semaphore_mem>>
    %dma_start3A_96 = tpu.memref_squeeze %dma_start3A_95 : memref<1x!tpu.dma_semaphore, #tpu.memory_space<semaphore_mem>> -> memref<!tpu.dma_semaphore, #tpu.memory_space<semaphore_mem>>
    tpu.enqueue_indirect_dma source(%dma_start3A_94 : memref<10016x32xf32, #tpu.memory_space<hbm>>) target(%dma_start3A_88 : memref<125x32xf32, #tpu.memory_space<vmem>>) offsets(%dma_start3A_91 : memref<125xi32, #tpu.memory_space<vmem>>) semaphore(%dma_start3A_96 : memref<!tpu.dma_semaphore, #tpu.memory_space<semaphore_mem>>)
    %dma_start3A_97 = arith.constant 1 : i32
    %dma_start3A_98 = arith.constant 1 : i32
    %dma_start3A_99 = arith.constant 1 : i32
    %dma_start3A_100 = arith.constant 0 : i32
    %dma_start3A_101 = arith.constant 0 : i32
    %dma_start3A_102 = tpu.memref_slice %arg7[%dma_start3A_98, %dma_start3A_100, %dma_start3A_101] : memref<12x125x32xf32, #tpu.memory_space<vmem>> -> memref<1x125x32xf32, #tpu.memory_space<vmem>>
    %dma_start3A_103 = tpu.memref_squeeze %dma_start3A_102 : memref<1x125x32xf32, #tpu.memory_space<vmem>> -> memref<125x32xf32, #tpu.memory_space<vmem>>
    %dma_start3A_104 = arith.constant 0 : i32
    %dma_start3A_105 = tpu.memref_slice %arg5[%dma_start3A_97, %dma_start3A_104] : memref<80x125xi32, #tpu.memory_space<vmem>> -> memref<1x125xi32, #tpu.memory_space<vmem>>
    %dma_start3A_106 = tpu.memref_squeeze %dma_start3A_105 : memref<1x125xi32, #tpu.memory_space<vmem>> -> memref<125xi32, #tpu.memory_space<vmem>>
    %dma_start3A_107 = arith.constant 0 : i32
    %dma_start3A_108 = arith.constant 0 : i32
    %dma_start3A_109 = tpu.memref_slice %arg2[%dma_start3A_107, %dma_start3A_108] : memref<10016x32xf32, #tpu.memory_space<hbm>> -> memref<10016x32xf32, #tpu.memory_space<hbm>>
    %dma_start3A_110 = tpu.memref_slice %arg10[%dma_start3A_99] : memref<12x!tpu.dma_semaphore, #tpu.memory_space<semaphore_mem>> -> memref<1x!tpu.dma_semaphore, #tpu.memory_space<semaphore_mem>>
    %dma_start3A_111 = tpu.memref_squeeze %dma_start3A_110 : memref<1x!tpu.dma_semaphore, #tpu.memory_space<semaphore_mem>> -> memref<!tpu.dma_semaphore, #tpu.memory_space<semaphore_mem>>
    tpu.enqueue_indirect_dma source(%dma_start3A_109 : memref<10016x32xf32, #tpu.memory_space<hbm>>) target(%dma_start3A_103 : memref<125x32xf32, #tpu.memory_space<vmem>>) offsets(%dma_start3A_106 : memref<125xi32, #tpu.memory_space<vmem>>) semaphore(%dma_start3A_111 : memref<!tpu.dma_semaphore, #tpu.memory_space<semaphore_mem>>)
    %dma_start3A_112 = arith.constant 2 : i32
    %dma_start3A_113 = arith.constant 2 : i32
    %dma_start3A_114 = arith.constant 2 : i32
    %dma_start3A_115 = arith.constant 0 : i32
    %dma_start3A_116 = arith.constant 0 : i32
    %dma_start3A_117 = tpu.memref_slice %arg7[%dma_start3A_113, %dma_start3A_115, %dma_start3A_116] : memref<12x125x32xf32, #tpu.memory_space<vmem>> -> memref<1x125x32xf32, #tpu.memory_space<vmem>>
    %dma_start3A_118 = tpu.memref_squeeze %dma_start3A_117 : memref<1x125x32xf32, #tpu.memory_space<vmem>> -> memref<125x32xf32, #tpu.memory_space<vmem>>
    %dma_start3A_119 = arith.constant 0 : i32
    %dma_start3A_120 = tpu.memref_slice %arg5[%dma_start3A_112, %dma_start3A_119] : memref<80x125xi32, #tpu.memory_space<vmem>> -> memref<1x125xi32, #tpu.memory_space<vmem>>
    %dma_start3A_121 = tpu.memref_squeeze %dma_start3A_120 : memref<1x125xi32, #tpu.memory_space<vmem>> -> memref<125xi32, #tpu.memory_space<vmem>>
    %dma_start3A_122 = arith.constant 0 : i32
    %dma_start3A_123 = arith.constant 0 : i32
    %dma_start3A_124 = tpu.memref_slice %arg2[%dma_start3A_122, %dma_start3A_123] : memref<10016x32xf32, #tpu.memory_space<hbm>> -> memref<10016x32xf32, #tpu.memory_space<hbm>>
    %dma_start3A_125 = tpu.memref_slice %arg10[%dma_start3A_114] : memref<12x!tpu.dma_semaphore, #tpu.memory_space<semaphore_mem>> -> memref<1x!tpu.dma_semaphore, #tpu.memory_space<semaphore_mem>>
    %dma_start3A_126 = tpu.memref_squeeze %dma_start3A_125 : memref<1x!tpu.dma_semaphore, #tpu.memory_space<semaphore_mem>> -> memref<!tpu.dma_semaphore, #tpu.memory_space<semaphore_mem>>
    tpu.enqueue_indirect_dma source(%dma_start3A_124 : memref<10016x32xf32, #tpu.memory_space<hbm>>) target(%dma_start3A_118 : memref<125x32xf32, #tpu.memory_space<vmem>>) offsets(%dma_start3A_121 : memref<125xi32, #tpu.memory_space<vmem>>) semaphore(%dma_start3A_126 : memref<!tpu.dma_semaphore, #tpu.memory_space<semaphore_mem>>)
    %dma_start3A_127 = arith.constant 3 : i32
    %dma_start3A_128 = arith.constant 3 : i32
    %dma_start3A_129 = arith.constant 3 : i32
    %dma_start3A_130 = arith.constant 0 : i32
    %dma_start3A_131 = arith.constant 0 : i32
    %dma_start3A_132 = tpu.memref_slice %arg7[%dma_start3A_128, %dma_start3A_130, %dma_start3A_131] : memref<12x125x32xf32, #tpu.memory_space<vmem>> -> memref<1x125x32xf32, #tpu.memory_space<vmem>>
    %dma_start3A_133 = tpu.memref_squeeze %dma_start3A_132 : memref<1x125x32xf32, #tpu.memory_space<vmem>> -> memref<125x32xf32, #tpu.memory_space<vmem>>
    %dma_start3A_134 = arith.constant 0 : i32
    %dma_start3A_135 = tpu.memref_slice %arg5[%dma_start3A_127, %dma_start3A_134] : memref<80x125xi32, #tpu.memory_space<vmem>> -> memref<1x125xi32, #tpu.memory_space<vmem>>
    %dma_start3A_136 = tpu.memref_squeeze %dma_start3A_135 : memref<1x125xi32, #tpu.memory_space<vmem>> -> memref<125xi32, #tpu.memory_space<vmem>>
    %dma_start3A_137 = arith.constant 0 : i32
    %dma_start3A_138 = arith.constant 0 : i32
    %dma_start3A_139 = tpu.memref_slice %arg2[%dma_start3A_137, %dma_start3A_138] : memref<10016x32xf32, #tpu.memory_space<hbm>> -> memref<10016x32xf32, #tpu.memory_space<hbm>>
    %dma_start3A_140 = tpu.memref_slice %arg10[%dma_start3A_129] : memref<12x!tpu.dma_semaphore, #tpu.memory_space<semaphore_mem>> -> memref<1x!tpu.dma_semaphore, #tpu.memory_space<semaphore_mem>>
    %dma_start3A_141 = tpu.memref_squeeze %dma_start3A_140 : memref<1x!tpu.dma_semaphore, #tpu.memory_space<semaphore_mem>> -> memref<!tpu.dma_semaphore, #tpu.memory_space<semaphore_mem>>
    tpu.enqueue_indirect_dma source(%dma_start3A_139 : memref<10016x32xf32, #tpu.memory_space<hbm>>) target(%dma_start3A_133 : memref<125x32xf32, #tpu.memory_space<vmem>>) offsets(%dma_start3A_136 : memref<125xi32, #tpu.memory_space<vmem>>) semaphore(%dma_start3A_141 : memref<!tpu.dma_semaphore, #tpu.memory_space<semaphore_mem>>)
    %dma_start3A_142 = arith.constant 4 : i32
    %dma_start3A_143 = arith.constant 4 : i32
    %dma_start3A_144 = arith.constant 4 : i32
    %dma_start3A_145 = arith.constant 0 : i32
    %dma_start3A_146 = arith.constant 0 : i32
    %dma_start3A_147 = tpu.memref_slice %arg7[%dma_start3A_143, %dma_start3A_145, %dma_start3A_146] : memref<12x125x32xf32, #tpu.memory_space<vmem>> -> memref<1x125x32xf32, #tpu.memory_space<vmem>>
    %dma_start3A_148 = tpu.memref_squeeze %dma_start3A_147 : memref<1x125x32xf32, #tpu.memory_space<vmem>> -> memref<125x32xf32, #tpu.memory_space<vmem>>
    %dma_start3A_149 = arith.constant 0 : i32
    %dma_start3A_150 = tpu.memref_slice %arg5[%dma_start3A_142, %dma_start3A_149] : memref<80x125xi32, #tpu.memory_space<vmem>> -> memref<1x125xi32, #tpu.memory_space<vmem>>
    %dma_start3A_151 = tpu.memref_squeeze %dma_start3A_150 : memref<1x125xi32, #tpu.memory_space<vmem>> -> memref<125xi32, #tpu.memory_space<vmem>>
    %dma_start3A_152 = arith.constant 0 : i32
    %dma_start3A_153 = arith.constant 0 : i32
    %dma_start3A_154 = tpu.memref_slice %arg2[%dma_start3A_152, %dma_start3A_153] : memref<10016x32xf32, #tpu.memory_space<hbm>> -> memref<10016x32xf32, #tpu.memory_space<hbm>>
    %dma_start3A_155 = tpu.memref_slice %arg10[%dma_start3A_144] : memref<12x!tpu.dma_semaphore, #tpu.memory_space<semaphore_mem>> -> memref<1x!tpu.dma_semaphore, #tpu.memory_space<semaphore_mem>>
    %dma_start3A_156 = tpu.memref_squeeze %dma_start3A_155 : memref<1x!tpu.dma_semaphore, #tpu.memory_space<semaphore_mem>> -> memref<!tpu.dma_semaphore, #tpu.memory_space<semaphore_mem>>
    tpu.enqueue_indirect_dma source(%dma_start3A_154 : memref<10016x32xf32, #tpu.memory_space<hbm>>) target(%dma_start3A_148 : memref<125x32xf32, #tpu.memory_space<vmem>>) offsets(%dma_start3A_151 : memref<125xi32, #tpu.memory_space<vmem>>) semaphore(%dma_start3A_156 : memref<!tpu.dma_semaphore, #tpu.memory_space<semaphore_mem>>)
    %dma_start3A_157 = arith.constant 5 : i32
    %dma_start3A_158 = arith.constant 5 : i32
    %dma_start3A_159 = arith.constant 5 : i32
    %dma_start3A_160 = arith.constant 0 : i32
    %dma_start3A_161 = arith.constant 0 : i32
    %dma_start3A_162 = tpu.memref_slice %arg7[%dma_start3A_158, %dma_start3A_160, %dma_start3A_161] : memref<12x125x32xf32, #tpu.memory_space<vmem>> -> memref<1x125x32xf32, #tpu.memory_space<vmem>>
    %dma_start3A_163 = tpu.memref_squeeze %dma_start3A_162 : memref<1x125x32xf32, #tpu.memory_space<vmem>> -> memref<125x32xf32, #tpu.memory_space<vmem>>
    %dma_start3A_164 = arith.constant 0 : i32
    %dma_start3A_165 = tpu.memref_slice %arg5[%dma_start3A_157, %dma_start3A_164] : memref<80x125xi32, #tpu.memory_space<vmem>> -> memref<1x125xi32, #tpu.memory_space<vmem>>
    %dma_start3A_166 = tpu.memref_squeeze %dma_start3A_165 : memref<1x125xi32, #tpu.memory_space<vmem>> -> memref<125xi32, #tpu.memory_space<vmem>>
    %dma_start3A_167 = arith.constant 0 : i32
    %dma_start3A_168 = arith.constant 0 : i32
    %dma_start3A_169 = tpu.memref_slice %arg2[%dma_start3A_167, %dma_start3A_168] : memref<10016x32xf32, #tpu.memory_space<hbm>> -> memref<10016x32xf32, #tpu.memory_space<hbm>>
    %dma_start3A_170 = tpu.memref_slice %arg10[%dma_start3A_159] : memref<12x!tpu.dma_semaphore, #tpu.memory_space<semaphore_mem>> -> memref<1x!tpu.dma_semaphore, #tpu.memory_space<semaphore_mem>>
    %dma_start3A_171 = tpu.memref_squeeze %dma_start3A_170 : memref<1x!tpu.dma_semaphore, #tpu.memory_space<semaphore_mem>> -> memref<!tpu.dma_semaphore, #tpu.memory_space<semaphore_mem>>
    tpu.enqueue_indirect_dma source(%dma_start3A_169 : memref<10016x32xf32, #tpu.memory_space<hbm>>) target(%dma_start3A_163 : memref<125x32xf32, #tpu.memory_space<vmem>>) offsets(%dma_start3A_166 : memref<125xi32, #tpu.memory_space<vmem>>) semaphore(%dma_start3A_171 : memref<!tpu.dma_semaphore, #tpu.memory_space<semaphore_mem>>)
    %barrier3A = arith.constant 0 : index
    tpu.barrier barrier_id(%barrier3A)
    %dma_start3A_172 = arith.constant 6 : i32
    %dma_start3A_173 = arith.constant 6 : i32
    %dma_start3A_174 = arith.constant 6 : i32
    %dma_start3A_175 = arith.constant 0 : i32
    %dma_start3A_176 = arith.constant 0 : i32
    %dma_start3A_177 = tpu.memref_slice %arg7[%dma_start3A_173, %dma_start3A_175, %dma_start3A_176] : memref<12x125x32xf32, #tpu.memory_space<vmem>> -> memref<1x125x32xf32, #tpu.memory_space<vmem>>
    %dma_start3A_178 = tpu.memref_squeeze %dma_start3A_177 : memref<1x125x32xf32, #tpu.memory_space<vmem>> -> memref<125x32xf32, #tpu.memory_space<vmem>>
    %dma_start3A_179 = arith.constant 0 : i32
    %dma_start3A_180 = tpu.memref_slice %arg5[%dma_start3A_172, %dma_start3A_179] : memref<80x125xi32, #tpu.memory_space<vmem>> -> memref<1x125xi32, #tpu.memory_space<vmem>>
    %dma_start3A_181 = tpu.memref_squeeze %dma_start3A_180 : memref<1x125xi32, #tpu.memory_space<vmem>> -> memref<125xi32, #tpu.memory_space<vmem>>
    %dma_start3A_182 = arith.constant 0 : i32
    %dma_start3A_183 = arith.constant 0 : i32
    %dma_start3A_184 = tpu.memref_slice %arg2[%dma_start3A_182, %dma_start3A_183] : memref<10016x32xf32, #tpu.memory_space<hbm>> -> memref<10016x32xf32, #tpu.memory_space<hbm>>
    %dma_start3A_185 = tpu.memref_slice %arg10[%dma_start3A_174] : memref<12x!tpu.dma_semaphore, #tpu.memory_space<semaphore_mem>> -> memref<1x!tpu.dma_semaphore, #tpu.memory_space<semaphore_mem>>
    %dma_start3A_186 = tpu.memref_squeeze %dma_start3A_185 : memref<1x!tpu.dma_semaphore, #tpu.memory_space<semaphore_mem>> -> memref<!tpu.dma_semaphore, #tpu.memory_space<semaphore_mem>>
    tpu.enqueue_indirect_dma source(%dma_start3A_184 : memref<10016x32xf32, #tpu.memory_space<hbm>>) target(%dma_start3A_178 : memref<125x32xf32, #tpu.memory_space<vmem>>) offsets(%dma_start3A_181 : memref<125xi32, #tpu.memory_space<vmem>>) semaphore(%dma_start3A_186 : memref<!tpu.dma_semaphore, #tpu.memory_space<semaphore_mem>>)
    %dma_wait3A_187 = arith.constant 0 : i32
    %dma_wait3A_188 = arith.constant 0 : i32
    %dma_wait3A_189 = arith.constant 0 : i32
    %dma_wait3A_190 = arith.constant 0 : i32
    %dma_wait3A_191 = arith.constant 0 : i32
    %dma_wait3A_192 = tpu.memref_slice %arg7[%dma_wait3A_188, %dma_wait3A_190, %dma_wait3A_191] : memref<12x125x32xf32, #tpu.memory_space<vmem>> -> memref<1x125x32xf32, #tpu.memory_space<vmem>>
    %dma_wait3A_193 = tpu.memref_squeeze %dma_wait3A_192 : memref<1x125x32xf32, #tpu.memory_space<vmem>> -> memref<125x32xf32, #tpu.memory_space<vmem>>
    %dma_wait3A_194 = arith.constant 0 : i32
    %dma_wait3A_195 = tpu.memref_slice %arg5[%dma_wait3A_187, %dma_wait3A_194] : memref<80x125xi32, #tpu.memory_space<vmem>> -> memref<1x125xi32, #tpu.memory_space<vmem>>
    %dma_wait3A_196 = tpu.memref_squeeze %dma_wait3A_195 : memref<1x125xi32, #tpu.memory_space<vmem>> -> memref<125xi32, #tpu.memory_space<vmem>>
    %dma_wait3A_197 = arith.constant 0 : i32
    %dma_wait3A_198 = arith.constant 0 : i32
    %dma_wait3A_199 = tpu.memref_slice %arg2[%dma_wait3A_197, %dma_wait3A_198] : memref<10016x32xf32, #tpu.memory_space<hbm>> -> memref<10016x32xf32, #tpu.memory_space<hbm>>
    %dma_wait3A_200 = tpu.memref_slice %arg10[%dma_wait3A_189] : memref<12x!tpu.dma_semaphore, #tpu.memory_space<semaphore_mem>> -> memref<1x!tpu.dma_semaphore, #tpu.memory_space<semaphore_mem>>
    %dma_wait3A_201 = tpu.memref_squeeze %dma_wait3A_200 : memref<1x!tpu.dma_semaphore, #tpu.memory_space<semaphore_mem>> -> memref<!tpu.dma_semaphore, #tpu.memory_space<semaphore_mem>>
    tpu.wait_indirect_dma semaphore(%dma_wait3A_201 : memref<!tpu.dma_semaphore, #tpu.memory_space<semaphore_mem>>) src(%dma_wait3A_199 : memref<10016x32xf32, #tpu.memory_space<hbm>>) dst(%dma_wait3A_193 : memref<125x32xf32, #tpu.memory_space<vmem>>)
    %dma_start3A_202 = arith.constant 0 : i32
    %dma_start3A_203 = arith.constant 0 : i32
    %dma_start3A_204 = arith.constant 0 : i32
    %dma_start3A_205 = arith.constant 0 : i32
    %dma_start3A_206 = arith.constant 0 : i32
    %dma_start3A_207 = tpu.memref_slice %arg7[%dma_start3A_202, %dma_start3A_205, %dma_start3A_206] : memref<12x125x32xf32, #tpu.memory_space<vmem>> -> memref<1x125x32xf32, #tpu.memory_space<vmem>>
    %dma_start3A_208 = tpu.memref_squeeze %dma_start3A_207 : memref<1x125x32xf32, #tpu.memory_space<vmem>> -> memref<125x32xf32, #tpu.memory_space<vmem>>
    %dma_start3A_209 = arith.constant 0 : i32
    %dma_start3A_210 = tpu.memref_slice %arg6[%dma_start3A_203, %dma_start3A_209] : memref<80x125xi32, #tpu.memory_space<vmem>> -> memref<1x125xi32, #tpu.memory_space<vmem>>
    %dma_start3A_211 = tpu.memref_squeeze %dma_start3A_210 : memref<1x125xi32, #tpu.memory_space<vmem>> -> memref<125xi32, #tpu.memory_space<vmem>>
    %dma_start3A_212 = arith.constant 0 : i32
    %dma_start3A_213 = arith.constant 0 : i32
    %dma_start3A_214 = tpu.memref_slice %arg9[%dma_start3A_212, %dma_start3A_213] : memref<10016x32xf32, #tpu.memory_space<vmem_shared>> -> memref<10016x32xf32, #tpu.memory_space<vmem_shared>>
    %dma_start3A_215 = tpu.memref_slice %arg11[%dma_start3A_204] : memref<12x!tpu.dma_semaphore, #tpu.memory_space<semaphore_mem>> -> memref<1x!tpu.dma_semaphore, #tpu.memory_space<semaphore_mem>>
    %dma_start3A_216 = tpu.memref_squeeze %dma_start3A_215 : memref<1x!tpu.dma_semaphore, #tpu.memory_space<semaphore_mem>> -> memref<!tpu.dma_semaphore, #tpu.memory_space<semaphore_mem>>
    tpu.enqueue_indirect_dma source(%dma_start3A_208 : memref<125x32xf32, #tpu.memory_space<vmem>>) target(%dma_start3A_214 : memref<10016x32xf32, #tpu.memory_space<vmem_shared>>) offsets(%dma_start3A_211 : memref<125xi32, #tpu.memory_space<vmem>>) semaphore(%dma_start3A_216 : memref<!tpu.dma_semaphore, #tpu.memory_space<semaphore_mem>>) {add = true}
    %dma_start3A_217 = arith.constant 7 : i32
    %dma_start3A_218 = arith.constant 7 : i32
    %dma_start3A_219 = arith.constant 7 : i32
    %dma_start3A_220 = arith.constant 0 : i32
    %dma_start3A_221 = arith.constant 0 : i32
    %dma_start3A_222 = tpu.memref_slice %arg7[%dma_start3A_218, %dma_start3A_220, %dma_start3A_221] : memref<12x125x32xf32, #tpu.memory_space<vmem>> -> memref<1x125x32xf32, #tpu.memory_space<vmem>>
    %dma_start3A_223 = tpu.memref_squeeze %dma_start3A_222 : memref<1x125x32xf32, #tpu.memory_space<vmem>> -> memref<125x32xf32, #tpu.memory_space<vmem>>
    %dma_start3A_224 = arith.constant 0 : i32
    %dma_start3A_225 = tpu.memref_slice %arg5[%dma_start3A_217, %dma_start3A_224] : memref<80x125xi32, #tpu.memory_space<vmem>> -> memref<1x125xi32, #tpu.memory_space<vmem>>
    %dma_start3A_226 = tpu.memref_squeeze %dma_start3A_225 : memref<1x125xi32, #tpu.memory_space<vmem>> -> memref<125xi32, #tpu.memory_space<vmem>>
    %dma_start3A_227 = arith.constant 0 : i32
    %dma_start3A_228 = arith.constant 0 : i32
    %dma_start3A_229 = tpu.memref_slice %arg2[%dma_start3A_227, %dma_start3A_228] : memref<10016x32xf32, #tpu.memory_space<hbm>> -> memref<10016x32xf32, #tpu.memory_space<hbm>>
    %dma_start3A_230 = tpu.memref_slice %arg10[%dma_start3A_219] : memref<12x!tpu.dma_semaphore, #tpu.memory_space<semaphore_mem>> -> memref<1x!tpu.dma_semaphore, #tpu.memory_space<semaphore_mem>>
    %dma_start3A_231 = tpu.memref_squeeze %dma_start3A_230 : memref<1x!tpu.dma_semaphore, #tpu.memory_space<semaphore_mem>> -> memref<!tpu.dma_semaphore, #tpu.memory_space<semaphore_mem>>
    tpu.enqueue_indirect_dma source(%dma_start3A_229 : memref<10016x32xf32, #tpu.memory_space<hbm>>) target(%dma_start3A_223 : memref<125x32xf32, #tpu.memory_space<vmem>>) offsets(%dma_start3A_226 : memref<125xi32, #tpu.memory_space<vmem>>) semaphore(%dma_start3A_231 : memref<!tpu.dma_semaphore, #tpu.memory_space<semaphore_mem>>)
    %dma_wait3A_232 = arith.constant 0 : i32
    %dma_wait3A_233 = arith.constant 1 : i32
    %dma_wait3A_234 = arith.constant 1 : i32
    %dma_wait3A_235 = arith.constant 0 : i32
    %dma_wait3A_236 = arith.constant 0 : i32
    %dma_wait3A_237 = tpu.memref_slice %arg7[%dma_wait3A_233, %dma_wait3A_235, %dma_wait3A_236] : memref<12x125x32xf32, #tpu.memory_space<vmem>> -> memref<1x125x32xf32, #tpu.memory_space<vmem>>
    %dma_wait3A_238 = tpu.memref_squeeze %dma_wait3A_237 : memref<1x125x32xf32, #tpu.memory_space<vmem>> -> memref<125x32xf32, #tpu.memory_space<vmem>>
    %dma_wait3A_239 = arith.constant 0 : i32
    %dma_wait3A_240 = tpu.memref_slice %arg5[%dma_wait3A_232, %dma_wait3A_239] : memref<80x125xi32, #tpu.memory_space<vmem>> -> memref<1x125xi32, #tpu.memory_space<vmem>>
    %dma_wait3A_241 = tpu.memref_squeeze %dma_wait3A_240 : memref<1x125xi32, #tpu.memory_space<vmem>> -> memref<125xi32, #tpu.memory_space<vmem>>
    %dma_wait3A_242 = arith.constant 0 : i32
    %dma_wait3A_243 = arith.constant 0 : i32
    %dma_wait3A_244 = tpu.memref_slice %arg2[%dma_wait3A_242, %dma_wait3A_243] : memref<10016x32xf32, #tpu.memory_space<hbm>> -> memref<10016x32xf32, #tpu.memory_space<hbm>>
    %dma_wait3A_245 = tpu.memref_slice %arg10[%dma_wait3A_234] : memref<12x!tpu.dma_semaphore, #tpu.memory_space<semaphore_mem>> -> memref<1x!tpu.dma_semaphore, #tpu.memory_space<semaphore_mem>>
    %dma_wait3A_246 = tpu.memref_squeeze %dma_wait3A_245 : memref<1x!tpu.dma_semaphore, #tpu.memory_space<semaphore_mem>> -> memref<!tpu.dma_semaphore, #tpu.memory_space<semaphore_mem>>
    tpu.wait_indirect_dma semaphore(%dma_wait3A_246 : memref<!tpu.dma_semaphore, #tpu.memory_space<semaphore_mem>>) src(%dma_wait3A_244 : memref<10016x32xf32, #tpu.memory_space<hbm>>) dst(%dma_wait3A_238 : memref<125x32xf32, #tpu.memory_space<vmem>>)
    %dma_start3A_247 = arith.constant 1 : i32
    %dma_start3A_248 = arith.constant 1 : i32
    %dma_start3A_249 = arith.constant 1 : i32
    %dma_start3A_250 = arith.constant 0 : i32
    %dma_start3A_251 = arith.constant 0 : i32
    %dma_start3A_252 = tpu.memref_slice %arg7[%dma_start3A_247, %dma_start3A_250, %dma_start3A_251] : memref<12x125x32xf32, #tpu.memory_space<vmem>> -> memref<1x125x32xf32, #tpu.memory_space<vmem>>
    %dma_start3A_253 = tpu.memref_squeeze %dma_start3A_252 : memref<1x125x32xf32, #tpu.memory_space<vmem>> -> memref<125x32xf32, #tpu.memory_space<vmem>>
    %dma_start3A_254 = arith.constant 0 : i32
    %dma_start3A_255 = tpu.memref_slice %arg6[%dma_start3A_248, %dma_start3A_254] : memref<80x125xi32, #tpu.memory_space<vmem>> -> memref<1x125xi32, #tpu.memory_space<vmem>>
    %dma_start3A_256 = tpu.memref_squeeze %dma_start3A_255 : memref<1x125xi32, #tpu.memory_space<vmem>> -> memref<125xi32, #tpu.memory_space<vmem>>
    %dma_start3A_257 = arith.constant 0 : i32
    %dma_start3A_258 = arith.constant 0 : i32
    %dma_start3A_259 = tpu.memref_slice %arg9[%dma_start3A_257, %dma_start3A_258] : memref<10016x32xf32, #tpu.memory_space<vmem_shared>> -> memref<10016x32xf32, #tpu.memory_space<vmem_shared>>
    %dma_start3A_260 = tpu.memref_slice %arg11[%dma_start3A_249] : memref<12x!tpu.dma_semaphore, #tpu.memory_space<semaphore_mem>> -> memref<1x!tpu.dma_semaphore, #tpu.memory_space<semaphore_mem>>
    %dma_start3A_261 = tpu.memref_squeeze %dma_start3A_260 : memref<1x!tpu.dma_semaphore, #tpu.memory_space<semaphore_mem>> -> memref<!tpu.dma_semaphore, #tpu.memory_space<semaphore_mem>>
    tpu.enqueue_indirect_dma source(%dma_start3A_253 : memref<125x32xf32, #tpu.memory_space<vmem>>) target(%dma_start3A_259 : memref<10016x32xf32, #tpu.memory_space<vmem_shared>>) offsets(%dma_start3A_256 : memref<125xi32, #tpu.memory_space<vmem>>) semaphore(%dma_start3A_261 : memref<!tpu.dma_semaphore, #tpu.memory_space<semaphore_mem>>) {add = true}
    %dma_start3A_262 = arith.constant 8 : i32
    %dma_start3A_263 = arith.constant 8 : i32
    %dma_start3A_264 = arith.constant 8 : i32
    %dma_start3A_265 = arith.constant 0 : i32
    %dma_start3A_266 = arith.constant 0 : i32
    %dma_start3A_267 = tpu.memref_slice %arg7[%dma_start3A_263, %dma_start3A_265, %dma_start3A_266] : memref<12x125x32xf32, #tpu.memory_space<vmem>> -> memref<1x125x32xf32, #tpu.memory_space<vmem>>
    %dma_start3A_268 = tpu.memref_squeeze %dma_start3A_267 : memref<1x125x32xf32, #tpu.memory_space<vmem>> -> memref<125x32xf32, #tpu.memory_space<vmem>>
    %dma_start3A_269 = arith.constant 0 : i32
    %dma_start3A_270 = tpu.memref_slice %arg5[%dma_start3A_262, %dma_start3A_269] : memref<80x125xi32, #tpu.memory_space<vmem>> -> memref<1x125xi32, #tpu.memory_space<vmem>>
    %dma_start3A_271 = tpu.memref_squeeze %dma_start3A_270 : memref<1x125xi32, #tpu.memory_space<vmem>> -> memref<125xi32, #tpu.memory_space<vmem>>
    %dma_start3A_272 = arith.constant 0 : i32
    %dma_start3A_273 = arith.constant 0 : i32
    %dma_start3A_274 = tpu.memref_slice %arg2[%dma_start3A_272, %dma_start3A_273] : memref<10016x32xf32, #tpu.memory_space<hbm>> -> memref<10016x32xf32, #tpu.memory_space<hbm>>
    %dma_start3A_275 = tpu.memref_slice %arg10[%dma_start3A_264] : memref<12x!tpu.dma_semaphore, #tpu.memory_space<semaphore_mem>> -> memref<1x!tpu.dma_semaphore, #tpu.memory_space<semaphore_mem>>
    %dma_start3A_276 = tpu.memref_squeeze %dma_start3A_275 : memref<1x!tpu.dma_semaphore, #tpu.memory_space<semaphore_mem>> -> memref<!tpu.dma_semaphore, #tpu.memory_space<semaphore_mem>>
    tpu.enqueue_indirect_dma source(%dma_start3A_274 : memref<10016x32xf32, #tpu.memory_space<hbm>>) target(%dma_start3A_268 : memref<125x32xf32, #tpu.memory_space<vmem>>) offsets(%dma_start3A_271 : memref<125xi32, #tpu.memory_space<vmem>>) semaphore(%dma_start3A_276 : memref<!tpu.dma_semaphore, #tpu.memory_space<semaphore_mem>>)
    %dma_wait3A_277 = arith.constant 0 : i32
    %dma_wait3A_278 = arith.constant 2 : i32
    %dma_wait3A_279 = arith.constant 2 : i32
    %dma_wait3A_280 = arith.constant 0 : i32
    %dma_wait3A_281 = arith.constant 0 : i32
    %dma_wait3A_282 = tpu.memref_slice %arg7[%dma_wait3A_278, %dma_wait3A_280, %dma_wait3A_281] : memref<12x125x32xf32, #tpu.memory_space<vmem>> -> memref<1x125x32xf32, #tpu.memory_space<vmem>>
    %dma_wait3A_283 = tpu.memref_squeeze %dma_wait3A_282 : memref<1x125x32xf32, #tpu.memory_space<vmem>> -> memref<125x32xf32, #tpu.memory_space<vmem>>
    %dma_wait3A_284 = arith.constant 0 : i32
    %dma_wait3A_285 = tpu.memref_slice %arg5[%dma_wait3A_277, %dma_wait3A_284] : memref<80x125xi32, #tpu.memory_space<vmem>> -> memref<1x125xi32, #tpu.memory_space<vmem>>
    %dma_wait3A_286 = tpu.memref_squeeze %dma_wait3A_285 : memref<1x125xi32, #tpu.memory_space<vmem>> -> memref<125xi32, #tpu.memory_space<vmem>>
    %dma_wait3A_287 = arith.constant 0 : i32
    %dma_wait3A_288 = arith.constant 0 : i32
    %dma_wait3A_289 = tpu.memref_slice %arg2[%dma_wait3A_287, %dma_wait3A_288] : memref<10016x32xf32, #tpu.memory_space<hbm>> -> memref<10016x32xf32, #tpu.memory_space<hbm>>
    %dma_wait3A_290 = tpu.memref_slice %arg10[%dma_wait3A_279] : memref<12x!tpu.dma_semaphore, #tpu.memory_space<semaphore_mem>> -> memref<1x!tpu.dma_semaphore, #tpu.memory_space<semaphore_mem>>
    %dma_wait3A_291 = tpu.memref_squeeze %dma_wait3A_290 : memref<1x!tpu.dma_semaphore, #tpu.memory_space<semaphore_mem>> -> memref<!tpu.dma_semaphore, #tpu.memory_space<semaphore_mem>>
    tpu.wait_indirect_dma semaphore(%dma_wait3A_291 : memref<!tpu.dma_semaphore, #tpu.memory_space<semaphore_mem>>) src(%dma_wait3A_289 : memref<10016x32xf32, #tpu.memory_space<hbm>>) dst(%dma_wait3A_283 : memref<125x32xf32, #tpu.memory_space<vmem>>)
    %dma_start3A_292 = arith.constant 2 : i32
    %dma_start3A_293 = arith.constant 2 : i32
    %dma_start3A_294 = arith.constant 2 : i32
    %dma_start3A_295 = arith.constant 0 : i32
    %dma_start3A_296 = arith.constant 0 : i32
    %dma_start3A_297 = tpu.memref_slice %arg7[%dma_start3A_292, %dma_start3A_295, %dma_start3A_296] : memref<12x125x32xf32, #tpu.memory_space<vmem>> -> memref<1x125x32xf32, #tpu.memory_space<vmem>>
    %dma_start3A_298 = tpu.memref_squeeze %dma_start3A_297 : memref<1x125x32xf32, #tpu.memory_space<vmem>> -> memref<125x32xf32, #tpu.memory_space<vmem>>
    %dma_start3A_299 = arith.constant 0 : i32
    %dma_start3A_300 = tpu.memref_slice %arg6[%dma_start3A_293, %dma_start3A_299] : memref<80x125xi32, #tpu.memory_space<vmem>> -> memref<1x125xi32, #tpu.memory_space<vmem>>
    %dma_start3A_301 = tpu.memref_squeeze %dma_start3A_300 : memref<1x125xi32, #tpu.memory_space<vmem>> -> memref<125xi32, #tpu.memory_space<vmem>>
    %dma_start3A_302 = arith.constant 0 : i32
    %dma_start3A_303 = arith.constant 0 : i32
    %dma_start3A_304 = tpu.memref_slice %arg9[%dma_start3A_302, %dma_start3A_303] : memref<10016x32xf32, #tpu.memory_space<vmem_shared>> -> memref<10016x32xf32, #tpu.memory_space<vmem_shared>>
    %dma_start3A_305 = tpu.memref_slice %arg11[%dma_start3A_294] : memref<12x!tpu.dma_semaphore, #tpu.memory_space<semaphore_mem>> -> memref<1x!tpu.dma_semaphore, #tpu.memory_space<semaphore_mem>>
    %dma_start3A_306 = tpu.memref_squeeze %dma_start3A_305 : memref<1x!tpu.dma_semaphore, #tpu.memory_space<semaphore_mem>> -> memref<!tpu.dma_semaphore, #tpu.memory_space<semaphore_mem>>
    tpu.enqueue_indirect_dma source(%dma_start3A_298 : memref<125x32xf32, #tpu.memory_space<vmem>>) target(%dma_start3A_304 : memref<10016x32xf32, #tpu.memory_space<vmem_shared>>) offsets(%dma_start3A_301 : memref<125xi32, #tpu.memory_space<vmem>>) semaphore(%dma_start3A_306 : memref<!tpu.dma_semaphore, #tpu.memory_space<semaphore_mem>>) {add = true}
    %dma_start3A_307 = arith.constant 9 : i32
    %dma_start3A_308 = arith.constant 9 : i32
    %dma_start3A_309 = arith.constant 9 : i32
    %dma_start3A_310 = arith.constant 0 : i32
    %dma_start3A_311 = arith.constant 0 : i32
    %dma_start3A_312 = tpu.memref_slice %arg7[%dma_start3A_308, %dma_start3A_310, %dma_start3A_311] : memref<12x125x32xf32, #tpu.memory_space<vmem>> -> memref<1x125x32xf32, #tpu.memory_space<vmem>>
    %dma_start3A_313 = tpu.memref_squeeze %dma_start3A_312 : memref<1x125x32xf32, #tpu.memory_space<vmem>> -> memref<125x32xf32, #tpu.memory_space<vmem>>
    %dma_start3A_314 = arith.constant 0 : i32
    %dma_start3A_315 = tpu.memref_slice %arg5[%dma_start3A_307, %dma_start3A_314] : memref<80x125xi32, #tpu.memory_space<vmem>> -> memref<1x125xi32, #tpu.memory_space<vmem>>
    %dma_start3A_316 = tpu.memref_squeeze %dma_start3A_315 : memref<1x125xi32, #tpu.memory_space<vmem>> -> memref<125xi32, #tpu.memory_space<vmem>>
    %dma_start3A_317 = arith.constant 0 : i32
    %dma_start3A_318 = arith.constant 0 : i32
    %dma_start3A_319 = tpu.memref_slice %arg2[%dma_start3A_317, %dma_start3A_318] : memref<10016x32xf32, #tpu.memory_space<hbm>> -> memref<10016x32xf32, #tpu.memory_space<hbm>>
    %dma_start3A_320 = tpu.memref_slice %arg10[%dma_start3A_309] : memref<12x!tpu.dma_semaphore, #tpu.memory_space<semaphore_mem>> -> memref<1x!tpu.dma_semaphore, #tpu.memory_space<semaphore_mem>>
    %dma_start3A_321 = tpu.memref_squeeze %dma_start3A_320 : memref<1x!tpu.dma_semaphore, #tpu.memory_space<semaphore_mem>> -> memref<!tpu.dma_semaphore, #tpu.memory_space<semaphore_mem>>
    tpu.enqueue_indirect_dma source(%dma_start3A_319 : memref<10016x32xf32, #tpu.memory_space<hbm>>) target(%dma_start3A_313 : memref<125x32xf32, #tpu.memory_space<vmem>>) offsets(%dma_start3A_316 : memref<125xi32, #tpu.memory_space<vmem>>) semaphore(%dma_start3A_321 : memref<!tpu.dma_semaphore, #tpu.memory_space<semaphore_mem>>)
    %dma_wait3A_322 = arith.constant 0 : i32
    %dma_wait3A_323 = arith.constant 3 : i32
    %dma_wait3A_324 = arith.constant 3 : i32
    %dma_wait3A_325 = arith.constant 0 : i32
    %dma_wait3A_326 = arith.constant 0 : i32
    %dma_wait3A_327 = tpu.memref_slice %arg7[%dma_wait3A_323, %dma_wait3A_325, %dma_wait3A_326] : memref<12x125x32xf32, #tpu.memory_space<vmem>> -> memref<1x125x32xf32, #tpu.memory_space<vmem>>
    %dma_wait3A_328 = tpu.memref_squeeze %dma_wait3A_327 : memref<1x125x32xf32, #tpu.memory_space<vmem>> -> memref<125x32xf32, #tpu.memory_space<vmem>>
    %dma_wait3A_329 = arith.constant 0 : i32
    %dma_wait3A_330 = tpu.memref_slice %arg5[%dma_wait3A_322, %dma_wait3A_329] : memref<80x125xi32, #tpu.memory_space<vmem>> -> memref<1x125xi32, #tpu.memory_space<vmem>>
    %dma_wait3A_331 = tpu.memref_squeeze %dma_wait3A_330 : memref<1x125xi32, #tpu.memory_space<vmem>> -> memref<125xi32, #tpu.memory_space<vmem>>
    %dma_wait3A_332 = arith.constant 0 : i32
    %dma_wait3A_333 = arith.constant 0 : i32
    %dma_wait3A_334 = tpu.memref_slice %arg2[%dma_wait3A_332, %dma_wait3A_333] : memref<10016x32xf32, #tpu.memory_space<hbm>> -> memref<10016x32xf32, #tpu.memory_space<hbm>>
    %dma_wait3A_335 = tpu.memref_slice %arg10[%dma_wait3A_324] : memref<12x!tpu.dma_semaphore, #tpu.memory_space<semaphore_mem>> -> memref<1x!tpu.dma_semaphore, #tpu.memory_space<semaphore_mem>>
    %dma_wait3A_336 = tpu.memref_squeeze %dma_wait3A_335 : memref<1x!tpu.dma_semaphore, #tpu.memory_space<semaphore_mem>> -> memref<!tpu.dma_semaphore, #tpu.memory_space<semaphore_mem>>
    tpu.wait_indirect_dma semaphore(%dma_wait3A_336 : memref<!tpu.dma_semaphore, #tpu.memory_space<semaphore_mem>>) src(%dma_wait3A_334 : memref<10016x32xf32, #tpu.memory_space<hbm>>) dst(%dma_wait3A_328 : memref<125x32xf32, #tpu.memory_space<vmem>>)
    %dma_start3A_337 = arith.constant 3 : i32
    %dma_start3A_338 = arith.constant 3 : i32
    %dma_start3A_339 = arith.constant 3 : i32
    %dma_start3A_340 = arith.constant 0 : i32
    %dma_start3A_341 = arith.constant 0 : i32
    %dma_start3A_342 = tpu.memref_slice %arg7[%dma_start3A_337, %dma_start3A_340, %dma_start3A_341] : memref<12x125x32xf32, #tpu.memory_space<vmem>> -> memref<1x125x32xf32, #tpu.memory_space<vmem>>
    %dma_start3A_343 = tpu.memref_squeeze %dma_start3A_342 : memref<1x125x32xf32, #tpu.memory_space<vmem>> -> memref<125x32xf32, #tpu.memory_space<vmem>>
    %dma_start3A_344 = arith.constant 0 : i32
    %dma_start3A_345 = tpu.memref_slice %arg6[%dma_start3A_338, %dma_start3A_344] : memref<80x125xi32, #tpu.memory_space<vmem>> -> memref<1x125xi32, #tpu.memory_space<vmem>>
    %dma_start3A_346 = tpu.memref_squeeze %dma_start3A_345 : memref<1x125xi32, #tpu.memory_space<vmem>> -> memref<125xi32, #tpu.memory_space<vmem>>
    %dma_start3A_347 = arith.constant 0 : i32
    %dma_start3A_348 = arith.constant 0 : i32
    %dma_start3A_349 = tpu.memref_slice %arg9[%dma_start3A_347, %dma_start3A_348] : memref<10016x32xf32, #tpu.memory_space<vmem_shared>> -> memref<10016x32xf32, #tpu.memory_space<vmem_shared>>
    %dma_start3A_350 = tpu.memref_slice %arg11[%dma_start3A_339] : memref<12x!tpu.dma_semaphore, #tpu.memory_space<semaphore_mem>> -> memref<1x!tpu.dma_semaphore, #tpu.memory_space<semaphore_mem>>
    %dma_start3A_351 = tpu.memref_squeeze %dma_start3A_350 : memref<1x!tpu.dma_semaphore, #tpu.memory_space<semaphore_mem>> -> memref<!tpu.dma_semaphore, #tpu.memory_space<semaphore_mem>>
    tpu.enqueue_indirect_dma source(%dma_start3A_343 : memref<125x32xf32, #tpu.memory_space<vmem>>) target(%dma_start3A_349 : memref<10016x32xf32, #tpu.memory_space<vmem_shared>>) offsets(%dma_start3A_346 : memref<125xi32, #tpu.memory_space<vmem>>) semaphore(%dma_start3A_351 : memref<!tpu.dma_semaphore, #tpu.memory_space<semaphore_mem>>) {add = true}
    %dma_start3A_352 = arith.constant 10 : i32
    %dma_start3A_353 = arith.constant 10 : i32
    %dma_start3A_354 = arith.constant 10 : i32
    %dma_start3A_355 = arith.constant 0 : i32
    %dma_start3A_356 = arith.constant 0 : i32
    %dma_start3A_357 = tpu.memref_slice %arg7[%dma_start3A_353, %dma_start3A_355, %dma_start3A_356] : memref<12x125x32xf32, #tpu.memory_space<vmem>> -> memref<1x125x32xf32, #tpu.memory_space<vmem>>
    %dma_start3A_358 = tpu.memref_squeeze %dma_start3A_357 : memref<1x125x32xf32, #tpu.memory_space<vmem>> -> memref<125x32xf32, #tpu.memory_space<vmem>>
    %dma_start3A_359 = arith.constant 0 : i32
    %dma_start3A_360 = tpu.memref_slice %arg5[%dma_start3A_352, %dma_start3A_359] : memref<80x125xi32, #tpu.memory_space<vmem>> -> memref<1x125xi32, #tpu.memory_space<vmem>>
    %dma_start3A_361 = tpu.memref_squeeze %dma_start3A_360 : memref<1x125xi32, #tpu.memory_space<vmem>> -> memref<125xi32, #tpu.memory_space<vmem>>
    %dma_start3A_362 = arith.constant 0 : i32
    %dma_start3A_363 = arith.constant 0 : i32
    %dma_start3A_364 = tpu.memref_slice %arg2[%dma_start3A_362, %dma_start3A_363] : memref<10016x32xf32, #tpu.memory_space<hbm>> -> memref<10016x32xf32, #tpu.memory_space<hbm>>
    %dma_start3A_365 = tpu.memref_slice %arg10[%dma_start3A_354] : memref<12x!tpu.dma_semaphore, #tpu.memory_space<semaphore_mem>> -> memref<1x!tpu.dma_semaphore, #tpu.memory_space<semaphore_mem>>
    %dma_start3A_366 = tpu.memref_squeeze %dma_start3A_365 : memref<1x!tpu.dma_semaphore, #tpu.memory_space<semaphore_mem>> -> memref<!tpu.dma_semaphore, #tpu.memory_space<semaphore_mem>>
    tpu.enqueue_indirect_dma source(%dma_start3A_364 : memref<10016x32xf32, #tpu.memory_space<hbm>>) target(%dma_start3A_358 : memref<125x32xf32, #tpu.memory_space<vmem>>) offsets(%dma_start3A_361 : memref<125xi32, #tpu.memory_space<vmem>>) semaphore(%dma_start3A_366 : memref<!tpu.dma_semaphore, #tpu.memory_space<semaphore_mem>>)
    %dma_wait3A_367 = arith.constant 0 : i32
    %dma_wait3A_368 = arith.constant 4 : i32
    %dma_wait3A_369 = arith.constant 4 : i32
    %dma_wait3A_370 = arith.constant 0 : i32
    %dma_wait3A_371 = arith.constant 0 : i32
    %dma_wait3A_372 = tpu.memref_slice %arg7[%dma_wait3A_368, %dma_wait3A_370, %dma_wait3A_371] : memref<12x125x32xf32, #tpu.memory_space<vmem>> -> memref<1x125x32xf32, #tpu.memory_space<vmem>>
    %dma_wait3A_373 = tpu.memref_squeeze %dma_wait3A_372 : memref<1x125x32xf32, #tpu.memory_space<vmem>> -> memref<125x32xf32, #tpu.memory_space<vmem>>
    %dma_wait3A_374 = arith.constant 0 : i32
    %dma_wait3A_375 = tpu.memref_slice %arg5[%dma_wait3A_367, %dma_wait3A_374] : memref<80x125xi32, #tpu.memory_space<vmem>> -> memref<1x125xi32, #tpu.memory_space<vmem>>
    %dma_wait3A_376 = tpu.memref_squeeze %dma_wait3A_375 : memref<1x125xi32, #tpu.memory_space<vmem>> -> memref<125xi32, #tpu.memory_space<vmem>>
    %dma_wait3A_377 = arith.constant 0 : i32
    %dma_wait3A_378 = arith.constant 0 : i32
    %dma_wait3A_379 = tpu.memref_slice %arg2[%dma_wait3A_377, %dma_wait3A_378] : memref<10016x32xf32, #tpu.memory_space<hbm>> -> memref<10016x32xf32, #tpu.memory_space<hbm>>
    %dma_wait3A_380 = tpu.memref_slice %arg10[%dma_wait3A_369] : memref<12x!tpu.dma_semaphore, #tpu.memory_space<semaphore_mem>> -> memref<1x!tpu.dma_semaphore, #tpu.memory_space<semaphore_mem>>
    %dma_wait3A_381 = tpu.memref_squeeze %dma_wait3A_380 : memref<1x!tpu.dma_semaphore, #tpu.memory_space<semaphore_mem>> -> memref<!tpu.dma_semaphore, #tpu.memory_space<semaphore_mem>>
    tpu.wait_indirect_dma semaphore(%dma_wait3A_381 : memref<!tpu.dma_semaphore, #tpu.memory_space<semaphore_mem>>) src(%dma_wait3A_379 : memref<10016x32xf32, #tpu.memory_space<hbm>>) dst(%dma_wait3A_373 : memref<125x32xf32, #tpu.memory_space<vmem>>)
    %dma_start3A_382 = arith.constant 4 : i32
    %dma_start3A_383 = arith.constant 4 : i32
    %dma_start3A_384 = arith.constant 4 : i32
    %dma_start3A_385 = arith.constant 0 : i32
    %dma_start3A_386 = arith.constant 0 : i32
    %dma_start3A_387 = tpu.memref_slice %arg7[%dma_start3A_382, %dma_start3A_385, %dma_start3A_386] : memref<12x125x32xf32, #tpu.memory_space<vmem>> -> memref<1x125x32xf32, #tpu.memory_space<vmem>>
    %dma_start3A_388 = tpu.memref_squeeze %dma_start3A_387 : memref<1x125x32xf32, #tpu.memory_space<vmem>> -> memref<125x32xf32, #tpu.memory_space<vmem>>
    %dma_start3A_389 = arith.constant 0 : i32
    %dma_start3A_390 = tpu.memref_slice %arg6[%dma_start3A_383, %dma_start3A_389] : memref<80x125xi32, #tpu.memory_space<vmem>> -> memref<1x125xi32, #tpu.memory_space<vmem>>
    %dma_start3A_391 = tpu.memref_squeeze %dma_start3A_390 : memref<1x125xi32, #tpu.memory_space<vmem>> -> memref<125xi32, #tpu.memory_space<vmem>>
    %dma_start3A_392 = arith.constant 0 : i32
    %dma_start3A_393 = arith.constant 0 : i32
    %dma_start3A_394 = tpu.memref_slice %arg9[%dma_start3A_392, %dma_start3A_393] : memref<10016x32xf32, #tpu.memory_space<vmem_shared>> -> memref<10016x32xf32, #tpu.memory_space<vmem_shared>>
    %dma_start3A_395 = tpu.memref_slice %arg11[%dma_start3A_384] : memref<12x!tpu.dma_semaphore, #tpu.memory_space<semaphore_mem>> -> memref<1x!tpu.dma_semaphore, #tpu.memory_space<semaphore_mem>>
    %dma_start3A_396 = tpu.memref_squeeze %dma_start3A_395 : memref<1x!tpu.dma_semaphore, #tpu.memory_space<semaphore_mem>> -> memref<!tpu.dma_semaphore, #tpu.memory_space<semaphore_mem>>
    tpu.enqueue_indirect_dma source(%dma_start3A_388 : memref<125x32xf32, #tpu.memory_space<vmem>>) target(%dma_start3A_394 : memref<10016x32xf32, #tpu.memory_space<vmem_shared>>) offsets(%dma_start3A_391 : memref<125xi32, #tpu.memory_space<vmem>>) semaphore(%dma_start3A_396 : memref<!tpu.dma_semaphore, #tpu.memory_space<semaphore_mem>>) {add = true}
    %dma_start3A_397 = arith.constant 11 : i32
    %dma_start3A_398 = arith.constant 11 : i32
    %dma_start3A_399 = arith.constant 11 : i32
    %dma_start3A_400 = arith.constant 0 : i32
    %dma_start3A_401 = arith.constant 0 : i32
    %dma_start3A_402 = tpu.memref_slice %arg7[%dma_start3A_398, %dma_start3A_400, %dma_start3A_401] : memref<12x125x32xf32, #tpu.memory_space<vmem>> -> memref<1x125x32xf32, #tpu.memory_space<vmem>>
    %dma_start3A_403 = tpu.memref_squeeze %dma_start3A_402 : memref<1x125x32xf32, #tpu.memory_space<vmem>> -> memref<125x32xf32, #tpu.memory_space<vmem>>
    %dma_start3A_404 = arith.constant 0 : i32
    %dma_start3A_405 = tpu.memref_slice %arg5[%dma_start3A_397, %dma_start3A_404] : memref<80x125xi32, #tpu.memory_space<vmem>> -> memref<1x125xi32, #tpu.memory_space<vmem>>
    %dma_start3A_406 = tpu.memref_squeeze %dma_start3A_405 : memref<1x125xi32, #tpu.memory_space<vmem>> -> memref<125xi32, #tpu.memory_space<vmem>>
    %dma_start3A_407 = arith.constant 0 : i32
    %dma_start3A_408 = arith.constant 0 : i32
    %dma_start3A_409 = tpu.memref_slice %arg2[%dma_start3A_407, %dma_start3A_408] : memref<10016x32xf32, #tpu.memory_space<hbm>> -> memref<10016x32xf32, #tpu.memory_space<hbm>>
    %dma_start3A_410 = tpu.memref_slice %arg10[%dma_start3A_399] : memref<12x!tpu.dma_semaphore, #tpu.memory_space<semaphore_mem>> -> memref<1x!tpu.dma_semaphore, #tpu.memory_space<semaphore_mem>>
    %dma_start3A_411 = tpu.memref_squeeze %dma_start3A_410 : memref<1x!tpu.dma_semaphore, #tpu.memory_space<semaphore_mem>> -> memref<!tpu.dma_semaphore, #tpu.memory_space<semaphore_mem>>
    tpu.enqueue_indirect_dma source(%dma_start3A_409 : memref<10016x32xf32, #tpu.memory_space<hbm>>) target(%dma_start3A_403 : memref<125x32xf32, #tpu.memory_space<vmem>>) offsets(%dma_start3A_406 : memref<125xi32, #tpu.memory_space<vmem>>) semaphore(%dma_start3A_411 : memref<!tpu.dma_semaphore, #tpu.memory_space<semaphore_mem>>)
    %dma_wait3A_412 = arith.constant 0 : i32
    %dma_wait3A_413 = arith.constant 5 : i32
    %dma_wait3A_414 = arith.constant 5 : i32
    %dma_wait3A_415 = arith.constant 0 : i32
    %dma_wait3A_416 = arith.constant 0 : i32
    %dma_wait3A_417 = tpu.memref_slice %arg7[%dma_wait3A_413, %dma_wait3A_415, %dma_wait3A_416] : memref<12x125x32xf32, #tpu.memory_space<vmem>> -> memref<1x125x32xf32, #tpu.memory_space<vmem>>
    %dma_wait3A_418 = tpu.memref_squeeze %dma_wait3A_417 : memref<1x125x32xf32, #tpu.memory_space<vmem>> -> memref<125x32xf32, #tpu.memory_space<vmem>>
    %dma_wait3A_419 = arith.constant 0 : i32
    %dma_wait3A_420 = tpu.memref_slice %arg5[%dma_wait3A_412, %dma_wait3A_419] : memref<80x125xi32, #tpu.memory_space<vmem>> -> memref<1x125xi32, #tpu.memory_space<vmem>>
    %dma_wait3A_421 = tpu.memref_squeeze %dma_wait3A_420 : memref<1x125xi32, #tpu.memory_space<vmem>> -> memref<125xi32, #tpu.memory_space<vmem>>
    %dma_wait3A_422 = arith.constant 0 : i32
    %dma_wait3A_423 = arith.constant 0 : i32
    %dma_wait3A_424 = tpu.memref_slice %arg2[%dma_wait3A_422, %dma_wait3A_423] : memref<10016x32xf32, #tpu.memory_space<hbm>> -> memref<10016x32xf32, #tpu.memory_space<hbm>>
    %dma_wait3A_425 = tpu.memref_slice %arg10[%dma_wait3A_414] : memref<12x!tpu.dma_semaphore, #tpu.memory_space<semaphore_mem>> -> memref<1x!tpu.dma_semaphore, #tpu.memory_space<semaphore_mem>>
    %dma_wait3A_426 = tpu.memref_squeeze %dma_wait3A_425 : memref<1x!tpu.dma_semaphore, #tpu.memory_space<semaphore_mem>> -> memref<!tpu.dma_semaphore, #tpu.memory_space<semaphore_mem>>
    tpu.wait_indirect_dma semaphore(%dma_wait3A_426 : memref<!tpu.dma_semaphore, #tpu.memory_space<semaphore_mem>>) src(%dma_wait3A_424 : memref<10016x32xf32, #tpu.memory_space<hbm>>) dst(%dma_wait3A_418 : memref<125x32xf32, #tpu.memory_space<vmem>>)
    %dma_start3A_427 = arith.constant 5 : i32
    %dma_start3A_428 = arith.constant 5 : i32
    %dma_start3A_429 = arith.constant 5 : i32
    %dma_start3A_430 = arith.constant 0 : i32
    %dma_start3A_431 = arith.constant 0 : i32
    %dma_start3A_432 = tpu.memref_slice %arg7[%dma_start3A_427, %dma_start3A_430, %dma_start3A_431] : memref<12x125x32xf32, #tpu.memory_space<vmem>> -> memref<1x125x32xf32, #tpu.memory_space<vmem>>
    %dma_start3A_433 = tpu.memref_squeeze %dma_start3A_432 : memref<1x125x32xf32, #tpu.memory_space<vmem>> -> memref<125x32xf32, #tpu.memory_space<vmem>>
    %dma_start3A_434 = arith.constant 0 : i32
    %dma_start3A_435 = tpu.memref_slice %arg6[%dma_start3A_428, %dma_start3A_434] : memref<80x125xi32, #tpu.memory_space<vmem>> -> memref<1x125xi32, #tpu.memory_space<vmem>>
    %dma_start3A_436 = tpu.memref_squeeze %dma_start3A_435 : memref<1x125xi32, #tpu.memory_space<vmem>> -> memref<125xi32, #tpu.memory_space<vmem>>
    %dma_start3A_437 = arith.constant 0 : i32
    %dma_start3A_438 = arith.constant 0 : i32
    %dma_start3A_439 = tpu.memref_slice %arg9[%dma_start3A_437, %dma_start3A_438] : memref<10016x32xf32, #tpu.memory_space<vmem_shared>> -> memref<10016x32xf32, #tpu.memory_space<vmem_shared>>
    %dma_start3A_440 = tpu.memref_slice %arg11[%dma_start3A_429] : memref<12x!tpu.dma_semaphore, #tpu.memory_space<semaphore_mem>> -> memref<1x!tpu.dma_semaphore, #tpu.memory_space<semaphore_mem>>
    %dma_start3A_441 = tpu.memref_squeeze %dma_start3A_440 : memref<1x!tpu.dma_semaphore, #tpu.memory_space<semaphore_mem>> -> memref<!tpu.dma_semaphore, #tpu.memory_space<semaphore_mem>>
    tpu.enqueue_indirect_dma source(%dma_start3A_433 : memref<125x32xf32, #tpu.memory_space<vmem>>) target(%dma_start3A_439 : memref<10016x32xf32, #tpu.memory_space<vmem_shared>>) offsets(%dma_start3A_436 : memref<125xi32, #tpu.memory_space<vmem>>) semaphore(%dma_start3A_441 : memref<!tpu.dma_semaphore, #tpu.memory_space<semaphore_mem>>) {add = true}
    %scan3A_442 = arith.constant 0 : i32
    %scan3A_443 = arith.constant 68 : i32
    %scan3A_444 = arith.addi %scan3A_442, %scan3A_443 : i32
    %scan3A_445 = arith.constant 1 : i32
    scf.for %scan3A_808 = %scan3A_442 to %scan3A_444 step %scan3A_445  : i32 {
      %mul3A_809 = arith.constant 1 : i32
      %mul3A_810 = arith.muli %scan3A_808, %mul3A_809 : i32
      %add3A_811 = arith.constant 6 : i32
      %add3A_812 = arith.addi %add3A_811, %mul3A_810 : i32
      %rem3A = arith.constant 12 : i32
      %rem3A_813 = arith.remsi %add3A_812, %rem3A : i32
      %add3A_814 = arith.constant 6 : i32
      %add3A_815 = arith.addi %add3A_812, %add3A_814 : i32
      %rem3A_816 = arith.constant 12 : i32
      %rem3A_817 = arith.remsi %add3A_815, %rem3A_816 : i32
      %dma_wait3A_818 = arith.constant 0 : i32
      %dma_wait3A_819 = arith.constant 0 : i32
      %dma_wait3A_820 = arith.constant 0 : i32
      %dma_wait3A_821 = tpu.memref_slice %arg7[%rem3A_817, %dma_wait3A_819, %dma_wait3A_820] : memref<12x125x32xf32, #tpu.memory_space<vmem>> -> memref<1x125x32xf32, #tpu.memory_space<vmem>>
      %dma_wait3A_822 = tpu.memref_squeeze %dma_wait3A_821 : memref<1x125x32xf32, #tpu.memory_space<vmem>> -> memref<125x32xf32, #tpu.memory_space<vmem>>
      %dma_wait3A_823 = arith.constant 0 : i32
      %dma_wait3A_824 = tpu.memref_slice %arg6[%dma_wait3A_818, %dma_wait3A_823] : memref<80x125xi32, #tpu.memory_space<vmem>> -> memref<1x125xi32, #tpu.memory_space<vmem>>
      %dma_wait3A_825 = tpu.memref_squeeze %dma_wait3A_824 : memref<1x125xi32, #tpu.memory_space<vmem>> -> memref<125xi32, #tpu.memory_space<vmem>>
      %dma_wait3A_826 = arith.constant 0 : i32
      %dma_wait3A_827 = arith.constant 0 : i32
      %dma_wait3A_828 = tpu.memref_slice %arg9[%dma_wait3A_826, %dma_wait3A_827] : memref<10016x32xf32, #tpu.memory_space<vmem_shared>> -> memref<10016x32xf32, #tpu.memory_space<vmem_shared>>
      %dma_wait3A_829 = tpu.memref_slice %arg11[%rem3A_817] : memref<12x!tpu.dma_semaphore, #tpu.memory_space<semaphore_mem>> -> memref<1x!tpu.dma_semaphore, #tpu.memory_space<semaphore_mem>>
      %dma_wait3A_830 = tpu.memref_squeeze %dma_wait3A_829 : memref<1x!tpu.dma_semaphore, #tpu.memory_space<semaphore_mem>> -> memref<!tpu.dma_semaphore, #tpu.memory_space<semaphore_mem>>
      tpu.wait_indirect_dma semaphore(%dma_wait3A_830 : memref<!tpu.dma_semaphore, #tpu.memory_space<semaphore_mem>>) src(%dma_wait3A_822 : memref<125x32xf32, #tpu.memory_space<vmem>>) dst(%dma_wait3A_828 : memref<10016x32xf32, #tpu.memory_space<vmem_shared>>)
      %add3A_831 = arith.constant 6 : i32
      %add3A_832 = arith.addi %add3A_812, %add3A_831 : i32
      %dma_start3A_833 = arith.constant 0 : i32
      %dma_start3A_834 = arith.constant 0 : i32
      %dma_start3A_835 = tpu.memref_slice %arg7[%rem3A_817, %dma_start3A_833, %dma_start3A_834] : memref<12x125x32xf32, #tpu.memory_space<vmem>> -> memref<1x125x32xf32, #tpu.memory_space<vmem>>
      %dma_start3A_836 = tpu.memref_squeeze %dma_start3A_835 : memref<1x125x32xf32, #tpu.memory_space<vmem>> -> memref<125x32xf32, #tpu.memory_space<vmem>>
      %dma_start3A_837 = arith.constant 0 : i32
      %dma_start3A_838 = tpu.memref_slice %arg5[%add3A_832, %dma_start3A_837] : memref<80x125xi32, #tpu.memory_space<vmem>> -> memref<1x125xi32, #tpu.memory_space<vmem>>
      %dma_start3A_839 = tpu.memref_squeeze %dma_start3A_838 : memref<1x125xi32, #tpu.memory_space<vmem>> -> memref<125xi32, #tpu.memory_space<vmem>>
      %dma_start3A_840 = arith.constant 0 : i32
      %dma_start3A_841 = arith.constant 0 : i32
      %dma_start3A_842 = tpu.memref_slice %arg2[%dma_start3A_840, %dma_start3A_841] : memref<10016x32xf32, #tpu.memory_space<hbm>> -> memref<10016x32xf32, #tpu.memory_space<hbm>>
      %dma_start3A_843 = tpu.memref_slice %arg10[%rem3A_817] : memref<12x!tpu.dma_semaphore, #tpu.memory_space<semaphore_mem>> -> memref<1x!tpu.dma_semaphore, #tpu.memory_space<semaphore_mem>>
      %dma_start3A_844 = tpu.memref_squeeze %dma_start3A_843 : memref<1x!tpu.dma_semaphore, #tpu.memory_space<semaphore_mem>> -> memref<!tpu.dma_semaphore, #tpu.memory_space<semaphore_mem>>
      tpu.enqueue_indirect_dma source(%dma_start3A_842 : memref<10016x32xf32, #tpu.memory_space<hbm>>) target(%dma_start3A_836 : memref<125x32xf32, #tpu.memory_space<vmem>>) offsets(%dma_start3A_839 : memref<125xi32, #tpu.memory_space<vmem>>) semaphore(%dma_start3A_844 : memref<!tpu.dma_semaphore, #tpu.memory_space<semaphore_mem>>)
      %dma_wait3A_845 = arith.constant 0 : i32
      %dma_wait3A_846 = arith.constant 0 : i32
      %dma_wait3A_847 = arith.constant 0 : i32
      %dma_wait3A_848 = tpu.memref_slice %arg7[%rem3A_813, %dma_wait3A_846, %dma_wait3A_847] : memref<12x125x32xf32, #tpu.memory_space<vmem>> -> memref<1x125x32xf32, #tpu.memory_space<vmem>>
      %dma_wait3A_849 = tpu.memref_squeeze %dma_wait3A_848 : memref<1x125x32xf32, #tpu.memory_space<vmem>> -> memref<125x32xf32, #tpu.memory_space<vmem>>
      %dma_wait3A_850 = arith.constant 0 : i32
      %dma_wait3A_851 = tpu.memref_slice %arg5[%dma_wait3A_845, %dma_wait3A_850] : memref<80x125xi32, #tpu.memory_space<vmem>> -> memref<1x125xi32, #tpu.memory_space<vmem>>
      %dma_wait3A_852 = tpu.memref_squeeze %dma_wait3A_851 : memref<1x125xi32, #tpu.memory_space<vmem>> -> memref<125xi32, #tpu.memory_space<vmem>>
      %dma_wait3A_853 = arith.constant 0 : i32
      %dma_wait3A_854 = arith.constant 0 : i32
      %dma_wait3A_855 = tpu.memref_slice %arg2[%dma_wait3A_853, %dma_wait3A_854] : memref<10016x32xf32, #tpu.memory_space<hbm>> -> memref<10016x32xf32, #tpu.memory_space<hbm>>
      %dma_wait3A_856 = tpu.memref_slice %arg10[%rem3A_813] : memref<12x!tpu.dma_semaphore, #tpu.memory_space<semaphore_mem>> -> memref<1x!tpu.dma_semaphore, #tpu.memory_space<semaphore_mem>>
      %dma_wait3A_857 = tpu.memref_squeeze %dma_wait3A_856 : memref<1x!tpu.dma_semaphore, #tpu.memory_space<semaphore_mem>> -> memref<!tpu.dma_semaphore, #tpu.memory_space<semaphore_mem>>
      tpu.wait_indirect_dma semaphore(%dma_wait3A_857 : memref<!tpu.dma_semaphore, #tpu.memory_space<semaphore_mem>>) src(%dma_wait3A_855 : memref<10016x32xf32, #tpu.memory_space<hbm>>) dst(%dma_wait3A_849 : memref<125x32xf32, #tpu.memory_space<vmem>>)
      %dma_start3A_858 = arith.constant 0 : i32
      %dma_start3A_859 = arith.constant 0 : i32
      %dma_start3A_860 = tpu.memref_slice %arg7[%rem3A_813, %dma_start3A_858, %dma_start3A_859] : memref<12x125x32xf32, #tpu.memory_space<vmem>> -> memref<1x125x32xf32, #tpu.memory_space<vmem>>
      %dma_start3A_861 = tpu.memref_squeeze %dma_start3A_860 : memref<1x125x32xf32, #tpu.memory_space<vmem>> -> memref<125x32xf32, #tpu.memory_space<vmem>>
      %dma_start3A_862 = arith.constant 0 : i32
      %dma_start3A_863 = tpu.memref_slice %arg6[%add3A_812, %dma_start3A_862] : memref<80x125xi32, #tpu.memory_space<vmem>> -> memref<1x125xi32, #tpu.memory_space<vmem>>
      %dma_start3A_864 = tpu.memref_squeeze %dma_start3A_863 : memref<1x125xi32, #tpu.memory_space<vmem>> -> memref<125xi32, #tpu.memory_space<vmem>>
      %dma_start3A_865 = arith.constant 0 : i32
      %dma_start3A_866 = arith.constant 0 : i32
      %dma_start3A_867 = tpu.memref_slice %arg9[%dma_start3A_865, %dma_start3A_866] : memref<10016x32xf32, #tpu.memory_space<vmem_shared>> -> memref<10016x32xf32, #tpu.memory_space<vmem_shared>>
      %dma_start3A_868 = tpu.memref_slice %arg11[%rem3A_813] : memref<12x!tpu.dma_semaphore, #tpu.memory_space<semaphore_mem>> -> memref<1x!tpu.dma_semaphore, #tpu.memory_space<semaphore_mem>>
      %dma_start3A_869 = tpu.memref_squeeze %dma_start3A_868 : memref<1x!tpu.dma_semaphore, #tpu.memory_space<semaphore_mem>> -> memref<!tpu.dma_semaphore, #tpu.memory_space<semaphore_mem>>
      tpu.enqueue_indirect_dma source(%dma_start3A_861 : memref<125x32xf32, #tpu.memory_space<vmem>>) target(%dma_start3A_867 : memref<10016x32xf32, #tpu.memory_space<vmem_shared>>) offsets(%dma_start3A_864 : memref<125xi32, #tpu.memory_space<vmem>>) semaphore(%dma_start3A_869 : memref<!tpu.dma_semaphore, #tpu.memory_space<semaphore_mem>>) {add = true}
    }
    %scan3A_446 = arith.constant 68 : i32
    %dma_wait3A_447 = arith.constant 0 : i32
    %dma_wait3A_448 = arith.constant 2 : i32
    %dma_wait3A_449 = arith.constant 2 : i32
    %dma_wait3A_450 = arith.constant 0 : i32
    %dma_wait3A_451 = arith.constant 0 : i32
    %dma_wait3A_452 = tpu.memref_slice %arg7[%dma_wait3A_448, %dma_wait3A_450, %dma_wait3A_451] : memref<12x125x32xf32, #tpu.memory_space<vmem>> -> memref<1x125x32xf32, #tpu.memory_space<vmem>>
    %dma_wait3A_453 = tpu.memref_squeeze %dma_wait3A_452 : memref<1x125x32xf32, #tpu.memory_space<vmem>> -> memref<125x32xf32, #tpu.memory_space<vmem>>
    %dma_wait3A_454 = arith.constant 0 : i32
    %dma_wait3A_455 = tpu.memref_slice %arg5[%dma_wait3A_447, %dma_wait3A_454] : memref<80x125xi32, #tpu.memory_space<vmem>> -> memref<1x125xi32, #tpu.memory_space<vmem>>
    %dma_wait3A_456 = tpu.memref_squeeze %dma_wait3A_455 : memref<1x125xi32, #tpu.memory_space<vmem>> -> memref<125xi32, #tpu.memory_space<vmem>>
    %dma_wait3A_457 = arith.constant 0 : i32
    %dma_wait3A_458 = arith.constant 0 : i32
    %dma_wait3A_459 = tpu.memref_slice %arg2[%dma_wait3A_457, %dma_wait3A_458] : memref<10016x32xf32, #tpu.memory_space<hbm>> -> memref<10016x32xf32, #tpu.memory_space<hbm>>
    %dma_wait3A_460 = tpu.memref_slice %arg10[%dma_wait3A_449] : memref<12x!tpu.dma_semaphore, #tpu.memory_space<semaphore_mem>> -> memref<1x!tpu.dma_semaphore, #tpu.memory_space<semaphore_mem>>
    %dma_wait3A_461 = tpu.memref_squeeze %dma_wait3A_460 : memref<1x!tpu.dma_semaphore, #tpu.memory_space<semaphore_mem>> -> memref<!tpu.dma_semaphore, #tpu.memory_space<semaphore_mem>>
    tpu.wait_indirect_dma semaphore(%dma_wait3A_461 : memref<!tpu.dma_semaphore, #tpu.memory_space<semaphore_mem>>) src(%dma_wait3A_459 : memref<10016x32xf32, #tpu.memory_space<hbm>>) dst(%dma_wait3A_453 : memref<125x32xf32, #tpu.memory_space<vmem>>)
    %dma_start3A_462 = arith.constant 2 : i32
    %dma_start3A_463 = arith.constant 74 : i32
    %dma_start3A_464 = arith.constant 2 : i32
    %dma_start3A_465 = arith.constant 0 : i32
    %dma_start3A_466 = arith.constant 0 : i32
    %dma_start3A_467 = tpu.memref_slice %arg7[%dma_start3A_462, %dma_start3A_465, %dma_start3A_466] : memref<12x125x32xf32, #tpu.memory_space<vmem>> -> memref<1x125x32xf32, #tpu.memory_space<vmem>>
    %dma_start3A_468 = tpu.memref_squeeze %dma_start3A_467 : memref<1x125x32xf32, #tpu.memory_space<vmem>> -> memref<125x32xf32, #tpu.memory_space<vmem>>
    %dma_start3A_469 = arith.constant 0 : i32
    %dma_start3A_470 = tpu.memref_slice %arg6[%dma_start3A_463, %dma_start3A_469] : memref<80x125xi32, #tpu.memory_space<vmem>> -> memref<1x125xi32, #tpu.memory_space<vmem>>
    %dma_start3A_471 = tpu.memref_squeeze %dma_start3A_470 : memref<1x125xi32, #tpu.memory_space<vmem>> -> memref<125xi32, #tpu.memory_space<vmem>>
    %dma_start3A_472 = arith.constant 0 : i32
    %dma_start3A_473 = arith.constant 0 : i32
    %dma_start3A_474 = tpu.memref_slice %arg9[%dma_start3A_472, %dma_start3A_473] : memref<10016x32xf32, #tpu.memory_space<vmem_shared>> -> memref<10016x32xf32, #tpu.memory_space<vmem_shared>>
    %dma_start3A_475 = tpu.memref_slice %arg11[%dma_start3A_464] : memref<12x!tpu.dma_semaphore, #tpu.memory_space<semaphore_mem>> -> memref<1x!tpu.dma_semaphore, #tpu.memory_space<semaphore_mem>>
    %dma_start3A_476 = tpu.memref_squeeze %dma_start3A_475 : memref<1x!tpu.dma_semaphore, #tpu.memory_space<semaphore_mem>> -> memref<!tpu.dma_semaphore, #tpu.memory_space<semaphore_mem>>
    tpu.enqueue_indirect_dma source(%dma_start3A_468 : memref<125x32xf32, #tpu.memory_space<vmem>>) target(%dma_start3A_474 : memref<10016x32xf32, #tpu.memory_space<vmem_shared>>) offsets(%dma_start3A_471 : memref<125xi32, #tpu.memory_space<vmem>>) semaphore(%dma_start3A_476 : memref<!tpu.dma_semaphore, #tpu.memory_space<semaphore_mem>>) {add = true}
    %dma_wait3A_477 = arith.constant 0 : i32
    %dma_wait3A_478 = arith.constant 3 : i32
    %dma_wait3A_479 = arith.constant 3 : i32
    %dma_wait3A_480 = arith.constant 0 : i32
    %dma_wait3A_481 = arith.constant 0 : i32
    %dma_wait3A_482 = tpu.memref_slice %arg7[%dma_wait3A_478, %dma_wait3A_480, %dma_wait3A_481] : memref<12x125x32xf32, #tpu.memory_space<vmem>> -> memref<1x125x32xf32, #tpu.memory_space<vmem>>
    %dma_wait3A_483 = tpu.memref_squeeze %dma_wait3A_482 : memref<1x125x32xf32, #tpu.memory_space<vmem>> -> memref<125x32xf32, #tpu.memory_space<vmem>>
    %dma_wait3A_484 = arith.constant 0 : i32
    %dma_wait3A_485 = tpu.memref_slice %arg5[%dma_wait3A_477, %dma_wait3A_484] : memref<80x125xi32, #tpu.memory_space<vmem>> -> memref<1x125xi32, #tpu.memory_space<vmem>>
    %dma_wait3A_486 = tpu.memref_squeeze %dma_wait3A_485 : memref<1x125xi32, #tpu.memory_space<vmem>> -> memref<125xi32, #tpu.memory_space<vmem>>
    %dma_wait3A_487 = arith.constant 0 : i32
    %dma_wait3A_488 = arith.constant 0 : i32
    %dma_wait3A_489 = tpu.memref_slice %arg2[%dma_wait3A_487, %dma_wait3A_488] : memref<10016x32xf32, #tpu.memory_space<hbm>> -> memref<10016x32xf32, #tpu.memory_space<hbm>>
    %dma_wait3A_490 = tpu.memref_slice %arg10[%dma_wait3A_479] : memref<12x!tpu.dma_semaphore, #tpu.memory_space<semaphore_mem>> -> memref<1x!tpu.dma_semaphore, #tpu.memory_space<semaphore_mem>>
    %dma_wait3A_491 = tpu.memref_squeeze %dma_wait3A_490 : memref<1x!tpu.dma_semaphore, #tpu.memory_space<semaphore_mem>> -> memref<!tpu.dma_semaphore, #tpu.memory_space<semaphore_mem>>
    tpu.wait_indirect_dma semaphore(%dma_wait3A_491 : memref<!tpu.dma_semaphore, #tpu.memory_space<semaphore_mem>>) src(%dma_wait3A_489 : memref<10016x32xf32, #tpu.memory_space<hbm>>) dst(%dma_wait3A_483 : memref<125x32xf32, #tpu.memory_space<vmem>>)
    %dma_start3A_492 = arith.constant 3 : i32
    %dma_start3A_493 = arith.constant 75 : i32
    %dma_start3A_494 = arith.constant 3 : i32
    %dma_start3A_495 = arith.constant 0 : i32
    %dma_start3A_496 = arith.constant 0 : i32
    %dma_start3A_497 = tpu.memref_slice %arg7[%dma_start3A_492, %dma_start3A_495, %dma_start3A_496] : memref<12x125x32xf32, #tpu.memory_space<vmem>> -> memref<1x125x32xf32, #tpu.memory_space<vmem>>
    %dma_start3A_498 = tpu.memref_squeeze %dma_start3A_497 : memref<1x125x32xf32, #tpu.memory_space<vmem>> -> memref<125x32xf32, #tpu.memory_space<vmem>>
    %dma_start3A_499 = arith.constant 0 : i32
    %dma_start3A_500 = tpu.memref_slice %arg6[%dma_start3A_493, %dma_start3A_499] : memref<80x125xi32, #tpu.memory_space<vmem>> -> memref<1x125xi32, #tpu.memory_space<vmem>>
    %dma_start3A_501 = tpu.memref_squeeze %dma_start3A_500 : memref<1x125xi32, #tpu.memory_space<vmem>> -> memref<125xi32, #tpu.memory_space<vmem>>
    %dma_start3A_502 = arith.constant 0 : i32
    %dma_start3A_503 = arith.constant 0 : i32
    %dma_start3A_504 = tpu.memref_slice %arg9[%dma_start3A_502, %dma_start3A_503] : memref<10016x32xf32, #tpu.memory_space<vmem_shared>> -> memref<10016x32xf32, #tpu.memory_space<vmem_shared>>
    %dma_start3A_505 = tpu.memref_slice %arg11[%dma_start3A_494] : memref<12x!tpu.dma_semaphore, #tpu.memory_space<semaphore_mem>> -> memref<1x!tpu.dma_semaphore, #tpu.memory_space<semaphore_mem>>
    %dma_start3A_506 = tpu.memref_squeeze %dma_start3A_505 : memref<1x!tpu.dma_semaphore, #tpu.memory_space<semaphore_mem>> -> memref<!tpu.dma_semaphore, #tpu.memory_space<semaphore_mem>>
    tpu.enqueue_indirect_dma source(%dma_start3A_498 : memref<125x32xf32, #tpu.memory_space<vmem>>) target(%dma_start3A_504 : memref<10016x32xf32, #tpu.memory_space<vmem_shared>>) offsets(%dma_start3A_501 : memref<125xi32, #tpu.memory_space<vmem>>) semaphore(%dma_start3A_506 : memref<!tpu.dma_semaphore, #tpu.memory_space<semaphore_mem>>) {add = true}
    %dma_wait3A_507 = arith.constant 0 : i32
    %dma_wait3A_508 = arith.constant 4 : i32
    %dma_wait3A_509 = arith.constant 4 : i32
    %dma_wait3A_510 = arith.constant 0 : i32
    %dma_wait3A_511 = arith.constant 0 : i32
    %dma_wait3A_512 = tpu.memref_slice %arg7[%dma_wait3A_508, %dma_wait3A_510, %dma_wait3A_511] : memref<12x125x32xf32, #tpu.memory_space<vmem>> -> memref<1x125x32xf32, #tpu.memory_space<vmem>>
    %dma_wait3A_513 = tpu.memref_squeeze %dma_wait3A_512 : memref<1x125x32xf32, #tpu.memory_space<vmem>> -> memref<125x32xf32, #tpu.memory_space<vmem>>
    %dma_wait3A_514 = arith.constant 0 : i32
    %dma_wait3A_515 = tpu.memref_slice %arg5[%dma_wait3A_507, %dma_wait3A_514] : memref<80x125xi32, #tpu.memory_space<vmem>> -> memref<1x125xi32, #tpu.memory_space<vmem>>
    %dma_wait3A_516 = tpu.memref_squeeze %dma_wait3A_515 : memref<1x125xi32, #tpu.memory_space<vmem>> -> memref<125xi32, #tpu.memory_space<vmem>>
    %dma_wait3A_517 = arith.constant 0 : i32
    %dma_wait3A_518 = arith.constant 0 : i32
    %dma_wait3A_519 = tpu.memref_slice %arg2[%dma_wait3A_517, %dma_wait3A_518] : memref<10016x32xf32, #tpu.memory_space<hbm>> -> memref<10016x32xf32, #tpu.memory_space<hbm>>
    %dma_wait3A_520 = tpu.memref_slice %arg10[%dma_wait3A_509] : memref<12x!tpu.dma_semaphore, #tpu.memory_space<semaphore_mem>> -> memref<1x!tpu.dma_semaphore, #tpu.memory_space<semaphore_mem>>
    %dma_wait3A_521 = tpu.memref_squeeze %dma_wait3A_520 : memref<1x!tpu.dma_semaphore, #tpu.memory_space<semaphore_mem>> -> memref<!tpu.dma_semaphore, #tpu.memory_space<semaphore_mem>>
    tpu.wait_indirect_dma semaphore(%dma_wait3A_521 : memref<!tpu.dma_semaphore, #tpu.memory_space<semaphore_mem>>) src(%dma_wait3A_519 : memref<10016x32xf32, #tpu.memory_space<hbm>>) dst(%dma_wait3A_513 : memref<125x32xf32, #tpu.memory_space<vmem>>)
    %dma_start3A_522 = arith.constant 4 : i32
    %dma_start3A_523 = arith.constant 76 : i32
    %dma_start3A_524 = arith.constant 4 : i32
    %dma_start3A_525 = arith.constant 0 : i32
    %dma_start3A_526 = arith.constant 0 : i32
    %dma_start3A_527 = tpu.memref_slice %arg7[%dma_start3A_522, %dma_start3A_525, %dma_start3A_526] : memref<12x125x32xf32, #tpu.memory_space<vmem>> -> memref<1x125x32xf32, #tpu.memory_space<vmem>>
    %dma_start3A_528 = tpu.memref_squeeze %dma_start3A_527 : memref<1x125x32xf32, #tpu.memory_space<vmem>> -> memref<125x32xf32, #tpu.memory_space<vmem>>
    %dma_start3A_529 = arith.constant 0 : i32
    %dma_start3A_530 = tpu.memref_slice %arg6[%dma_start3A_523, %dma_start3A_529] : memref<80x125xi32, #tpu.memory_space<vmem>> -> memref<1x125xi32, #tpu.memory_space<vmem>>
    %dma_start3A_531 = tpu.memref_squeeze %dma_start3A_530 : memref<1x125xi32, #tpu.memory_space<vmem>> -> memref<125xi32, #tpu.memory_space<vmem>>
    %dma_start3A_532 = arith.constant 0 : i32
    %dma_start3A_533 = arith.constant 0 : i32
    %dma_start3A_534 = tpu.memref_slice %arg9[%dma_start3A_532, %dma_start3A_533] : memref<10016x32xf32, #tpu.memory_space<vmem_shared>> -> memref<10016x32xf32, #tpu.memory_space<vmem_shared>>
    %dma_start3A_535 = tpu.memref_slice %arg11[%dma_start3A_524] : memref<12x!tpu.dma_semaphore, #tpu.memory_space<semaphore_mem>> -> memref<1x!tpu.dma_semaphore, #tpu.memory_space<semaphore_mem>>
    %dma_start3A_536 = tpu.memref_squeeze %dma_start3A_535 : memref<1x!tpu.dma_semaphore, #tpu.memory_space<semaphore_mem>> -> memref<!tpu.dma_semaphore, #tpu.memory_space<semaphore_mem>>
    tpu.enqueue_indirect_dma source(%dma_start3A_528 : memref<125x32xf32, #tpu.memory_space<vmem>>) target(%dma_start3A_534 : memref<10016x32xf32, #tpu.memory_space<vmem_shared>>) offsets(%dma_start3A_531 : memref<125xi32, #tpu.memory_space<vmem>>) semaphore(%dma_start3A_536 : memref<!tpu.dma_semaphore, #tpu.memory_space<semaphore_mem>>) {add = true}
    %dma_wait3A_537 = arith.constant 0 : i32
    %dma_wait3A_538 = arith.constant 5 : i32
    %dma_wait3A_539 = arith.constant 5 : i32
    %dma_wait3A_540 = arith.constant 0 : i32
    %dma_wait3A_541 = arith.constant 0 : i32
    %dma_wait3A_542 = tpu.memref_slice %arg7[%dma_wait3A_538, %dma_wait3A_540, %dma_wait3A_541] : memref<12x125x32xf32, #tpu.memory_space<vmem>> -> memref<1x125x32xf32, #tpu.memory_space<vmem>>
    %dma_wait3A_543 = tpu.memref_squeeze %dma_wait3A_542 : memref<1x125x32xf32, #tpu.memory_space<vmem>> -> memref<125x32xf32, #tpu.memory_space<vmem>>
    %dma_wait3A_544 = arith.constant 0 : i32
    %dma_wait3A_545 = tpu.memref_slice %arg5[%dma_wait3A_537, %dma_wait3A_544] : memref<80x125xi32, #tpu.memory_space<vmem>> -> memref<1x125xi32, #tpu.memory_space<vmem>>
    %dma_wait3A_546 = tpu.memref_squeeze %dma_wait3A_545 : memref<1x125xi32, #tpu.memory_space<vmem>> -> memref<125xi32, #tpu.memory_space<vmem>>
    %dma_wait3A_547 = arith.constant 0 : i32
    %dma_wait3A_548 = arith.constant 0 : i32
    %dma_wait3A_549 = tpu.memref_slice %arg2[%dma_wait3A_547, %dma_wait3A_548] : memref<10016x32xf32, #tpu.memory_space<hbm>> -> memref<10016x32xf32, #tpu.memory_space<hbm>>
    %dma_wait3A_550 = tpu.memref_slice %arg10[%dma_wait3A_539] : memref<12x!tpu.dma_semaphore, #tpu.memory_space<semaphore_mem>> -> memref<1x!tpu.dma_semaphore, #tpu.memory_space<semaphore_mem>>
    %dma_wait3A_551 = tpu.memref_squeeze %dma_wait3A_550 : memref<1x!tpu.dma_semaphore, #tpu.memory_space<semaphore_mem>> -> memref<!tpu.dma_semaphore, #tpu.memory_space<semaphore_mem>>
    tpu.wait_indirect_dma semaphore(%dma_wait3A_551 : memref<!tpu.dma_semaphore, #tpu.memory_space<semaphore_mem>>) src(%dma_wait3A_549 : memref<10016x32xf32, #tpu.memory_space<hbm>>) dst(%dma_wait3A_543 : memref<125x32xf32, #tpu.memory_space<vmem>>)
    %dma_start3A_552 = arith.constant 5 : i32
    %dma_start3A_553 = arith.constant 77 : i32
    %dma_start3A_554 = arith.constant 5 : i32
    %dma_start3A_555 = arith.constant 0 : i32
    %dma_start3A_556 = arith.constant 0 : i32
    %dma_start3A_557 = tpu.memref_slice %arg7[%dma_start3A_552, %dma_start3A_555, %dma_start3A_556] : memref<12x125x32xf32, #tpu.memory_space<vmem>> -> memref<1x125x32xf32, #tpu.memory_space<vmem>>
    %dma_start3A_558 = tpu.memref_squeeze %dma_start3A_557 : memref<1x125x32xf32, #tpu.memory_space<vmem>> -> memref<125x32xf32, #tpu.memory_space<vmem>>
    %dma_start3A_559 = arith.constant 0 : i32
    %dma_start3A_560 = tpu.memref_slice %arg6[%dma_start3A_553, %dma_start3A_559] : memref<80x125xi32, #tpu.memory_space<vmem>> -> memref<1x125xi32, #tpu.memory_space<vmem>>
    %dma_start3A_561 = tpu.memref_squeeze %dma_start3A_560 : memref<1x125xi32, #tpu.memory_space<vmem>> -> memref<125xi32, #tpu.memory_space<vmem>>
    %dma_start3A_562 = arith.constant 0 : i32
    %dma_start3A_563 = arith.constant 0 : i32
    %dma_start3A_564 = tpu.memref_slice %arg9[%dma_start3A_562, %dma_start3A_563] : memref<10016x32xf32, #tpu.memory_space<vmem_shared>> -> memref<10016x32xf32, #tpu.memory_space<vmem_shared>>
    %dma_start3A_565 = tpu.memref_slice %arg11[%dma_start3A_554] : memref<12x!tpu.dma_semaphore, #tpu.memory_space<semaphore_mem>> -> memref<1x!tpu.dma_semaphore, #tpu.memory_space<semaphore_mem>>
    %dma_start3A_566 = tpu.memref_squeeze %dma_start3A_565 : memref<1x!tpu.dma_semaphore, #tpu.memory_space<semaphore_mem>> -> memref<!tpu.dma_semaphore, #tpu.memory_space<semaphore_mem>>
    tpu.enqueue_indirect_dma source(%dma_start3A_558 : memref<125x32xf32, #tpu.memory_space<vmem>>) target(%dma_start3A_564 : memref<10016x32xf32, #tpu.memory_space<vmem_shared>>) offsets(%dma_start3A_561 : memref<125xi32, #tpu.memory_space<vmem>>) semaphore(%dma_start3A_566 : memref<!tpu.dma_semaphore, #tpu.memory_space<semaphore_mem>>) {add = true}
    %dma_wait3A_567 = arith.constant 0 : i32
    %dma_wait3A_568 = arith.constant 6 : i32
    %dma_wait3A_569 = arith.constant 6 : i32
    %dma_wait3A_570 = arith.constant 0 : i32
    %dma_wait3A_571 = arith.constant 0 : i32
    %dma_wait3A_572 = tpu.memref_slice %arg7[%dma_wait3A_568, %dma_wait3A_570, %dma_wait3A_571] : memref<12x125x32xf32, #tpu.memory_space<vmem>> -> memref<1x125x32xf32, #tpu.memory_space<vmem>>
    %dma_wait3A_573 = tpu.memref_squeeze %dma_wait3A_572 : memref<1x125x32xf32, #tpu.memory_space<vmem>> -> memref<125x32xf32, #tpu.memory_space<vmem>>
    %dma_wait3A_574 = arith.constant 0 : i32
    %dma_wait3A_575 = tpu.memref_slice %arg5[%dma_wait3A_567, %dma_wait3A_574] : memref<80x125xi32, #tpu.memory_space<vmem>> -> memref<1x125xi32, #tpu.memory_space<vmem>>
    %dma_wait3A_576 = tpu.memref_squeeze %dma_wait3A_575 : memref<1x125xi32, #tpu.memory_space<vmem>> -> memref<125xi32, #tpu.memory_space<vmem>>
    %dma_wait3A_577 = arith.constant 0 : i32
    %dma_wait3A_578 = arith.constant 0 : i32
    %dma_wait3A_579 = tpu.memref_slice %arg2[%dma_wait3A_577, %dma_wait3A_578] : memref<10016x32xf32, #tpu.memory_space<hbm>> -> memref<10016x32xf32, #tpu.memory_space<hbm>>
    %dma_wait3A_580 = tpu.memref_slice %arg10[%dma_wait3A_569] : memref<12x!tpu.dma_semaphore, #tpu.memory_space<semaphore_mem>> -> memref<1x!tpu.dma_semaphore, #tpu.memory_space<semaphore_mem>>
    %dma_wait3A_581 = tpu.memref_squeeze %dma_wait3A_580 : memref<1x!tpu.dma_semaphore, #tpu.memory_space<semaphore_mem>> -> memref<!tpu.dma_semaphore, #tpu.memory_space<semaphore_mem>>
    tpu.wait_indirect_dma semaphore(%dma_wait3A_581 : memref<!tpu.dma_semaphore, #tpu.memory_space<semaphore_mem>>) src(%dma_wait3A_579 : memref<10016x32xf32, #tpu.memory_space<hbm>>) dst(%dma_wait3A_573 : memref<125x32xf32, #tpu.memory_space<vmem>>)
    %dma_start3A_582 = arith.constant 6 : i32
    %dma_start3A_583 = arith.constant 78 : i32
    %dma_start3A_584 = arith.constant 6 : i32
    %dma_start3A_585 = arith.constant 0 : i32
    %dma_start3A_586 = arith.constant 0 : i32
    %dma_start3A_587 = tpu.memref_slice %arg7[%dma_start3A_582, %dma_start3A_585, %dma_start3A_586] : memref<12x125x32xf32, #tpu.memory_space<vmem>> -> memref<1x125x32xf32, #tpu.memory_space<vmem>>
    %dma_start3A_588 = tpu.memref_squeeze %dma_start3A_587 : memref<1x125x32xf32, #tpu.memory_space<vmem>> -> memref<125x32xf32, #tpu.memory_space<vmem>>
    %dma_start3A_589 = arith.constant 0 : i32
    %dma_start3A_590 = tpu.memref_slice %arg6[%dma_start3A_583, %dma_start3A_589] : memref<80x125xi32, #tpu.memory_space<vmem>> -> memref<1x125xi32, #tpu.memory_space<vmem>>
    %dma_start3A_591 = tpu.memref_squeeze %dma_start3A_590 : memref<1x125xi32, #tpu.memory_space<vmem>> -> memref<125xi32, #tpu.memory_space<vmem>>
    %dma_start3A_592 = arith.constant 0 : i32
    %dma_start3A_593 = arith.constant 0 : i32
    %dma_start3A_594 = tpu.memref_slice %arg9[%dma_start3A_592, %dma_start3A_593] : memref<10016x32xf32, #tpu.memory_space<vmem_shared>> -> memref<10016x32xf32, #tpu.memory_space<vmem_shared>>
    %dma_start3A_595 = tpu.memref_slice %arg11[%dma_start3A_584] : memref<12x!tpu.dma_semaphore, #tpu.memory_space<semaphore_mem>> -> memref<1x!tpu.dma_semaphore, #tpu.memory_space<semaphore_mem>>
    %dma_start3A_596 = tpu.memref_squeeze %dma_start3A_595 : memref<1x!tpu.dma_semaphore, #tpu.memory_space<semaphore_mem>> -> memref<!tpu.dma_semaphore, #tpu.memory_space<semaphore_mem>>
    tpu.enqueue_indirect_dma source(%dma_start3A_588 : memref<125x32xf32, #tpu.memory_space<vmem>>) target(%dma_start3A_594 : memref<10016x32xf32, #tpu.memory_space<vmem_shared>>) offsets(%dma_start3A_591 : memref<125xi32, #tpu.memory_space<vmem>>) semaphore(%dma_start3A_596 : memref<!tpu.dma_semaphore, #tpu.memory_space<semaphore_mem>>) {add = true}
    %dma_wait3A_597 = arith.constant 0 : i32
    %dma_wait3A_598 = arith.constant 7 : i32
    %dma_wait3A_599 = arith.constant 7 : i32
    %dma_wait3A_600 = arith.constant 0 : i32
    %dma_wait3A_601 = arith.constant 0 : i32
    %dma_wait3A_602 = tpu.memref_slice %arg7[%dma_wait3A_598, %dma_wait3A_600, %dma_wait3A_601] : memref<12x125x32xf32, #tpu.memory_space<vmem>> -> memref<1x125x32xf32, #tpu.memory_space<vmem>>
    %dma_wait3A_603 = tpu.memref_squeeze %dma_wait3A_602 : memref<1x125x32xf32, #tpu.memory_space<vmem>> -> memref<125x32xf32, #tpu.memory_space<vmem>>
    %dma_wait3A_604 = arith.constant 0 : i32
    %dma_wait3A_605 = tpu.memref_slice %arg5[%dma_wait3A_597, %dma_wait3A_604] : memref<80x125xi32, #tpu.memory_space<vmem>> -> memref<1x125xi32, #tpu.memory_space<vmem>>
    %dma_wait3A_606 = tpu.memref_squeeze %dma_wait3A_605 : memref<1x125xi32, #tpu.memory_space<vmem>> -> memref<125xi32, #tpu.memory_space<vmem>>
    %dma_wait3A_607 = arith.constant 0 : i32
    %dma_wait3A_608 = arith.constant 0 : i32
    %dma_wait3A_609 = tpu.memref_slice %arg2[%dma_wait3A_607, %dma_wait3A_608] : memref<10016x32xf32, #tpu.memory_space<hbm>> -> memref<10016x32xf32, #tpu.memory_space<hbm>>
    %dma_wait3A_610 = tpu.memref_slice %arg10[%dma_wait3A_599] : memref<12x!tpu.dma_semaphore, #tpu.memory_space<semaphore_mem>> -> memref<1x!tpu.dma_semaphore, #tpu.memory_space<semaphore_mem>>
    %dma_wait3A_611 = tpu.memref_squeeze %dma_wait3A_610 : memref<1x!tpu.dma_semaphore, #tpu.memory_space<semaphore_mem>> -> memref<!tpu.dma_semaphore, #tpu.memory_space<semaphore_mem>>
    tpu.wait_indirect_dma semaphore(%dma_wait3A_611 : memref<!tpu.dma_semaphore, #tpu.memory_space<semaphore_mem>>) src(%dma_wait3A_609 : memref<10016x32xf32, #tpu.memory_space<hbm>>) dst(%dma_wait3A_603 : memref<125x32xf32, #tpu.memory_space<vmem>>)
    %dma_start3A_612 = arith.constant 7 : i32
    %dma_start3A_613 = arith.constant 79 : i32
    %dma_start3A_614 = arith.constant 7 : i32
    %dma_start3A_615 = arith.constant 0 : i32
    %dma_start3A_616 = arith.constant 0 : i32
    %dma_start3A_617 = tpu.memref_slice %arg7[%dma_start3A_612, %dma_start3A_615, %dma_start3A_616] : memref<12x125x32xf32, #tpu.memory_space<vmem>> -> memref<1x125x32xf32, #tpu.memory_space<vmem>>
    %dma_start3A_618 = tpu.memref_squeeze %dma_start3A_617 : memref<1x125x32xf32, #tpu.memory_space<vmem>> -> memref<125x32xf32, #tpu.memory_space<vmem>>
    %dma_start3A_619 = arith.constant 0 : i32
    %dma_start3A_620 = tpu.memref_slice %arg6[%dma_start3A_613, %dma_start3A_619] : memref<80x125xi32, #tpu.memory_space<vmem>> -> memref<1x125xi32, #tpu.memory_space<vmem>>
    %dma_start3A_621 = tpu.memref_squeeze %dma_start3A_620 : memref<1x125xi32, #tpu.memory_space<vmem>> -> memref<125xi32, #tpu.memory_space<vmem>>
    %dma_start3A_622 = arith.constant 0 : i32
    %dma_start3A_623 = arith.constant 0 : i32
    %dma_start3A_624 = tpu.memref_slice %arg9[%dma_start3A_622, %dma_start3A_623] : memref<10016x32xf32, #tpu.memory_space<vmem_shared>> -> memref<10016x32xf32, #tpu.memory_space<vmem_shared>>
    %dma_start3A_625 = tpu.memref_slice %arg11[%dma_start3A_614] : memref<12x!tpu.dma_semaphore, #tpu.memory_space<semaphore_mem>> -> memref<1x!tpu.dma_semaphore, #tpu.memory_space<semaphore_mem>>
    %dma_start3A_626 = tpu.memref_squeeze %dma_start3A_625 : memref<1x!tpu.dma_semaphore, #tpu.memory_space<semaphore_mem>> -> memref<!tpu.dma_semaphore, #tpu.memory_space<semaphore_mem>>
    tpu.enqueue_indirect_dma source(%dma_start3A_618 : memref<125x32xf32, #tpu.memory_space<vmem>>) target(%dma_start3A_624 : memref<10016x32xf32, #tpu.memory_space<vmem_shared>>) offsets(%dma_start3A_621 : memref<125xi32, #tpu.memory_space<vmem>>) semaphore(%dma_start3A_626 : memref<!tpu.dma_semaphore, #tpu.memory_space<semaphore_mem>>) {add = true}
    %dma_wait3A_627 = arith.constant 8 : i32
    %dma_wait3A_628 = arith.constant 0 : i32
    %dma_wait3A_629 = arith.constant 8 : i32
    %dma_wait3A_630 = arith.constant 0 : i32
    %dma_wait3A_631 = arith.constant 0 : i32
    %dma_wait3A_632 = tpu.memref_slice %arg7[%dma_wait3A_627, %dma_wait3A_630, %dma_wait3A_631] : memref<12x125x32xf32, #tpu.memory_space<vmem>> -> memref<1x125x32xf32, #tpu.memory_space<vmem>>
    %dma_wait3A_633 = tpu.memref_squeeze %dma_wait3A_632 : memref<1x125x32xf32, #tpu.memory_space<vmem>> -> memref<125x32xf32, #tpu.memory_space<vmem>>
    %dma_wait3A_634 = arith.constant 0 : i32
    %dma_wait3A_635 = tpu.memref_slice %arg6[%dma_wait3A_628, %dma_wait3A_634] : memref<80x125xi32, #tpu.memory_space<vmem>> -> memref<1x125xi32, #tpu.memory_space<vmem>>
    %dma_wait3A_636 = tpu.memref_squeeze %dma_wait3A_635 : memref<1x125xi32, #tpu.memory_space<vmem>> -> memref<125xi32, #tpu.memory_space<vmem>>
    %dma_wait3A_637 = arith.constant 0 : i32
    %dma_wait3A_638 = arith.constant 0 : i32
    %dma_wait3A_639 = tpu.memref_slice %arg9[%dma_wait3A_637, %dma_wait3A_638] : memref<10016x32xf32, #tpu.memory_space<vmem_shared>> -> memref<10016x32xf32, #tpu.memory_space<vmem_shared>>
    %dma_wait3A_640 = tpu.memref_slice %arg11[%dma_wait3A_629] : memref<12x!tpu.dma_semaphore, #tpu.memory_space<semaphore_mem>> -> memref<1x!tpu.dma_semaphore, #tpu.memory_space<semaphore_mem>>
    %dma_wait3A_641 = tpu.memref_squeeze %dma_wait3A_640 : memref<1x!tpu.dma_semaphore, #tpu.memory_space<semaphore_mem>> -> memref<!tpu.dma_semaphore, #tpu.memory_space<semaphore_mem>>
    tpu.wait_indirect_dma semaphore(%dma_wait3A_641 : memref<!tpu.dma_semaphore, #tpu.memory_space<semaphore_mem>>) src(%dma_wait3A_633 : memref<125x32xf32, #tpu.memory_space<vmem>>) dst(%dma_wait3A_639 : memref<10016x32xf32, #tpu.memory_space<vmem_shared>>)
    %dma_wait3A_642 = arith.constant 9 : i32
    %dma_wait3A_643 = arith.constant 0 : i32
    %dma_wait3A_644 = arith.constant 9 : i32
    %dma_wait3A_645 = arith.constant 0 : i32
    %dma_wait3A_646 = arith.constant 0 : i32
    %dma_wait3A_647 = tpu.memref_slice %arg7[%dma_wait3A_642, %dma_wait3A_645, %dma_wait3A_646] : memref<12x125x32xf32, #tpu.memory_space<vmem>> -> memref<1x125x32xf32, #tpu.memory_space<vmem>>
    %dma_wait3A_648 = tpu.memref_squeeze %dma_wait3A_647 : memref<1x125x32xf32, #tpu.memory_space<vmem>> -> memref<125x32xf32, #tpu.memory_space<vmem>>
    %dma_wait3A_649 = arith.constant 0 : i32
    %dma_wait3A_650 = tpu.memref_slice %arg6[%dma_wait3A_643, %dma_wait3A_649] : memref<80x125xi32, #tpu.memory_space<vmem>> -> memref<1x125xi32, #tpu.memory_space<vmem>>
    %dma_wait3A_651 = tpu.memref_squeeze %dma_wait3A_650 : memref<1x125xi32, #tpu.memory_space<vmem>> -> memref<125xi32, #tpu.memory_space<vmem>>
    %dma_wait3A_652 = arith.constant 0 : i32
    %dma_wait3A_653 = arith.constant 0 : i32
    %dma_wait3A_654 = tpu.memref_slice %arg9[%dma_wait3A_652, %dma_wait3A_653] : memref<10016x32xf32, #tpu.memory_space<vmem_shared>> -> memref<10016x32xf32, #tpu.memory_space<vmem_shared>>
    %dma_wait3A_655 = tpu.memref_slice %arg11[%dma_wait3A_644] : memref<12x!tpu.dma_semaphore, #tpu.memory_space<semaphore_mem>> -> memref<1x!tpu.dma_semaphore, #tpu.memory_space<semaphore_mem>>
    %dma_wait3A_656 = tpu.memref_squeeze %dma_wait3A_655 : memref<1x!tpu.dma_semaphore, #tpu.memory_space<semaphore_mem>> -> memref<!tpu.dma_semaphore, #tpu.memory_space<semaphore_mem>>
    tpu.wait_indirect_dma semaphore(%dma_wait3A_656 : memref<!tpu.dma_semaphore, #tpu.memory_space<semaphore_mem>>) src(%dma_wait3A_648 : memref<125x32xf32, #tpu.memory_space<vmem>>) dst(%dma_wait3A_654 : memref<10016x32xf32, #tpu.memory_space<vmem_shared>>)
    %dma_wait3A_657 = arith.constant 10 : i32
    %dma_wait3A_658 = arith.constant 0 : i32
    %dma_wait3A_659 = arith.constant 10 : i32
    %dma_wait3A_660 = arith.constant 0 : i32
    %dma_wait3A_661 = arith.constant 0 : i32
    %dma_wait3A_662 = tpu.memref_slice %arg7[%dma_wait3A_657, %dma_wait3A_660, %dma_wait3A_661] : memref<12x125x32xf32, #tpu.memory_space<vmem>> -> memref<1x125x32xf32, #tpu.memory_space<vmem>>
    %dma_wait3A_663 = tpu.memref_squeeze %dma_wait3A_662 : memref<1x125x32xf32, #tpu.memory_space<vmem>> -> memref<125x32xf32, #tpu.memory_space<vmem>>
    %dma_wait3A_664 = arith.constant 0 : i32
    %dma_wait3A_665 = tpu.memref_slice %arg6[%dma_wait3A_658, %dma_wait3A_664] : memref<80x125xi32, #tpu.memory_space<vmem>> -> memref<1x125xi32, #tpu.memory_space<vmem>>
    %dma_wait3A_666 = tpu.memref_squeeze %dma_wait3A_665 : memref<1x125xi32, #tpu.memory_space<vmem>> -> memref<125xi32, #tpu.memory_space<vmem>>
    %dma_wait3A_667 = arith.constant 0 : i32
    %dma_wait3A_668 = arith.constant 0 : i32
    %dma_wait3A_669 = tpu.memref_slice %arg9[%dma_wait3A_667, %dma_wait3A_668] : memref<10016x32xf32, #tpu.memory_space<vmem_shared>> -> memref<10016x32xf32, #tpu.memory_space<vmem_shared>>
    %dma_wait3A_670 = tpu.memref_slice %arg11[%dma_wait3A_659] : memref<12x!tpu.dma_semaphore, #tpu.memory_space<semaphore_mem>> -> memref<1x!tpu.dma_semaphore, #tpu.memory_space<semaphore_mem>>
    %dma_wait3A_671 = tpu.memref_squeeze %dma_wait3A_670 : memref<1x!tpu.dma_semaphore, #tpu.memory_space<semaphore_mem>> -> memref<!tpu.dma_semaphore, #tpu.memory_space<semaphore_mem>>
    tpu.wait_indirect_dma semaphore(%dma_wait3A_671 : memref<!tpu.dma_semaphore, #tpu.memory_space<semaphore_mem>>) src(%dma_wait3A_663 : memref<125x32xf32, #tpu.memory_space<vmem>>) dst(%dma_wait3A_669 : memref<10016x32xf32, #tpu.memory_space<vmem_shared>>)
    %dma_wait3A_672 = arith.constant 11 : i32
    %dma_wait3A_673 = arith.constant 0 : i32
    %dma_wait3A_674 = arith.constant 11 : i32
    %dma_wait3A_675 = arith.constant 0 : i32
    %dma_wait3A_676 = arith.constant 0 : i32
    %dma_wait3A_677 = tpu.memref_slice %arg7[%dma_wait3A_672, %dma_wait3A_675, %dma_wait3A_676] : memref<12x125x32xf32, #tpu.memory_space<vmem>> -> memref<1x125x32xf32, #tpu.memory_space<vmem>>
    %dma_wait3A_678 = tpu.memref_squeeze %dma_wait3A_677 : memref<1x125x32xf32, #tpu.memory_space<vmem>> -> memref<125x32xf32, #tpu.memory_space<vmem>>
    %dma_wait3A_679 = arith.constant 0 : i32
    %dma_wait3A_680 = tpu.memref_slice %arg6[%dma_wait3A_673, %dma_wait3A_679] : memref<80x125xi32, #tpu.memory_space<vmem>> -> memref<1x125xi32, #tpu.memory_space<vmem>>
    %dma_wait3A_681 = tpu.memref_squeeze %dma_wait3A_680 : memref<1x125xi32, #tpu.memory_space<vmem>> -> memref<125xi32, #tpu.memory_space<vmem>>
    %dma_wait3A_682 = arith.constant 0 : i32
    %dma_wait3A_683 = arith.constant 0 : i32
    %dma_wait3A_684 = tpu.memref_slice %arg9[%dma_wait3A_682, %dma_wait3A_683] : memref<10016x32xf32, #tpu.memory_space<vmem_shared>> -> memref<10016x32xf32, #tpu.memory_space<vmem_shared>>
    %dma_wait3A_685 = tpu.memref_slice %arg11[%dma_wait3A_674] : memref<12x!tpu.dma_semaphore, #tpu.memory_space<semaphore_mem>> -> memref<1x!tpu.dma_semaphore, #tpu.memory_space<semaphore_mem>>
    %dma_wait3A_686 = tpu.memref_squeeze %dma_wait3A_685 : memref<1x!tpu.dma_semaphore, #tpu.memory_space<semaphore_mem>> -> memref<!tpu.dma_semaphore, #tpu.memory_space<semaphore_mem>>
    tpu.wait_indirect_dma semaphore(%dma_wait3A_686 : memref<!tpu.dma_semaphore, #tpu.memory_space<semaphore_mem>>) src(%dma_wait3A_678 : memref<125x32xf32, #tpu.memory_space<vmem>>) dst(%dma_wait3A_684 : memref<10016x32xf32, #tpu.memory_space<vmem_shared>>)
    %dma_wait3A_687 = arith.constant 0 : i32
    %dma_wait3A_688 = arith.constant 0 : i32
    %dma_wait3A_689 = arith.constant 0 : i32
    %dma_wait3A_690 = arith.constant 0 : i32
    %dma_wait3A_691 = arith.constant 0 : i32
    %dma_wait3A_692 = tpu.memref_slice %arg7[%dma_wait3A_687, %dma_wait3A_690, %dma_wait3A_691] : memref<12x125x32xf32, #tpu.memory_space<vmem>> -> memref<1x125x32xf32, #tpu.memory_space<vmem>>
    %dma_wait3A_693 = tpu.memref_squeeze %dma_wait3A_692 : memref<1x125x32xf32, #tpu.memory_space<vmem>> -> memref<125x32xf32, #tpu.memory_space<vmem>>
    %dma_wait3A_694 = arith.constant 0 : i32
    %dma_wait3A_695 = tpu.memref_slice %arg6[%dma_wait3A_688, %dma_wait3A_694] : memref<80x125xi32, #tpu.memory_space<vmem>> -> memref<1x125xi32, #tpu.memory_space<vmem>>
    %dma_wait3A_696 = tpu.memref_squeeze %dma_wait3A_695 : memref<1x125xi32, #tpu.memory_space<vmem>> -> memref<125xi32, #tpu.memory_space<vmem>>
    %dma_wait3A_697 = arith.constant 0 : i32
    %dma_wait3A_698 = arith.constant 0 : i32
    %dma_wait3A_699 = tpu.memref_slice %arg9[%dma_wait3A_697, %dma_wait3A_698] : memref<10016x32xf32, #tpu.memory_space<vmem_shared>> -> memref<10016x32xf32, #tpu.memory_space<vmem_shared>>
    %dma_wait3A_700 = tpu.memref_slice %arg11[%dma_wait3A_689] : memref<12x!tpu.dma_semaphore, #tpu.memory_space<semaphore_mem>> -> memref<1x!tpu.dma_semaphore, #tpu.memory_space<semaphore_mem>>
    %dma_wait3A_701 = tpu.memref_squeeze %dma_wait3A_700 : memref<1x!tpu.dma_semaphore, #tpu.memory_space<semaphore_mem>> -> memref<!tpu.dma_semaphore, #tpu.memory_space<semaphore_mem>>
    tpu.wait_indirect_dma semaphore(%dma_wait3A_701 : memref<!tpu.dma_semaphore, #tpu.memory_space<semaphore_mem>>) src(%dma_wait3A_693 : memref<125x32xf32, #tpu.memory_space<vmem>>) dst(%dma_wait3A_699 : memref<10016x32xf32, #tpu.memory_space<vmem_shared>>)
    %dma_wait3A_702 = arith.constant 1 : i32
    %dma_wait3A_703 = arith.constant 0 : i32
    %dma_wait3A_704 = arith.constant 1 : i32
    %dma_wait3A_705 = arith.constant 0 : i32
    %dma_wait3A_706 = arith.constant 0 : i32
    %dma_wait3A_707 = tpu.memref_slice %arg7[%dma_wait3A_702, %dma_wait3A_705, %dma_wait3A_706] : memref<12x125x32xf32, #tpu.memory_space<vmem>> -> memref<1x125x32xf32, #tpu.memory_space<vmem>>
    %dma_wait3A_708 = tpu.memref_squeeze %dma_wait3A_707 : memref<1x125x32xf32, #tpu.memory_space<vmem>> -> memref<125x32xf32, #tpu.memory_space<vmem>>
    %dma_wait3A_709 = arith.constant 0 : i32
    %dma_wait3A_710 = tpu.memref_slice %arg6[%dma_wait3A_703, %dma_wait3A_709] : memref<80x125xi32, #tpu.memory_space<vmem>> -> memref<1x125xi32, #tpu.memory_space<vmem>>
    %dma_wait3A_711 = tpu.memref_squeeze %dma_wait3A_710 : memref<1x125xi32, #tpu.memory_space<vmem>> -> memref<125xi32, #tpu.memory_space<vmem>>
    %dma_wait3A_712 = arith.constant 0 : i32
    %dma_wait3A_713 = arith.constant 0 : i32
    %dma_wait3A_714 = tpu.memref_slice %arg9[%dma_wait3A_712, %dma_wait3A_713] : memref<10016x32xf32, #tpu.memory_space<vmem_shared>> -> memref<10016x32xf32, #tpu.memory_space<vmem_shared>>
    %dma_wait3A_715 = tpu.memref_slice %arg11[%dma_wait3A_704] : memref<12x!tpu.dma_semaphore, #tpu.memory_space<semaphore_mem>> -> memref<1x!tpu.dma_semaphore, #tpu.memory_space<semaphore_mem>>
    %dma_wait3A_716 = tpu.memref_squeeze %dma_wait3A_715 : memref<1x!tpu.dma_semaphore, #tpu.memory_space<semaphore_mem>> -> memref<!tpu.dma_semaphore, #tpu.memory_space<semaphore_mem>>
    tpu.wait_indirect_dma semaphore(%dma_wait3A_716 : memref<!tpu.dma_semaphore, #tpu.memory_space<semaphore_mem>>) src(%dma_wait3A_708 : memref<125x32xf32, #tpu.memory_space<vmem>>) dst(%dma_wait3A_714 : memref<10016x32xf32, #tpu.memory_space<vmem_shared>>)
    %dma_wait3A_717 = arith.constant 2 : i32
    %dma_wait3A_718 = arith.constant 0 : i32
    %dma_wait3A_719 = arith.constant 2 : i32
    %dma_wait3A_720 = arith.constant 0 : i32
    %dma_wait3A_721 = arith.constant 0 : i32
    %dma_wait3A_722 = tpu.memref_slice %arg7[%dma_wait3A_717, %dma_wait3A_720, %dma_wait3A_721] : memref<12x125x32xf32, #tpu.memory_space<vmem>> -> memref<1x125x32xf32, #tpu.memory_space<vmem>>
    %dma_wait3A_723 = tpu.memref_squeeze %dma_wait3A_722 : memref<1x125x32xf32, #tpu.memory_space<vmem>> -> memref<125x32xf32, #tpu.memory_space<vmem>>
    %dma_wait3A_724 = arith.constant 0 : i32
    %dma_wait3A_725 = tpu.memref_slice %arg6[%dma_wait3A_718, %dma_wait3A_724] : memref<80x125xi32, #tpu.memory_space<vmem>> -> memref<1x125xi32, #tpu.memory_space<vmem>>
    %dma_wait3A_726 = tpu.memref_squeeze %dma_wait3A_725 : memref<1x125xi32, #tpu.memory_space<vmem>> -> memref<125xi32, #tpu.memory_space<vmem>>
    %dma_wait3A_727 = arith.constant 0 : i32
    %dma_wait3A_728 = arith.constant 0 : i32
    %dma_wait3A_729 = tpu.memref_slice %arg9[%dma_wait3A_727, %dma_wait3A_728] : memref<10016x32xf32, #tpu.memory_space<vmem_shared>> -> memref<10016x32xf32, #tpu.memory_space<vmem_shared>>
    %dma_wait3A_730 = tpu.memref_slice %arg11[%dma_wait3A_719] : memref<12x!tpu.dma_semaphore, #tpu.memory_space<semaphore_mem>> -> memref<1x!tpu.dma_semaphore, #tpu.memory_space<semaphore_mem>>
    %dma_wait3A_731 = tpu.memref_squeeze %dma_wait3A_730 : memref<1x!tpu.dma_semaphore, #tpu.memory_space<semaphore_mem>> -> memref<!tpu.dma_semaphore, #tpu.memory_space<semaphore_mem>>
    tpu.wait_indirect_dma semaphore(%dma_wait3A_731 : memref<!tpu.dma_semaphore, #tpu.memory_space<semaphore_mem>>) src(%dma_wait3A_723 : memref<125x32xf32, #tpu.memory_space<vmem>>) dst(%dma_wait3A_729 : memref<10016x32xf32, #tpu.memory_space<vmem_shared>>)
    %dma_wait3A_732 = arith.constant 3 : i32
    %dma_wait3A_733 = arith.constant 0 : i32
    %dma_wait3A_734 = arith.constant 3 : i32
    %dma_wait3A_735 = arith.constant 0 : i32
    %dma_wait3A_736 = arith.constant 0 : i32
    %dma_wait3A_737 = tpu.memref_slice %arg7[%dma_wait3A_732, %dma_wait3A_735, %dma_wait3A_736] : memref<12x125x32xf32, #tpu.memory_space<vmem>> -> memref<1x125x32xf32, #tpu.memory_space<vmem>>
    %dma_wait3A_738 = tpu.memref_squeeze %dma_wait3A_737 : memref<1x125x32xf32, #tpu.memory_space<vmem>> -> memref<125x32xf32, #tpu.memory_space<vmem>>
    %dma_wait3A_739 = arith.constant 0 : i32
    %dma_wait3A_740 = tpu.memref_slice %arg6[%dma_wait3A_733, %dma_wait3A_739] : memref<80x125xi32, #tpu.memory_space<vmem>> -> memref<1x125xi32, #tpu.memory_space<vmem>>
    %dma_wait3A_741 = tpu.memref_squeeze %dma_wait3A_740 : memref<1x125xi32, #tpu.memory_space<vmem>> -> memref<125xi32, #tpu.memory_space<vmem>>
    %dma_wait3A_742 = arith.constant 0 : i32
    %dma_wait3A_743 = arith.constant 0 : i32
    %dma_wait3A_744 = tpu.memref_slice %arg9[%dma_wait3A_742, %dma_wait3A_743] : memref<10016x32xf32, #tpu.memory_space<vmem_shared>> -> memref<10016x32xf32, #tpu.memory_space<vmem_shared>>
    %dma_wait3A_745 = tpu.memref_slice %arg11[%dma_wait3A_734] : memref<12x!tpu.dma_semaphore, #tpu.memory_space<semaphore_mem>> -> memref<1x!tpu.dma_semaphore, #tpu.memory_space<semaphore_mem>>
    %dma_wait3A_746 = tpu.memref_squeeze %dma_wait3A_745 : memref<1x!tpu.dma_semaphore, #tpu.memory_space<semaphore_mem>> -> memref<!tpu.dma_semaphore, #tpu.memory_space<semaphore_mem>>
    tpu.wait_indirect_dma semaphore(%dma_wait3A_746 : memref<!tpu.dma_semaphore, #tpu.memory_space<semaphore_mem>>) src(%dma_wait3A_738 : memref<125x32xf32, #tpu.memory_space<vmem>>) dst(%dma_wait3A_744 : memref<10016x32xf32, #tpu.memory_space<vmem_shared>>)
    %dma_wait3A_747 = arith.constant 4 : i32
    %dma_wait3A_748 = arith.constant 0 : i32
    %dma_wait3A_749 = arith.constant 4 : i32
    %dma_wait3A_750 = arith.constant 0 : i32
    %dma_wait3A_751 = arith.constant 0 : i32
    %dma_wait3A_752 = tpu.memref_slice %arg7[%dma_wait3A_747, %dma_wait3A_750, %dma_wait3A_751] : memref<12x125x32xf32, #tpu.memory_space<vmem>> -> memref<1x125x32xf32, #tpu.memory_space<vmem>>
    %dma_wait3A_753 = tpu.memref_squeeze %dma_wait3A_752 : memref<1x125x32xf32, #tpu.memory_space<vmem>> -> memref<125x32xf32, #tpu.memory_space<vmem>>
    %dma_wait3A_754 = arith.constant 0 : i32
    %dma_wait3A_755 = tpu.memref_slice %arg6[%dma_wait3A_748, %dma_wait3A_754] : memref<80x125xi32, #tpu.memory_space<vmem>> -> memref<1x125xi32, #tpu.memory_space<vmem>>
    %dma_wait3A_756 = tpu.memref_squeeze %dma_wait3A_755 : memref<1x125xi32, #tpu.memory_space<vmem>> -> memref<125xi32, #tpu.memory_space<vmem>>
    %dma_wait3A_757 = arith.constant 0 : i32
    %dma_wait3A_758 = arith.constant 0 : i32
    %dma_wait3A_759 = tpu.memref_slice %arg9[%dma_wait3A_757, %dma_wait3A_758] : memref<10016x32xf32, #tpu.memory_space<vmem_shared>> -> memref<10016x32xf32, #tpu.memory_space<vmem_shared>>
    %dma_wait3A_760 = tpu.memref_slice %arg11[%dma_wait3A_749] : memref<12x!tpu.dma_semaphore, #tpu.memory_space<semaphore_mem>> -> memref<1x!tpu.dma_semaphore, #tpu.memory_space<semaphore_mem>>
    %dma_wait3A_761 = tpu.memref_squeeze %dma_wait3A_760 : memref<1x!tpu.dma_semaphore, #tpu.memory_space<semaphore_mem>> -> memref<!tpu.dma_semaphore, #tpu.memory_space<semaphore_mem>>
    tpu.wait_indirect_dma semaphore(%dma_wait3A_761 : memref<!tpu.dma_semaphore, #tpu.memory_space<semaphore_mem>>) src(%dma_wait3A_753 : memref<125x32xf32, #tpu.memory_space<vmem>>) dst(%dma_wait3A_759 : memref<10016x32xf32, #tpu.memory_space<vmem_shared>>)
    %dma_wait3A_762 = arith.constant 5 : i32
    %dma_wait3A_763 = arith.constant 0 : i32
    %dma_wait3A_764 = arith.constant 5 : i32
    %dma_wait3A_765 = arith.constant 0 : i32
    %dma_wait3A_766 = arith.constant 0 : i32
    %dma_wait3A_767 = tpu.memref_slice %arg7[%dma_wait3A_762, %dma_wait3A_765, %dma_wait3A_766] : memref<12x125x32xf32, #tpu.memory_space<vmem>> -> memref<1x125x32xf32, #tpu.memory_space<vmem>>
    %dma_wait3A_768 = tpu.memref_squeeze %dma_wait3A_767 : memref<1x125x32xf32, #tpu.memory_space<vmem>> -> memref<125x32xf32, #tpu.memory_space<vmem>>
    %dma_wait3A_769 = arith.constant 0 : i32
    %dma_wait3A_770 = tpu.memref_slice %arg6[%dma_wait3A_763, %dma_wait3A_769] : memref<80x125xi32, #tpu.memory_space<vmem>> -> memref<1x125xi32, #tpu.memory_space<vmem>>
    %dma_wait3A_771 = tpu.memref_squeeze %dma_wait3A_770 : memref<1x125xi32, #tpu.memory_space<vmem>> -> memref<125xi32, #tpu.memory_space<vmem>>
    %dma_wait3A_772 = arith.constant 0 : i32
    %dma_wait3A_773 = arith.constant 0 : i32
    %dma_wait3A_774 = tpu.memref_slice %arg9[%dma_wait3A_772, %dma_wait3A_773] : memref<10016x32xf32, #tpu.memory_space<vmem_shared>> -> memref<10016x32xf32, #tpu.memory_space<vmem_shared>>
    %dma_wait3A_775 = tpu.memref_slice %arg11[%dma_wait3A_764] : memref<12x!tpu.dma_semaphore, #tpu.memory_space<semaphore_mem>> -> memref<1x!tpu.dma_semaphore, #tpu.memory_space<semaphore_mem>>
    %dma_wait3A_776 = tpu.memref_squeeze %dma_wait3A_775 : memref<1x!tpu.dma_semaphore, #tpu.memory_space<semaphore_mem>> -> memref<!tpu.dma_semaphore, #tpu.memory_space<semaphore_mem>>
    tpu.wait_indirect_dma semaphore(%dma_wait3A_776 : memref<!tpu.dma_semaphore, #tpu.memory_space<semaphore_mem>>) src(%dma_wait3A_768 : memref<125x32xf32, #tpu.memory_space<vmem>>) dst(%dma_wait3A_774 : memref<10016x32xf32, #tpu.memory_space<vmem_shared>>)
    %dma_wait3A_777 = arith.constant 6 : i32
    %dma_wait3A_778 = arith.constant 0 : i32
    %dma_wait3A_779 = arith.constant 6 : i32
    %dma_wait3A_780 = arith.constant 0 : i32
    %dma_wait3A_781 = arith.constant 0 : i32
    %dma_wait3A_782 = tpu.memref_slice %arg7[%dma_wait3A_777, %dma_wait3A_780, %dma_wait3A_781] : memref<12x125x32xf32, #tpu.memory_space<vmem>> -> memref<1x125x32xf32, #tpu.memory_space<vmem>>
    %dma_wait3A_783 = tpu.memref_squeeze %dma_wait3A_782 : memref<1x125x32xf32, #tpu.memory_space<vmem>> -> memref<125x32xf32, #tpu.memory_space<vmem>>
    %dma_wait3A_784 = arith.constant 0 : i32
    %dma_wait3A_785 = tpu.memref_slice %arg6[%dma_wait3A_778, %dma_wait3A_784] : memref<80x125xi32, #tpu.memory_space<vmem>> -> memref<1x125xi32, #tpu.memory_space<vmem>>
    %dma_wait3A_786 = tpu.memref_squeeze %dma_wait3A_785 : memref<1x125xi32, #tpu.memory_space<vmem>> -> memref<125xi32, #tpu.memory_space<vmem>>
    %dma_wait3A_787 = arith.constant 0 : i32
    %dma_wait3A_788 = arith.constant 0 : i32
    %dma_wait3A_789 = tpu.memref_slice %arg9[%dma_wait3A_787, %dma_wait3A_788] : memref<10016x32xf32, #tpu.memory_space<vmem_shared>> -> memref<10016x32xf32, #tpu.memory_space<vmem_shared>>
    %dma_wait3A_790 = tpu.memref_slice %arg11[%dma_wait3A_779] : memref<12x!tpu.dma_semaphore, #tpu.memory_space<semaphore_mem>> -> memref<1x!tpu.dma_semaphore, #tpu.memory_space<semaphore_mem>>
    %dma_wait3A_791 = tpu.memref_squeeze %dma_wait3A_790 : memref<1x!tpu.dma_semaphore, #tpu.memory_space<semaphore_mem>> -> memref<!tpu.dma_semaphore, #tpu.memory_space<semaphore_mem>>
    tpu.wait_indirect_dma semaphore(%dma_wait3A_791 : memref<!tpu.dma_semaphore, #tpu.memory_space<semaphore_mem>>) src(%dma_wait3A_783 : memref<125x32xf32, #tpu.memory_space<vmem>>) dst(%dma_wait3A_789 : memref<10016x32xf32, #tpu.memory_space<vmem_shared>>)
    %dma_wait3A_792 = arith.constant 7 : i32
    %dma_wait3A_793 = arith.constant 0 : i32
    %dma_wait3A_794 = arith.constant 7 : i32
    %dma_wait3A_795 = arith.constant 0 : i32
    %dma_wait3A_796 = arith.constant 0 : i32
    %dma_wait3A_797 = tpu.memref_slice %arg7[%dma_wait3A_792, %dma_wait3A_795, %dma_wait3A_796] : memref<12x125x32xf32, #tpu.memory_space<vmem>> -> memref<1x125x32xf32, #tpu.memory_space<vmem>>
    %dma_wait3A_798 = tpu.memref_squeeze %dma_wait3A_797 : memref<1x125x32xf32, #tpu.memory_space<vmem>> -> memref<125x32xf32, #tpu.memory_space<vmem>>
    %dma_wait3A_799 = arith.constant 0 : i32
    %dma_wait3A_800 = tpu.memref_slice %arg6[%dma_wait3A_793, %dma_wait3A_799] : memref<80x125xi32, #tpu.memory_space<vmem>> -> memref<1x125xi32, #tpu.memory_space<vmem>>
    %dma_wait3A_801 = tpu.memref_squeeze %dma_wait3A_800 : memref<1x125xi32, #tpu.memory_space<vmem>> -> memref<125xi32, #tpu.memory_space<vmem>>
    %dma_wait3A_802 = arith.constant 0 : i32
    %dma_wait3A_803 = arith.constant 0 : i32
    %dma_wait3A_804 = tpu.memref_slice %arg9[%dma_wait3A_802, %dma_wait3A_803] : memref<10016x32xf32, #tpu.memory_space<vmem_shared>> -> memref<10016x32xf32, #tpu.memory_space<vmem_shared>>
    %dma_wait3A_805 = tpu.memref_slice %arg11[%dma_wait3A_794] : memref<12x!tpu.dma_semaphore, #tpu.memory_space<semaphore_mem>> -> memref<1x!tpu.dma_semaphore, #tpu.memory_space<semaphore_mem>>
    %dma_wait3A_806 = tpu.memref_squeeze %dma_wait3A_805 : memref<1x!tpu.dma_semaphore, #tpu.memory_space<semaphore_mem>> -> memref<!tpu.dma_semaphore, #tpu.memory_space<semaphore_mem>>
    tpu.wait_indirect_dma semaphore(%dma_wait3A_806 : memref<!tpu.dma_semaphore, #tpu.memory_space<semaphore_mem>>) src(%dma_wait3A_798 : memref<125x32xf32, #tpu.memory_space<vmem>>) dst(%dma_wait3A_804 : memref<10016x32xf32, #tpu.memory_space<vmem_shared>>)
    %barrier3A_807 = arith.constant 0 : index
    tpu.barrier barrier_id(%barrier3A_807)
    "tpu.region"() ({
      %run_scoped3A = tpu.sem_alloc : memref<!tpu.dma_semaphore, #tpu.memory_space<semaphore_mem>>
      %dma_start3A_808 = arith.constant 0 : i32
      %dma_start3A_809 = arith.constant 0 : i32
      %dma_start3A_810 = tpu.memref_slice %arg4[%arg0, %dma_start3A_808, %dma_start3A_809] : memref<2x10016x32xf32, #tpu.memory_space<hbm>> -> memref<1x10016x32xf32, #tpu.memory_space<hbm>>
      %dma_start3A_811 = tpu.memref_squeeze %dma_start3A_810 : memref<1x10016x32xf32, #tpu.memory_space<hbm>> -> memref<10016x32xf32, #tpu.memory_space<hbm>>
      %dma_start3A_812 = arith.constant 0 : i32
      %dma_start3A_813 = tpu.memref_slice %dma_start3A_811[%mul3A_44, %dma_start3A_812] : memref<10016x32xf32, #tpu.memory_space<hbm>> -> memref<626x32xf32, #tpu.memory_space<hbm>>
      %dma_start3A_814 = arith.constant 0 : i32
      %dma_start3A_815 = tpu.memref_slice %arg9[%mul3A_44, %dma_start3A_814] : memref<10016x32xf32, #tpu.memory_space<vmem_shared>> -> memref<626x32xf32, #tpu.memory_space<vmem_shared>>
      tpu.enqueue_dma source(%dma_start3A_815 : memref<626x32xf32, #tpu.memory_space<vmem_shared>>) target(%dma_start3A_813 : memref<626x32xf32, #tpu.memory_space<hbm>>) target_semaphore(%run_scoped3A : memref<!tpu.dma_semaphore, #tpu.memory_space<semaphore_mem>>)
      %dma_wait3A_816 = arith.constant 0 : i32
      %dma_wait3A_817 = arith.constant 0 : i32
      %dma_wait3A_818 = tpu.memref_slice %arg4[%arg0, %dma_wait3A_816, %dma_wait3A_817] : memref<2x10016x32xf32, #tpu.memory_space<hbm>> -> memref<1x10016x32xf32, #tpu.memory_space<hbm>>
      %dma_wait3A_819 = tpu.memref_squeeze %dma_wait3A_818 : memref<1x10016x32xf32, #tpu.memory_space<hbm>> -> memref<10016x32xf32, #tpu.memory_space<hbm>>
      %dma_wait3A_820 = arith.constant 0 : i32
      %dma_wait3A_821 = tpu.memref_slice %dma_wait3A_819[%mul3A_44, %dma_wait3A_820] : memref<10016x32xf32, #tpu.memory_space<hbm>> -> memref<626x32xf32, #tpu.memory_space<hbm>>
      %dma_wait3A_822 = arith.constant 0 : i32
      %dma_wait3A_823 = tpu.memref_slice %arg9[%mul3A_44, %dma_wait3A_822] : memref<10016x32xf32, #tpu.memory_space<vmem_shared>> -> memref<626x32xf32, #tpu.memory_space<vmem_shared>>
      tpu.wait_dma2 semaphore(%run_scoped3A : memref<!tpu.dma_semaphore, #tpu.memory_space<semaphore_mem>>) src(%dma_wait3A_823 : memref<626x32xf32, #tpu.memory_space<vmem_shared>>) dst(%dma_wait3A_821 : memref<626x32xf32, #tpu.memory_space<hbm>>)
      tpu.yield
    }) : () -> ()
    return
  }
}

#map = affine_map<(d0, d1) -> (0, 0)>
#map1 = affine_map<(d0, d1) -> (0, 0, 0, 0)>
#map2 = affine_map<(d0, d1) -> (0, 0, 0)>
module attributes {stable_mosaic.version = 14 : i64} {
  func.func @seg_kernel(%arg0: i32, %arg1: i32, %arg2: memref<10016x32xf32, #tpu.memory_space<hbm>>, %arg3: memref<2x32x80x125xi32, #tpu.memory_space<hbm>>, %arg4: memref<2x10016x32xf32, #tpu.memory_space<hbm>>, %arg5: memref<80x125xi32, #tpu.memory_space<vmem>>, %arg6: memref<80x125xi32, #tpu.memory_space<vmem>>, %arg7: memref<12x125x32xf32, #tpu.memory_space<vmem>>, %arg8: memref<626x32xf32, #tpu.memory_space<vmem>>, %arg9: memref<10016x32xf32, #tpu.memory_space<vmem_shared>>, %arg10: memref<12x!tpu.dma_semaphore, #tpu.memory_space<semaphore_mem>>, %arg11: memref<12x!tpu.dma_semaphore, #tpu.memory_space<semaphore_mem>>, %arg12: memref<!tpu.dma_semaphore, #tpu.memory_space<semaphore_mem>>) attributes {dimension_semantics = [#tpu.dimension_semantics<core_parallel>, #tpu.dimension_semantics<subcore_parallel>], iteration_bounds = array<i64: 2, 16>, scalar_prefetch = 0 : i64, scratch_operands = 8 : i64, tpu.core_type = #tpu.core_type<sc_vector_subcore>, window_params = [{transform_indices = #map}, {transform_indices = #map1}, {transform_indices = #map2}]} {
    %mul3A = arith.constant 16 : i32
    %mul3A_0 = arith.muli %arg0, %mul3A : i32
    %add3A = arith.addi %mul3A_0, %arg1 : i32
    %dma_start3A = arith.constant 0 : i32
    %dma_start3A_1 = arith.constant 0 : i32
    %dma_start3A_2 = arith.constant 0 : i32
    %dma_start3A_3 = arith.constant 0 : i32
    %dma_start3A_4 = tpu.memref_slice %arg3[%dma_start3A, %dma_start3A_1, %dma_start3A_2, %dma_start3A_3] : memref<2x32x80x125xi32, #tpu.memory_space<hbm>> -> memref<1x32x80x125xi32, #tpu.memory_space<hbm>>
    %dma_start3A_5 = tpu.memref_squeeze %dma_start3A_4 : memref<1x32x80x125xi32, #tpu.memory_space<hbm>> -> memref<32x80x125xi32, #tpu.memory_space<hbm>>
    %dma_start3A_6 = arith.constant 0 : i32
    %dma_start3A_7 = arith.constant 0 : i32
    %dma_start3A_8 = tpu.memref_slice %dma_start3A_5[%add3A, %dma_start3A_6, %dma_start3A_7] : memref<32x80x125xi32, #tpu.memory_space<hbm>> -> memref<1x80x125xi32, #tpu.memory_space<hbm>>
    %dma_start3A_9 = tpu.memref_squeeze %dma_start3A_8 : memref<1x80x125xi32, #tpu.memory_space<hbm>> -> memref<80x125xi32, #tpu.memory_space<hbm>>
    %dma_start3A_10 = arith.constant 0 : i32
    %dma_start3A_11 = arith.constant 0 : i32
    %dma_start3A_12 = arith.constant 0 : i32
    %dma_start3A_13 = tpu.memref_slice %arg3[%dma_start3A, %dma_start3A_10, %dma_start3A_11, %dma_start3A_12] : memref<2x32x80x125xi32, #tpu.memory_space<hbm>> -> memref<1x32x80x125xi32, #tpu.memory_space<hbm>>
    %dma_start3A_14 = tpu.memref_squeeze %dma_start3A_13 : memref<1x32x80x125xi32, #tpu.memory_space<hbm>> -> memref<32x80x125xi32, #tpu.memory_space<hbm>>
    %dma_start3A_15 = arith.constant 0 : i32
    %dma_start3A_16 = arith.constant 0 : i32
    %dma_start3A_17 = tpu.memref_slice %dma_start3A_14[%add3A, %dma_start3A_15, %dma_start3A_16] : memref<32x80x125xi32, #tpu.memory_space<hbm>> -> memref<1x80x125xi32, #tpu.memory_space<hbm>>
    %dma_start3A_18 = tpu.memref_squeeze %dma_start3A_17 : memref<1x80x125xi32, #tpu.memory_space<hbm>> -> memref<80x125xi32, #tpu.memory_space<hbm>>
    tpu.enqueue_dma source(%dma_start3A_18 : memref<80x125xi32, #tpu.memory_space<hbm>>) target(%arg5 : memref<80x125xi32, #tpu.memory_space<vmem>>) target_semaphore(%arg12 : memref<!tpu.dma_semaphore, #tpu.memory_space<semaphore_mem>>)
    %dma_start3A_19 = arith.constant 1 : i32
    %dma_start3A_20 = arith.constant 0 : i32
    %dma_start3A_21 = arith.constant 0 : i32
    %dma_start3A_22 = arith.constant 0 : i32
    %dma_start3A_23 = tpu.memref_slice %arg3[%dma_start3A_19, %dma_start3A_20, %dma_start3A_21, %dma_start3A_22] : memref<2x32x80x125xi32, #tpu.memory_space<hbm>> -> memref<1x32x80x125xi32, #tpu.memory_space<hbm>>
    %dma_start3A_24 = tpu.memref_squeeze %dma_start3A_23 : memref<1x32x80x125xi32, #tpu.memory_space<hbm>> -> memref<32x80x125xi32, #tpu.memory_space<hbm>>
    %dma_start3A_25 = arith.constant 0 : i32
    %dma_start3A_26 = arith.constant 0 : i32
    %dma_start3A_27 = tpu.memref_slice %dma_start3A_24[%add3A, %dma_start3A_25, %dma_start3A_26] : memref<32x80x125xi32, #tpu.memory_space<hbm>> -> memref<1x80x125xi32, #tpu.memory_space<hbm>>
    %dma_start3A_28 = tpu.memref_squeeze %dma_start3A_27 : memref<1x80x125xi32, #tpu.memory_space<hbm>> -> memref<80x125xi32, #tpu.memory_space<hbm>>
    %dma_start3A_29 = arith.constant 0 : i32
    %dma_start3A_30 = arith.constant 0 : i32
    %dma_start3A_31 = arith.constant 0 : i32
    %dma_start3A_32 = tpu.memref_slice %arg3[%dma_start3A_19, %dma_start3A_29, %dma_start3A_30, %dma_start3A_31] : memref<2x32x80x125xi32, #tpu.memory_space<hbm>> -> memref<1x32x80x125xi32, #tpu.memory_space<hbm>>
    %dma_start3A_33 = tpu.memref_squeeze %dma_start3A_32 : memref<1x32x80x125xi32, #tpu.memory_space<hbm>> -> memref<32x80x125xi32, #tpu.memory_space<hbm>>
    %dma_start3A_34 = arith.constant 0 : i32
    %dma_start3A_35 = arith.constant 0 : i32
    %dma_start3A_36 = tpu.memref_slice %dma_start3A_33[%add3A, %dma_start3A_34, %dma_start3A_35] : memref<32x80x125xi32, #tpu.memory_space<hbm>> -> memref<1x80x125xi32, #tpu.memory_space<hbm>>
    %dma_start3A_37 = tpu.memref_squeeze %dma_start3A_36 : memref<1x80x125xi32, #tpu.memory_space<hbm>> -> memref<80x125xi32, #tpu.memory_space<hbm>>
    tpu.enqueue_dma source(%dma_start3A_37 : memref<80x125xi32, #tpu.memory_space<hbm>>) target(%arg6 : memref<80x125xi32, #tpu.memory_space<vmem>>) target_semaphore(%arg12 : memref<!tpu.dma_semaphore, #tpu.memory_space<semaphore_mem>>)
    %broadcast_in_dim3A = arith.constant 0.000000e+00 : f32
    %broadcast_in_dim3A_38 = vector.broadcast %broadcast_in_dim3A : f32 to vector<16xf32>
    %scan3A = arith.constant 0 : i32
    %scan3A_39 = arith.constant 626 : i32
    %scan3A_40 = arith.addi %scan3A, %scan3A_39 : i32
    %scan3A_41 = arith.constant 1 : i32
    scf.for %scan3A_808 = %scan3A to %scan3A_40 step %scan3A_41  : i32 {
      %mul3A_809 = arith.constant 1 : i32
      %mul3A_810 = arith.muli %scan3A_808, %mul3A_809 : i32
      %add3A_811 = arith.constant 0 : i32
      %add3A_812 = arith.addi %add3A_811, %mul3A_810 : i32
      %swap3A = arith.index_cast %add3A_812 : i32 to index
      %swap3A_813 = arith.constant 0 : index
      %swap3A_814 = tpu.vector_load %arg8[%swap3A, %swap3A_813] {strides = array<i32>} : memref<626x32xf32, #tpu.memory_space<vmem>>, vector<1x16xf32>,
      %swap3A_815 = vector.shape_cast %swap3A_814 : vector<1x16xf32> to vector<16xf32>
      %swap3A_816 = vector.shape_cast %broadcast_in_dim3A_38 : vector<16xf32> to vector<1x16xf32>
      tpu.vector_store %arg8[%swap3A, %swap3A_813], %swap3A_816 {strides = array<i32>} : memref<626x32xf32, #tpu.memory_space<vmem>>, vector<1x16xf32>,
      %swap3A_817 = arith.index_cast %add3A_812 : i32 to index
      %swap3A_818 = arith.constant 16 : index
      %swap3A_819 = tpu.vector_load %arg8[%swap3A_817, %swap3A_818] {strides = array<i32>} : memref<626x32xf32, #tpu.memory_space<vmem>>, vector<1x16xf32>,
      %swap3A_820 = vector.shape_cast %swap3A_819 : vector<1x16xf32> to vector<16xf32>
      %swap3A_821 = vector.shape_cast %broadcast_in_dim3A_38 : vector<16xf32> to vector<1x16xf32>
      tpu.vector_store %arg8[%swap3A_817, %swap3A_818], %swap3A_821 {strides = array<i32>} : memref<626x32xf32, #tpu.memory_space<vmem>>, vector<1x16xf32>,
    }
    %scan3A_42 = arith.constant 626 : i32
    %mul3A_43 = arith.constant 626 : i32
    %mul3A_44 = arith.muli %arg1, %mul3A_43 : i32
    "tpu.region"() ({
      %run_scoped3A = tpu.sem_alloc : memref<!tpu.dma_semaphore, #tpu.memory_space<semaphore_mem>>
      %dma_start3A_808 = arith.constant 0 : i32
      %dma_start3A_809 = tpu.memref_slice %arg9[%mul3A_44, %dma_start3A_808] : memref<10016x32xf32, #tpu.memory_space<vmem_shared>> -> memref<626x32xf32, #tpu.memory_space<vmem_shared>>
      %dma_start3A_810 = arith.constant 0 : i32
      %dma_start3A_811 = tpu.memref_slice %arg9[%mul3A_44, %dma_start3A_810] : memref<10016x32xf32, #tpu.memory_space<vmem_shared>> -> memref<626x32xf32, #tpu.memory_space<vmem_shared>>
      tpu.enqueue_dma source(%arg8 : memref<626x32xf32, #tpu.memory_space<vmem>>) target(%dma_start3A_811 : memref<626x32xf32, #tpu.memory_space<vmem_shared>>) target_semaphore(%run_scoped3A : memref<!tpu.dma_semaphore, #tpu.memory_space<semaphore_mem>>)
      %dma_wait3A_812 = arith.constant 0 : i32
      %dma_wait3A_813 = tpu.memref_slice %arg9[%mul3A_44, %dma_wait3A_812] : memref<10016x32xf32, #tpu.memory_space<vmem_shared>> -> memref<626x32xf32, #tpu.memory_space<vmem_shared>>
      %dma_wait3A_814 = arith.constant 0 : i32
      %dma_wait3A_815 = tpu.memref_slice %arg9[%mul3A_44, %dma_wait3A_814] : memref<10016x32xf32, #tpu.memory_space<vmem_shared>> -> memref<626x32xf32, #tpu.memory_space<vmem_shared>>
      tpu.wait_dma2 semaphore(%run_scoped3A : memref<!tpu.dma_semaphore, #tpu.memory_space<semaphore_mem>>) src(%arg8 : memref<626x32xf32, #tpu.memory_space<vmem>>) dst(%dma_wait3A_815 : memref<626x32xf32, #tpu.memory_space<vmem_shared>>)
      tpu.yield
    }) : () -> ()
    %dma_wait3A = arith.constant 0 : i32
    %dma_wait3A_45 = arith.constant 0 : i32
    %dma_wait3A_46 = arith.constant 0 : i32
    %dma_wait3A_47 = arith.constant 0 : i32
    %dma_wait3A_48 = tpu.memref_slice %arg3[%dma_wait3A, %dma_wait3A_45, %dma_wait3A_46, %dma_wait3A_47] : memref<2x32x80x125xi32, #tpu.memory_space<hbm>> -> memref<1x32x80x125xi32, #tpu.memory_space<hbm>>
    %dma_wait3A_49 = tpu.memref_squeeze %dma_wait3A_48 : memref<1x32x80x125xi32, #tpu.memory_space<hbm>> -> memref<32x80x125xi32, #tpu.memory_space<hbm>>
    %dma_wait3A_50 = arith.constant 0 : i32
    %dma_wait3A_51 = arith.constant 0 : i32
    %dma_wait3A_52 = tpu.memref_slice %dma_wait3A_49[%add3A, %dma_wait3A_50, %dma_wait3A_51] : memref<32x80x125xi32, #tpu.memory_space<hbm>> -> memref<1x80x125xi32, #tpu.memory_space<hbm>>
    %dma_wait3A_53 = tpu.memref_squeeze %dma_wait3A_52 : memref<1x80x125xi32, #tpu.memory_space<hbm>> -> memref<80x125xi32, #tpu.memory_space<hbm>>
    %dma_wait3A_54 = arith.constant 0 : i32
    %dma_wait3A_55 = arith.constant 0 : i32
    %dma_wait3A_56 = arith.constant 0 : i32
    %dma_wait3A_57 = tpu.memref_slice %arg3[%dma_wait3A, %dma_wait3A_54, %dma_wait3A_55, %dma_wait3A_56] : memref<2x32x80x125xi32, #tpu.memory_space<hbm>> -> memref<1x32x80x125xi32, #tpu.memory_space<hbm>>
    %dma_wait3A_58 = tpu.memref_squeeze %dma_wait3A_57 : memref<1x32x80x125xi32, #tpu.memory_space<hbm>> -> memref<32x80x125xi32, #tpu.memory_space<hbm>>
    %dma_wait3A_59 = arith.constant 0 : i32
    %dma_wait3A_60 = arith.constant 0 : i32
    %dma_wait3A_61 = tpu.memref_slice %dma_wait3A_58[%add3A, %dma_wait3A_59, %dma_wait3A_60] : memref<32x80x125xi32, #tpu.memory_space<hbm>> -> memref<1x80x125xi32, #tpu.memory_space<hbm>>
    %dma_wait3A_62 = tpu.memref_squeeze %dma_wait3A_61 : memref<1x80x125xi32, #tpu.memory_space<hbm>> -> memref<80x125xi32, #tpu.memory_space<hbm>>
    tpu.wait_dma2 semaphore(%arg12 : memref<!tpu.dma_semaphore, #tpu.memory_space<semaphore_mem>>) src(%dma_wait3A_62 : memref<80x125xi32, #tpu.memory_space<hbm>>) dst(%arg5 : memref<80x125xi32, #tpu.memory_space<vmem>>)
    %dma_wait3A_63 = arith.constant 1 : i32
    %dma_wait3A_64 = arith.constant 0 : i32
    %dma_wait3A_65 = arith.constant 0 : i32
    %dma_wait3A_66 = arith.constant 0 : i32
    %dma_wait3A_67 = tpu.memref_slice %arg3[%dma_wait3A_63, %dma_wait3A_64, %dma_wait3A_65, %dma_wait3A_66] : memref<2x32x80x125xi32, #tpu.memory_space<hbm>> -> memref<1x32x80x125xi32, #tpu.memory_space<hbm>>
    %dma_wait3A_68 = tpu.memref_squeeze %dma_wait3A_67 : memref<1x32x80x125xi32, #tpu.memory_space<hbm>> -> memref<32x80x125xi32, #tpu.memory_space<hbm>>
    %dma_wait3A_69 = arith.constant 0 : i32
    %dma_wait3A_70 = arith.constant 0 : i32
    %dma_wait3A_71 = tpu.memref_slice %dma_wait3A_68[%add3A, %dma_wait3A_69, %dma_wait3A_70] : memref<32x80x125xi32, #tpu.memory_space<hbm>> -> memref<1x80x125xi32, #tpu.memory_space<hbm>>
    %dma_wait3A_72 = tpu.memref_squeeze %dma_wait3A_71 : memref<1x80x125xi32, #tpu.memory_space<hbm>> -> memref<80x125xi32, #tpu.memory_space<hbm>>
    %dma_wait3A_73 = arith.constant 0 : i32
    %dma_wait3A_74 = arith.constant 0 : i32
    %dma_wait3A_75 = arith.constant 0 : i32
    %dma_wait3A_76 = tpu.memref_slice %arg3[%dma_wait3A_63, %dma_wait3A_73, %dma_wait3A_74, %dma_wait3A_75] : memref<2x32x80x125xi32, #tpu.memory_space<hbm>> -> memref<1x32x80x125xi32, #tpu.memory_space<hbm>>
    %dma_wait3A_77 = tpu.memref_squeeze %dma_wait3A_76 : memref<1x32x80x125xi32, #tpu.memory_space<hbm>> -> memref<32x80x125xi32, #tpu.memory_space<hbm>>
    %dma_wait3A_78 = arith.constant 0 : i32
    %dma_wait3A_79 = arith.constant 0 : i32
    %dma_wait3A_80 = tpu.memref_slice %dma_wait3A_77[%add3A, %dma_wait3A_78, %dma_wait3A_79] : memref<32x80x125xi32, #tpu.memory_space<hbm>> -> memref<1x80x125xi32, #tpu.memory_space<hbm>>
    %dma_wait3A_81 = tpu.memref_squeeze %dma_wait3A_80 : memref<1x80x125xi32, #tpu.memory_space<hbm>> -> memref<80x125xi32, #tpu.memory_space<hbm>>
    tpu.wait_dma2 semaphore(%arg12 : memref<!tpu.dma_semaphore, #tpu.memory_space<semaphore_mem>>) src(%dma_wait3A_81 : memref<80x125xi32, #tpu.memory_space<hbm>>) dst(%arg6 : memref<80x125xi32, #tpu.memory_space<vmem>>)
    %dma_start3A_82 = arith.constant 0 : i32
    %dma_start3A_83 = arith.constant 0 : i32
    %dma_start3A_84 = arith.constant 0 : i32
    %dma_start3A_85 = arith.constant 0 : i32
    %dma_start3A_86 = arith.constant 0 : i32
    %dma_start3A_87 = tpu.memref_slice %arg7[%dma_start3A_83, %dma_start3A_85, %dma_start3A_86] : memref<12x125x32xf32, #tpu.memory_space<vmem>> -> memref<1x125x32xf32, #tpu.memory_space<vmem>>
    %dma_start3A_88 = tpu.memref_squeeze %dma_start3A_87 : memref<1x125x32xf32, #tpu.memory_space<vmem>> -> memref<125x32xf32, #tpu.memory_space<vmem>>
    %dma_start3A_89 = arith.constant 0 : i32
    %dma_start3A_90 = tpu.memref_slice %arg5[%dma_start3A_82, %dma_start3A_89] : memref<80x125xi32, #tpu.memory_space<vmem>> -> memref<1x125xi32, #tpu.memory_space<vmem>>
    %dma_start3A_91 = tpu.memref_squeeze %dma_start3A_90 : memref<1x125xi32, #tpu.memory_space<vmem>> -> memref<125xi32, #tpu.memory_space<vmem>>
    %dma_start3A_92 = arith.constant 0 : i32
    %dma_start3A_93 = arith.constant 0 : i32
    %dma_start3A_94 = tpu.memref_slice %arg2[%dma_start3A_92, %dma_start3A_93] : memref<10016x32xf32, #tpu.memory_space<hbm>> -> memref<10016x32xf32, #tpu.memory_space<hbm>>
    %dma_start3A_95 = tpu.memref_slice %arg10[%dma_start3A_84] : memref<12x!tpu.dma_semaphore, #tpu.memory_space<semaphore_mem>> -> memref<1x!tpu.dma_semaphore, #tpu.memory_space<semaphore_mem>>
    %dma_start3A_96 = tpu.memref_squeeze %dma_start3A_95 : memref<1x!tpu.dma_semaphore, #tpu.memory_space<semaphore_mem>> -> memref<!tpu.dma_semaphore, #tpu.memory_space<semaphore_mem>>
    tpu.enqueue_indirect_dma source(%dma_start3A_94 : memref<10016x32xf32, #tpu.memory_space<hbm>>) target(%dma_start3A_88 : memref<125x32xf32, #tpu.memory_space<vmem>>) offsets(%dma_start3A_91 : memref<125xi32, #tpu.memory_space<vmem>>) semaphore(%dma_start3A_96 : memref<!tpu.dma_semaphore, #tpu.memory_space<semaphore_mem>>)
    %dma_start3A_97 = arith.constant 1 : i32
    %dma_start3A_98 = arith.constant 1 : i32
    %dma_start3A_99 = arith.constant 1 : i32
    %dma_start3A_100 = arith.constant 0 : i32
    %dma_start3A_101 = arith.constant 0 : i32
    %dma_start3A_102 = tpu.memref_slice %arg7[%dma_start3A_98, %dma_start3A_100, %dma_start3A_101] : memref<12x125x32xf32, #tpu.memory_space<vmem>> -> memref<1x125x32xf32, #tpu.memory_space<vmem>>
    %dma_start3A_103 = tpu.memref_squeeze %dma_start3A_102 : memref<1x125x32xf32, #tpu.memory_space<vmem>> -> memref<125x32xf32, #tpu.memory_space<vmem>>
    %dma_start3A_104 = arith.constant 0 : i32
    %dma_start3A_105 = tpu.memref_slice %arg5[%dma_start3A_97, %dma_start3A_104] : memref<80x125xi32, #tpu.memory_space<vmem>> -> memref<1x125xi32, #tpu.memory_space<vmem>>
    %dma_start3A_106 = tpu.memref_squeeze %dma_start3A_105 : memref<1x125xi32, #tpu.memory_space<vmem>> -> memref<125xi32, #tpu.memory_space<vmem>>
    %dma_start3A_107 = arith.constant 0 : i32
    %dma_start3A_108 = arith.constant 0 : i32
    %dma_start3A_109 = tpu.memref_slice %arg2[%dma_start3A_107, %dma_start3A_108] : memref<10016x32xf32, #tpu.memory_space<hbm>> -> memref<10016x32xf32, #tpu.memory_space<hbm>>
    %dma_start3A_110 = tpu.memref_slice %arg10[%dma_start3A_99] : memref<12x!tpu.dma_semaphore, #tpu.memory_space<semaphore_mem>> -> memref<1x!tpu.dma_semaphore, #tpu.memory_space<semaphore_mem>>
    %dma_start3A_111 = tpu.memref_squeeze %dma_start3A_110 : memref<1x!tpu.dma_semaphore, #tpu.memory_space<semaphore_mem>> -> memref<!tpu.dma_semaphore, #tpu.memory_space<semaphore_mem>>
    tpu.enqueue_indirect_dma source(%dma_start3A_109 : memref<10016x32xf32, #tpu.memory_space<hbm>>) target(%dma_start3A_103 : memref<125x32xf32, #tpu.memory_space<vmem>>) offsets(%dma_start3A_106 : memref<125xi32, #tpu.memory_space<vmem>>) semaphore(%dma_start3A_111 : memref<!tpu.dma_semaphore, #tpu.memory_space<semaphore_mem>>)
    %dma_start3A_112 = arith.constant 2 : i32
    %dma_start3A_113 = arith.constant 2 : i32
    %dma_start3A_114 = arith.constant 2 : i32
    %dma_start3A_115 = arith.constant 0 : i32
    %dma_start3A_116 = arith.constant 0 : i32
    %dma_start3A_117 = tpu.memref_slice %arg7[%dma_start3A_113, %dma_start3A_115, %dma_start3A_116] : memref<12x125x32xf32, #tpu.memory_space<vmem>> -> memref<1x125x32xf32, #tpu.memory_space<vmem>>
    %dma_start3A_118 = tpu.memref_squeeze %dma_start3A_117 : memref<1x125x32xf32, #tpu.memory_space<vmem>> -> memref<125x32xf32, #tpu.memory_space<vmem>>
    %dma_start3A_119 = arith.constant 0 : i32
    %dma_start3A_120 = tpu.memref_slice %arg5[%dma_start3A_112, %dma_start3A_119] : memref<80x125xi32, #tpu.memory_space<vmem>> -> memref<1x125xi32, #tpu.memory_space<vmem>>
    %dma_start3A_121 = tpu.memref_squeeze %dma_start3A_120 : memref<1x125xi32, #tpu.memory_space<vmem>> -> memref<125xi32, #tpu.memory_space<vmem>>
    %dma_start3A_122 = arith.constant 0 : i32
    %dma_start3A_123 = arith.constant 0 : i32
    %dma_start3A_124 = tpu.memref_slice %arg2[%dma_start3A_122, %dma_start3A_123] : memref<10016x32xf32, #tpu.memory_space<hbm>> -> memref<10016x32xf32, #tpu.memory_space<hbm>>
    %dma_start3A_125 = tpu.memref_slice %arg10[%dma_start3A_114] : memref<12x!tpu.dma_semaphore, #tpu.memory_space<semaphore_mem>> -> memref<1x!tpu.dma_semaphore, #tpu.memory_space<semaphore_mem>>
    %dma_start3A_126 = tpu.memref_squeeze %dma_start3A_125 : memref<1x!tpu.dma_semaphore, #tpu.memory_space<semaphore_mem>> -> memref<!tpu.dma_semaphore, #tpu.memory_space<semaphore_mem>>
    tpu.enqueue_indirect_dma source(%dma_start3A_124 : memref<10016x32xf32, #tpu.memory_space<hbm>>) target(%dma_start3A_118 : memref<125x32xf32, #tpu.memory_space<vmem>>) offsets(%dma_start3A_121 : memref<125xi32, #tpu.memory_space<vmem>>) semaphore(%dma_start3A_126 : memref<!tpu.dma_semaphore, #tpu.memory_space<semaphore_mem>>)
    %dma_start3A_127 = arith.constant 3 : i32
    %dma_start3A_128 = arith.constant 3 : i32
    %dma_start3A_129 = arith.constant 3 : i32
    %dma_start3A_130 = arith.constant 0 : i32
    %dma_start3A_131 = arith.constant 0 : i32
    %dma_start3A_132 = tpu.memref_slice %arg7[%dma_start3A_128, %dma_start3A_130, %dma_start3A_131] : memref<12x125x32xf32, #tpu.memory_space<vmem>> -> memref<1x125x32xf32, #tpu.memory_space<vmem>>
    %dma_start3A_133 = tpu.memref_squeeze %dma_start3A_132 : memref<1x125x32xf32, #tpu.memory_space<vmem>> -> memref<125x32xf32, #tpu.memory_space<vmem>>
    %dma_start3A_134 = arith.constant 0 : i32
    %dma_start3A_135 = tpu.memref_slice %arg5[%dma_start3A_127, %dma_start3A_134] : memref<80x125xi32, #tpu.memory_space<vmem>> -> memref<1x125xi32, #tpu.memory_space<vmem>>
    %dma_start3A_136 = tpu.memref_squeeze %dma_start3A_135 : memref<1x125xi32, #tpu.memory_space<vmem>> -> memref<125xi32, #tpu.memory_space<vmem>>
    %dma_start3A_137 = arith.constant 0 : i32
    %dma_start3A_138 = arith.constant 0 : i32
    %dma_start3A_139 = tpu.memref_slice %arg2[%dma_start3A_137, %dma_start3A_138] : memref<10016x32xf32, #tpu.memory_space<hbm>> -> memref<10016x32xf32, #tpu.memory_space<hbm>>
    %dma_start3A_140 = tpu.memref_slice %arg10[%dma_start3A_129] : memref<12x!tpu.dma_semaphore, #tpu.memory_space<semaphore_mem>> -> memref<1x!tpu.dma_semaphore, #tpu.memory_space<semaphore_mem>>
    %dma_start3A_141 = tpu.memref_squeeze %dma_start3A_140 : memref<1x!tpu.dma_semaphore, #tpu.memory_space<semaphore_mem>> -> memref<!tpu.dma_semaphore, #tpu.memory_space<semaphore_mem>>
    tpu.enqueue_indirect_dma source(%dma_start3A_139 : memref<10016x32xf32, #tpu.memory_space<hbm>>) target(%dma_start3A_133 : memref<125x32xf32, #tpu.memory_space<vmem>>) offsets(%dma_start3A_136 : memref<125xi32, #tpu.memory_space<vmem>>) semaphore(%dma_start3A_141 : memref<!tpu.dma_semaphore, #tpu.memory_space<semaphore_mem>>)
    %dma_start3A_142 = arith.constant 4 : i32
    %dma_start3A_143 = arith.constant 4 : i32
    %dma_start3A_144 = arith.constant 4 : i32
    %dma_start3A_145 = arith.constant 0 : i32
    %dma_start3A_146 = arith.constant 0 : i32
    %dma_start3A_147 = tpu.memref_slice %arg7[%dma_start3A_143, %dma_start3A_145, %dma_start3A_146] : memref<12x125x32xf32, #tpu.memory_space<vmem>> -> memref<1x125x32xf32, #tpu.memory_space<vmem>>
    %dma_start3A_148 = tpu.memref_squeeze %dma_start3A_147 : memref<1x125x32xf32, #tpu.memory_space<vmem>> -> memref<125x32xf32, #tpu.memory_space<vmem>>
    %dma_start3A_149 = arith.constant 0 : i32
    %dma_start3A_150 = tpu.memref_slice %arg5[%dma_start3A_142, %dma_start3A_149] : memref<80x125xi32, #tpu.memory_space<vmem>> -> memref<1x125xi32, #tpu.memory_space<vmem>>
    %dma_start3A_151 = tpu.memref_squeeze %dma_start3A_150 : memref<1x125xi32, #tpu.memory_space<vmem>> -> memref<125xi32, #tpu.memory_space<vmem>>
    %dma_start3A_152 = arith.constant 0 : i32
    %dma_start3A_153 = arith.constant 0 : i32
    %dma_start3A_154 = tpu.memref_slice %arg2[%dma_start3A_152, %dma_start3A_153] : memref<10016x32xf32, #tpu.memory_space<hbm>> -> memref<10016x32xf32, #tpu.memory_space<hbm>>
    %dma_start3A_155 = tpu.memref_slice %arg10[%dma_start3A_144] : memref<12x!tpu.dma_semaphore, #tpu.memory_space<semaphore_mem>> -> memref<1x!tpu.dma_semaphore, #tpu.memory_space<semaphore_mem>>
    %dma_start3A_156 = tpu.memref_squeeze %dma_start3A_155 : memref<1x!tpu.dma_semaphore, #tpu.memory_space<semaphore_mem>> -> memref<!tpu.dma_semaphore, #tpu.memory_space<semaphore_mem>>
    tpu.enqueue_indirect_dma source(%dma_start3A_154 : memref<10016x32xf32, #tpu.memory_space<hbm>>) target(%dma_start3A_148 : memref<125x32xf32, #tpu.memory_space<vmem>>) offsets(%dma_start3A_151 : memref<125xi32, #tpu.memory_space<vmem>>) semaphore(%dma_start3A_156 : memref<!tpu.dma_semaphore, #tpu.memory_space<semaphore_mem>>)
    %dma_start3A_157 = arith.constant 5 : i32
    %dma_start3A_158 = arith.constant 5 : i32
    %dma_start3A_159 = arith.constant 5 : i32
    %dma_start3A_160 = arith.constant 0 : i32
    %dma_start3A_161 = arith.constant 0 : i32
    %dma_start3A_162 = tpu.memref_slice %arg7[%dma_start3A_158, %dma_start3A_160, %dma_start3A_161] : memref<12x125x32xf32, #tpu.memory_space<vmem>> -> memref<1x125x32xf32, #tpu.memory_space<vmem>>
    %dma_start3A_163 = tpu.memref_squeeze %dma_start3A_162 : memref<1x125x32xf32, #tpu.memory_space<vmem>> -> memref<125x32xf32, #tpu.memory_space<vmem>>
    %dma_start3A_164 = arith.constant 0 : i32
    %dma_start3A_165 = tpu.memref_slice %arg5[%dma_start3A_157, %dma_start3A_164] : memref<80x125xi32, #tpu.memory_space<vmem>> -> memref<1x125xi32, #tpu.memory_space<vmem>>
    %dma_start3A_166 = tpu.memref_squeeze %dma_start3A_165 : memref<1x125xi32, #tpu.memory_space<vmem>> -> memref<125xi32, #tpu.memory_space<vmem>>
    %dma_start3A_167 = arith.constant 0 : i32
    %dma_start3A_168 = arith.constant 0 : i32
    %dma_start3A_169 = tpu.memref_slice %arg2[%dma_start3A_167, %dma_start3A_168] : memref<10016x32xf32, #tpu.memory_space<hbm>> -> memref<10016x32xf32, #tpu.memory_space<hbm>>
    %dma_start3A_170 = tpu.memref_slice %arg10[%dma_start3A_159] : memref<12x!tpu.dma_semaphore, #tpu.memory_space<semaphore_mem>> -> memref<1x!tpu.dma_semaphore, #tpu.memory_space<semaphore_mem>>
    %dma_start3A_171 = tpu.memref_squeeze %dma_start3A_170 : memref<1x!tpu.dma_semaphore, #tpu.memory_space<semaphore_mem>> -> memref<!tpu.dma_semaphore, #tpu.memory_space<semaphore_mem>>
    tpu.enqueue_indirect_dma source(%dma_start3A_169 : memref<10016x32xf32, #tpu.memory_space<hbm>>) target(%dma_start3A_163 : memref<125x32xf32, #tpu.memory_space<vmem>>) offsets(%dma_start3A_166 : memref<125xi32, #tpu.memory_space<vmem>>) semaphore(%dma_start3A_171 : memref<!tpu.dma_semaphore, #tpu.memory_space<semaphore_mem>>)
    %barrier3A = arith.constant 0 : index
    tpu.barrier barrier_id(%barrier3A)
    %dma_start3A_172 = arith.constant 6 : i32
    %dma_start3A_173 = arith.constant 6 : i32
    %dma_start3A_174 = arith.constant 6 : i32
    %dma_start3A_175 = arith.constant 0 : i32
    %dma_start3A_176 = arith.constant 0 : i32
    %dma_start3A_177 = tpu.memref_slice %arg7[%dma_start3A_173, %dma_start3A_175, %dma_start3A_176] : memref<12x125x32xf32, #tpu.memory_space<vmem>> -> memref<1x125x32xf32, #tpu.memory_space<vmem>>
    %dma_start3A_178 = tpu.memref_squeeze %dma_start3A_177 : memref<1x125x32xf32, #tpu.memory_space<vmem>> -> memref<125x32xf32, #tpu.memory_space<vmem>>
    %dma_start3A_179 = arith.constant 0 : i32
    %dma_start3A_180 = tpu.memref_slice %arg5[%dma_start3A_172, %dma_start3A_179] : memref<80x125xi32, #tpu.memory_space<vmem>> -> memref<1x125xi32, #tpu.memory_space<vmem>>
    %dma_start3A_181 = tpu.memref_squeeze %dma_start3A_180 : memref<1x125xi32, #tpu.memory_space<vmem>> -> memref<125xi32, #tpu.memory_space<vmem>>
    %dma_start3A_182 = arith.constant 0 : i32
    %dma_start3A_183 = arith.constant 0 : i32
    %dma_start3A_184 = tpu.memref_slice %arg2[%dma_start3A_182, %dma_start3A_183] : memref<10016x32xf32, #tpu.memory_space<hbm>> -> memref<10016x32xf32, #tpu.memory_space<hbm>>
    %dma_start3A_185 = tpu.memref_slice %arg10[%dma_start3A_174] : memref<12x!tpu.dma_semaphore, #tpu.memory_space<semaphore_mem>> -> memref<1x!tpu.dma_semaphore, #tpu.memory_space<semaphore_mem>>
    %dma_start3A_186 = tpu.memref_squeeze %dma_start3A_185 : memref<1x!tpu.dma_semaphore, #tpu.memory_space<semaphore_mem>> -> memref<!tpu.dma_semaphore, #tpu.memory_space<semaphore_mem>>
    tpu.enqueue_indirect_dma source(%dma_start3A_184 : memref<10016x32xf32, #tpu.memory_space<hbm>>) target(%dma_start3A_178 : memref<125x32xf32, #tpu.memory_space<vmem>>) offsets(%dma_start3A_181 : memref<125xi32, #tpu.memory_space<vmem>>) semaphore(%dma_start3A_186 : memref<!tpu.dma_semaphore, #tpu.memory_space<semaphore_mem>>)
    %dma_wait3A_187 = arith.constant 0 : i32
    %dma_wait3A_188 = arith.constant 0 : i32
    %dma_wait3A_189 = arith.constant 0 : i32
    %dma_wait3A_190 = arith.constant 0 : i32
    %dma_wait3A_191 = arith.constant 0 : i32
    %dma_wait3A_192 = tpu.memref_slice %arg7[%dma_wait3A_188, %dma_wait3A_190, %dma_wait3A_191] : memref<12x125x32xf32, #tpu.memory_space<vmem>> -> memref<1x125x32xf32, #tpu.memory_space<vmem>>
    %dma_wait3A_193 = tpu.memref_squeeze %dma_wait3A_192 : memref<1x125x32xf32, #tpu.memory_space<vmem>> -> memref<125x32xf32, #tpu.memory_space<vmem>>
    %dma_wait3A_194 = arith.constant 0 : i32
    %dma_wait3A_195 = tpu.memref_slice %arg5[%dma_wait3A_187, %dma_wait3A_194] : memref<80x125xi32, #tpu.memory_space<vmem>> -> memref<1x125xi32, #tpu.memory_space<vmem>>
    %dma_wait3A_196 = tpu.memref_squeeze %dma_wait3A_195 : memref<1x125xi32, #tpu.memory_space<vmem>> -> memref<125xi32, #tpu.memory_space<vmem>>
    %dma_wait3A_197 = arith.constant 0 : i32
    %dma_wait3A_198 = arith.constant 0 : i32
    %dma_wait3A_199 = tpu.memref_slice %arg2[%dma_wait3A_197, %dma_wait3A_198] : memref<10016x32xf32, #tpu.memory_space<hbm>> -> memref<10016x32xf32, #tpu.memory_space<hbm>>
    %dma_wait3A_200 = tpu.memref_slice %arg10[%dma_wait3A_189] : memref<12x!tpu.dma_semaphore, #tpu.memory_space<semaphore_mem>> -> memref<1x!tpu.dma_semaphore, #tpu.memory_space<semaphore_mem>>
    %dma_wait3A_201 = tpu.memref_squeeze %dma_wait3A_200 : memref<1x!tpu.dma_semaphore, #tpu.memory_space<semaphore_mem>> -> memref<!tpu.dma_semaphore, #tpu.memory_space<semaphore_mem>>
    tpu.wait_indirect_dma semaphore(%dma_wait3A_201 : memref<!tpu.dma_semaphore, #tpu.memory_space<semaphore_mem>>) src(%dma_wait3A_199 : memref<10016x32xf32, #tpu.memory_space<hbm>>) dst(%dma_wait3A_193 : memref<125x32xf32, #tpu.memory_space<vmem>>)
    %dma_start3A_202 = arith.constant 0 : i32
    %dma_start3A_203 = arith.constant 0 : i32
    %dma_start3A_204 = arith.constant 0 : i32
    %dma_start3A_205 = arith.constant 0 : i32
    %dma_start3A_206 = arith.constant 0 : i32
    %dma_start3A_207 = tpu.memref_slice %arg7[%dma_start3A_202, %dma_start3A_205, %dma_start3A_206] : memref<12x125x32xf32, #tpu.memory_space<vmem>> -> memref<1x125x32xf32, #tpu.memory_space<vmem>>
    %dma_start3A_208 = tpu.memref_squeeze %dma_start3A_207 : memref<1x125x32xf32, #tpu.memory_space<vmem>> -> memref<125x32xf32, #tpu.memory_space<vmem>>
    %dma_start3A_209 = arith.constant 0 : i32
    %dma_start3A_210 = tpu.memref_slice %arg6[%dma_start3A_203, %dma_start3A_209] : memref<80x125xi32, #tpu.memory_space<vmem>> -> memref<1x125xi32, #tpu.memory_space<vmem>>
    %dma_start3A_211 = tpu.memref_squeeze %dma_start3A_210 : memref<1x125xi32, #tpu.memory_space<vmem>> -> memref<125xi32, #tpu.memory_space<vmem>>
    %dma_start3A_212 = arith.constant 0 : i32
    %dma_start3A_213 = arith.constant 0 : i32
    %dma_start3A_214 = tpu.memref_slice %arg9[%dma_start3A_212, %dma_start3A_213] : memref<10016x32xf32, #tpu.memory_space<vmem_shared>> -> memref<10016x32xf32, #tpu.memory_space<vmem_shared>>
    %dma_start3A_215 = tpu.memref_slice %arg11[%dma_start3A_204] : memref<12x!tpu.dma_semaphore, #tpu.memory_space<semaphore_mem>> -> memref<1x!tpu.dma_semaphore, #tpu.memory_space<semaphore_mem>>
    %dma_start3A_216 = tpu.memref_squeeze %dma_start3A_215 : memref<1x!tpu.dma_semaphore, #tpu.memory_space<semaphore_mem>> -> memref<!tpu.dma_semaphore, #tpu.memory_space<semaphore_mem>>
    tpu.enqueue_indirect_dma source(%dma_start3A_208 : memref<125x32xf32, #tpu.memory_space<vmem>>) target(%dma_start3A_214 : memref<10016x32xf32, #tpu.memory_space<vmem_shared>>) offsets(%dma_start3A_211 : memref<125xi32, #tpu.memory_space<vmem>>) semaphore(%dma_start3A_216 : memref<!tpu.dma_semaphore, #tpu.memory_space<semaphore_mem>>) {add = true}
    %dma_start3A_217 = arith.constant 7 : i32
    %dma_start3A_218 = arith.constant 7 : i32
    %dma_start3A_219 = arith.constant 7 : i32
    %dma_start3A_220 = arith.constant 0 : i32
    %dma_start3A_221 = arith.constant 0 : i32
    %dma_start3A_222 = tpu.memref_slice %arg7[%dma_start3A_218, %dma_start3A_220, %dma_start3A_221] : memref<12x125x32xf32, #tpu.memory_space<vmem>> -> memref<1x125x32xf32, #tpu.memory_space<vmem>>
    %dma_start3A_223 = tpu.memref_squeeze %dma_start3A_222 : memref<1x125x32xf32, #tpu.memory_space<vmem>> -> memref<125x32xf32, #tpu.memory_space<vmem>>
    %dma_start3A_224 = arith.constant 0 : i32
    %dma_start3A_225 = tpu.memref_slice %arg5[%dma_start3A_217, %dma_start3A_224] : memref<80x125xi32, #tpu.memory_space<vmem>> -> memref<1x125xi32, #tpu.memory_space<vmem>>
    %dma_start3A_226 = tpu.memref_squeeze %dma_start3A_225 : memref<1x125xi32, #tpu.memory_space<vmem>> -> memref<125xi32, #tpu.memory_space<vmem>>
    %dma_start3A_227 = arith.constant 0 : i32
    %dma_start3A_228 = arith.constant 0 : i32
    %dma_start3A_229 = tpu.memref_slice %arg2[%dma_start3A_227, %dma_start3A_228] : memref<10016x32xf32, #tpu.memory_space<hbm>> -> memref<10016x32xf32, #tpu.memory_space<hbm>>
    %dma_start3A_230 = tpu.memref_slice %arg10[%dma_start3A_219] : memref<12x!tpu.dma_semaphore, #tpu.memory_space<semaphore_mem>> -> memref<1x!tpu.dma_semaphore, #tpu.memory_space<semaphore_mem>>
    %dma_start3A_231 = tpu.memref_squeeze %dma_start3A_230 : memref<1x!tpu.dma_semaphore, #tpu.memory_space<semaphore_mem>> -> memref<!tpu.dma_semaphore, #tpu.memory_space<semaphore_mem>>
    tpu.enqueue_indirect_dma source(%dma_start3A_229 : memref<10016x32xf32, #tpu.memory_space<hbm>>) target(%dma_start3A_223 : memref<125x32xf32, #tpu.memory_space<vmem>>) offsets(%dma_start3A_226 : memref<125xi32, #tpu.memory_space<vmem>>) semaphore(%dma_start3A_231 : memref<!tpu.dma_semaphore, #tpu.memory_space<semaphore_mem>>)
    %dma_wait3A_232 = arith.constant 0 : i32
    %dma_wait3A_233 = arith.constant 1 : i32
    %dma_wait3A_234 = arith.constant 1 : i32
    %dma_wait3A_235 = arith.constant 0 : i32
    %dma_wait3A_236 = arith.constant 0 : i32
    %dma_wait3A_237 = tpu.memref_slice %arg7[%dma_wait3A_233, %dma_wait3A_235, %dma_wait3A_236] : memref<12x125x32xf32, #tpu.memory_space<vmem>> -> memref<1x125x32xf32, #tpu.memory_space<vmem>>
    %dma_wait3A_238 = tpu.memref_squeeze %dma_wait3A_237 : memref<1x125x32xf32, #tpu.memory_space<vmem>> -> memref<125x32xf32, #tpu.memory_space<vmem>>
    %dma_wait3A_239 = arith.constant 0 : i32
    %dma_wait3A_240 = tpu.memref_slice %arg5[%dma_wait3A_232, %dma_wait3A_239] : memref<80x125xi32, #tpu.memory_space<vmem>> -> memref<1x125xi32, #tpu.memory_space<vmem>>
    %dma_wait3A_241 = tpu.memref_squeeze %dma_wait3A_240 : memref<1x125xi32, #tpu.memory_space<vmem>> -> memref<125xi32, #tpu.memory_space<vmem>>
    %dma_wait3A_242 = arith.constant 0 : i32
    %dma_wait3A_243 = arith.constant 0 : i32
    %dma_wait3A_244 = tpu.memref_slice %arg2[%dma_wait3A_242, %dma_wait3A_243] : memref<10016x32xf32, #tpu.memory_space<hbm>> -> memref<10016x32xf32, #tpu.memory_space<hbm>>
    %dma_wait3A_245 = tpu.memref_slice %arg10[%dma_wait3A_234] : memref<12x!tpu.dma_semaphore, #tpu.memory_space<semaphore_mem>> -> memref<1x!tpu.dma_semaphore, #tpu.memory_space<semaphore_mem>>
    %dma_wait3A_246 = tpu.memref_squeeze %dma_wait3A_245 : memref<1x!tpu.dma_semaphore, #tpu.memory_space<semaphore_mem>> -> memref<!tpu.dma_semaphore, #tpu.memory_space<semaphore_mem>>
    tpu.wait_indirect_dma semaphore(%dma_wait3A_246 : memref<!tpu.dma_semaphore, #tpu.memory_space<semaphore_mem>>) src(%dma_wait3A_244 : memref<10016x32xf32, #tpu.memory_space<hbm>>) dst(%dma_wait3A_238 : memref<125x32xf32, #tpu.memory_space<vmem>>)
    %dma_start3A_247 = arith.constant 1 : i32
    %dma_start3A_248 = arith.constant 1 : i32
    %dma_start3A_249 = arith.constant 1 : i32
    %dma_start3A_250 = arith.constant 0 : i32
    %dma_start3A_251 = arith.constant 0 : i32
    %dma_start3A_252 = tpu.memref_slice %arg7[%dma_start3A_247, %dma_start3A_250, %dma_start3A_251] : memref<12x125x32xf32, #tpu.memory_space<vmem>> -> memref<1x125x32xf32, #tpu.memory_space<vmem>>
    %dma_start3A_253 = tpu.memref_squeeze %dma_start3A_252 : memref<1x125x32xf32, #tpu.memory_space<vmem>> -> memref<125x32xf32, #tpu.memory_space<vmem>>
    %dma_start3A_254 = arith.constant 0 : i32
    %dma_start3A_255 = tpu.memref_slice %arg6[%dma_start3A_248, %dma_start3A_254] : memref<80x125xi32, #tpu.memory_space<vmem>> -> memref<1x125xi32, #tpu.memory_space<vmem>>
    %dma_start3A_256 = tpu.memref_squeeze %dma_start3A_255 : memref<1x125xi32, #tpu.memory_space<vmem>> -> memref<125xi32, #tpu.memory_space<vmem>>
    %dma_start3A_257 = arith.constant 0 : i32
    %dma_start3A_258 = arith.constant 0 : i32
    %dma_start3A_259 = tpu.memref_slice %arg9[%dma_start3A_257, %dma_start3A_258] : memref<10016x32xf32, #tpu.memory_space<vmem_shared>> -> memref<10016x32xf32, #tpu.memory_space<vmem_shared>>
    %dma_start3A_260 = tpu.memref_slice %arg11[%dma_start3A_249] : memref<12x!tpu.dma_semaphore, #tpu.memory_space<semaphore_mem>> -> memref<1x!tpu.dma_semaphore, #tpu.memory_space<semaphore_mem>>
    %dma_start3A_261 = tpu.memref_squeeze %dma_start3A_260 : memref<1x!tpu.dma_semaphore, #tpu.memory_space<semaphore_mem>> -> memref<!tpu.dma_semaphore, #tpu.memory_space<semaphore_mem>>
    tpu.enqueue_indirect_dma source(%dma_start3A_253 : memref<125x32xf32, #tpu.memory_space<vmem>>) target(%dma_start3A_259 : memref<10016x32xf32, #tpu.memory_space<vmem_shared>>) offsets(%dma_start3A_256 : memref<125xi32, #tpu.memory_space<vmem>>) semaphore(%dma_start3A_261 : memref<!tpu.dma_semaphore, #tpu.memory_space<semaphore_mem>>) {add = true}
    %dma_start3A_262 = arith.constant 8 : i32
    %dma_start3A_263 = arith.constant 8 : i32
    %dma_start3A_264 = arith.constant 8 : i32
    %dma_start3A_265 = arith.constant 0 : i32
    %dma_start3A_266 = arith.constant 0 : i32
    %dma_start3A_267 = tpu.memref_slice %arg7[%dma_start3A_263, %dma_start3A_265, %dma_start3A_266] : memref<12x125x32xf32, #tpu.memory_space<vmem>> -> memref<1x125x32xf32, #tpu.memory_space<vmem>>
    %dma_start3A_268 = tpu.memref_squeeze %dma_start3A_267 : memref<1x125x32xf32, #tpu.memory_space<vmem>> -> memref<125x32xf32, #tpu.memory_space<vmem>>
    %dma_start3A_269 = arith.constant 0 : i32
    %dma_start3A_270 = tpu.memref_slice %arg5[%dma_start3A_262, %dma_start3A_269] : memref<80x125xi32, #tpu.memory_space<vmem>> -> memref<1x125xi32, #tpu.memory_space<vmem>>
    %dma_start3A_271 = tpu.memref_squeeze %dma_start3A_270 : memref<1x125xi32, #tpu.memory_space<vmem>> -> memref<125xi32, #tpu.memory_space<vmem>>
    %dma_start3A_272 = arith.constant 0 : i32
    %dma_start3A_273 = arith.constant 0 : i32
    %dma_start3A_274 = tpu.memref_slice %arg2[%dma_start3A_272, %dma_start3A_273] : memref<10016x32xf32, #tpu.memory_space<hbm>> -> memref<10016x32xf32, #tpu.memory_space<hbm>>
    %dma_start3A_275 = tpu.memref_slice %arg10[%dma_start3A_264] : memref<12x!tpu.dma_semaphore, #tpu.memory_space<semaphore_mem>> -> memref<1x!tpu.dma_semaphore, #tpu.memory_space<semaphore_mem>>
    %dma_start3A_276 = tpu.memref_squeeze %dma_start3A_275 : memref<1x!tpu.dma_semaphore, #tpu.memory_space<semaphore_mem>> -> memref<!tpu.dma_semaphore, #tpu.memory_space<semaphore_mem>>
    tpu.enqueue_indirect_dma source(%dma_start3A_274 : memref<10016x32xf32, #tpu.memory_space<hbm>>) target(%dma_start3A_268 : memref<125x32xf32, #tpu.memory_space<vmem>>) offsets(%dma_start3A_271 : memref<125xi32, #tpu.memory_space<vmem>>) semaphore(%dma_start3A_276 : memref<!tpu.dma_semaphore, #tpu.memory_space<semaphore_mem>>)
    %dma_wait3A_277 = arith.constant 0 : i32
    %dma_wait3A_278 = arith.constant 2 : i32
    %dma_wait3A_279 = arith.constant 2 : i32
    %dma_wait3A_280 = arith.constant 0 : i32
    %dma_wait3A_281 = arith.constant 0 : i32
    %dma_wait3A_282 = tpu.memref_slice %arg7[%dma_wait3A_278, %dma_wait3A_280, %dma_wait3A_281] : memref<12x125x32xf32, #tpu.memory_space<vmem>> -> memref<1x125x32xf32, #tpu.memory_space<vmem>>
    %dma_wait3A_283 = tpu.memref_squeeze %dma_wait3A_282 : memref<1x125x32xf32, #tpu.memory_space<vmem>> -> memref<125x32xf32, #tpu.memory_space<vmem>>
    %dma_wait3A_284 = arith.constant 0 : i32
    %dma_wait3A_285 = tpu.memref_slice %arg5[%dma_wait3A_277, %dma_wait3A_284] : memref<80x125xi32, #tpu.memory_space<vmem>> -> memref<1x125xi32, #tpu.memory_space<vmem>>
    %dma_wait3A_286 = tpu.memref_squeeze %dma_wait3A_285 : memref<1x125xi32, #tpu.memory_space<vmem>> -> memref<125xi32, #tpu.memory_space<vmem>>
    %dma_wait3A_287 = arith.constant 0 : i32
    %dma_wait3A_288 = arith.constant 0 : i32
    %dma_wait3A_289 = tpu.memref_slice %arg2[%dma_wait3A_287, %dma_wait3A_288] : memref<10016x32xf32, #tpu.memory_space<hbm>> -> memref<10016x32xf32, #tpu.memory_space<hbm>>
    %dma_wait3A_290 = tpu.memref_slice %arg10[%dma_wait3A_279] : memref<12x!tpu.dma_semaphore, #tpu.memory_space<semaphore_mem>> -> memref<1x!tpu.dma_semaphore, #tpu.memory_space<semaphore_mem>>
    %dma_wait3A_291 = tpu.memref_squeeze %dma_wait3A_290 : memref<1x!tpu.dma_semaphore, #tpu.memory_space<semaphore_mem>> -> memref<!tpu.dma_semaphore, #tpu.memory_space<semaphore_mem>>
    tpu.wait_indirect_dma semaphore(%dma_wait3A_291 : memref<!tpu.dma_semaphore, #tpu.memory_space<semaphore_mem>>) src(%dma_wait3A_289 : memref<10016x32xf32, #tpu.memory_space<hbm>>) dst(%dma_wait3A_283 : memref<125x32xf32, #tpu.memory_space<vmem>>)
    %dma_start3A_292 = arith.constant 2 : i32
    %dma_start3A_293 = arith.constant 2 : i32
    %dma_start3A_294 = arith.constant 2 : i32
    %dma_start3A_295 = arith.constant 0 : i32
    %dma_start3A_296 = arith.constant 0 : i32
    %dma_start3A_297 = tpu.memref_slice %arg7[%dma_start3A_292, %dma_start3A_295, %dma_start3A_296] : memref<12x125x32xf32, #tpu.memory_space<vmem>> -> memref<1x125x32xf32, #tpu.memory_space<vmem>>
    %dma_start3A_298 = tpu.memref_squeeze %dma_start3A_297 : memref<1x125x32xf32, #tpu.memory_space<vmem>> -> memref<125x32xf32, #tpu.memory_space<vmem>>
    %dma_start3A_299 = arith.constant 0 : i32
    %dma_start3A_300 = tpu.memref_slice %arg6[%dma_start3A_293, %dma_start3A_299] : memref<80x125xi32, #tpu.memory_space<vmem>> -> memref<1x125xi32, #tpu.memory_space<vmem>>
    %dma_start3A_301 = tpu.memref_squeeze %dma_start3A_300 : memref<1x125xi32, #tpu.memory_space<vmem>> -> memref<125xi32, #tpu.memory_space<vmem>>
    %dma_start3A_302 = arith.constant 0 : i32
    %dma_start3A_303 = arith.constant 0 : i32
    %dma_start3A_304 = tpu.memref_slice %arg9[%dma_start3A_302, %dma_start3A_303] : memref<10016x32xf32, #tpu.memory_space<vmem_shared>> -> memref<10016x32xf32, #tpu.memory_space<vmem_shared>>
    %dma_start3A_305 = tpu.memref_slice %arg11[%dma_start3A_294] : memref<12x!tpu.dma_semaphore, #tpu.memory_space<semaphore_mem>> -> memref<1x!tpu.dma_semaphore, #tpu.memory_space<semaphore_mem>>
    %dma_start3A_306 = tpu.memref_squeeze %dma_start3A_305 : memref<1x!tpu.dma_semaphore, #tpu.memory_space<semaphore_mem>> -> memref<!tpu.dma_semaphore, #tpu.memory_space<semaphore_mem>>
    tpu.enqueue_indirect_dma source(%dma_start3A_298 : memref<125x32xf32, #tpu.memory_space<vmem>>) target(%dma_start3A_304 : memref<10016x32xf32, #tpu.memory_space<vmem_shared>>) offsets(%dma_start3A_301 : memref<125xi32, #tpu.memory_space<vmem>>) semaphore(%dma_start3A_306 : memref<!tpu.dma_semaphore, #tpu.memory_space<semaphore_mem>>) {add = true}
    %dma_start3A_307 = arith.constant 9 : i32
    %dma_start3A_308 = arith.constant 9 : i32
    %dma_start3A_309 = arith.constant 9 : i32
    %dma_start3A_310 = arith.constant 0 : i32
    %dma_start3A_311 = arith.constant 0 : i32
    %dma_start3A_312 = tpu.memref_slice %arg7[%dma_start3A_308, %dma_start3A_310, %dma_start3A_311] : memref<12x125x32xf32, #tpu.memory_space<vmem>> -> memref<1x125x32xf32, #tpu.memory_space<vmem>>
    %dma_start3A_313 = tpu.memref_squeeze %dma_start3A_312 : memref<1x125x32xf32, #tpu.memory_space<vmem>> -> memref<125x32xf32, #tpu.memory_space<vmem>>
    %dma_start3A_314 = arith.constant 0 : i32
    %dma_start3A_315 = tpu.memref_slice %arg5[%dma_start3A_307, %dma_start3A_314] : memref<80x125xi32, #tpu.memory_space<vmem>> -> memref<1x125xi32, #tpu.memory_space<vmem>>
    %dma_start3A_316 = tpu.memref_squeeze %dma_start3A_315 : memref<1x125xi32, #tpu.memory_space<vmem>> -> memref<125xi32, #tpu.memory_space<vmem>>
    %dma_start3A_317 = arith.constant 0 : i32
    %dma_start3A_318 = arith.constant 0 : i32
    %dma_start3A_319 = tpu.memref_slice %arg2[%dma_start3A_317, %dma_start3A_318] : memref<10016x32xf32, #tpu.memory_space<hbm>> -> memref<10016x32xf32, #tpu.memory_space<hbm>>
    %dma_start3A_320 = tpu.memref_slice %arg10[%dma_start3A_309] : memref<12x!tpu.dma_semaphore, #tpu.memory_space<semaphore_mem>> -> memref<1x!tpu.dma_semaphore, #tpu.memory_space<semaphore_mem>>
    %dma_start3A_321 = tpu.memref_squeeze %dma_start3A_320 : memref<1x!tpu.dma_semaphore, #tpu.memory_space<semaphore_mem>> -> memref<!tpu.dma_semaphore, #tpu.memory_space<semaphore_mem>>
    tpu.enqueue_indirect_dma source(%dma_start3A_319 : memref<10016x32xf32, #tpu.memory_space<hbm>>) target(%dma_start3A_313 : memref<125x32xf32, #tpu.memory_space<vmem>>) offsets(%dma_start3A_316 : memref<125xi32, #tpu.memory_space<vmem>>) semaphore(%dma_start3A_321 : memref<!tpu.dma_semaphore, #tpu.memory_space<semaphore_mem>>)
    %dma_wait3A_322 = arith.constant 0 : i32
    %dma_wait3A_323 = arith.constant 3 : i32
    %dma_wait3A_324 = arith.constant 3 : i32
    %dma_wait3A_325 = arith.constant 0 : i32
    %dma_wait3A_326 = arith.constant 0 : i32
    %dma_wait3A_327 = tpu.memref_slice %arg7[%dma_wait3A_323, %dma_wait3A_325, %dma_wait3A_326] : memref<12x125x32xf32, #tpu.memory_space<vmem>> -> memref<1x125x32xf32, #tpu.memory_space<vmem>>
    %dma_wait3A_328 = tpu.memref_squeeze %dma_wait3A_327 : memref<1x125x32xf32, #tpu.memory_space<vmem>> -> memref<125x32xf32, #tpu.memory_space<vmem>>
    %dma_wait3A_329 = arith.constant 0 : i32
    %dma_wait3A_330 = tpu.memref_slice %arg5[%dma_wait3A_322, %dma_wait3A_329] : memref<80x125xi32, #tpu.memory_space<vmem>> -> memref<1x125xi32, #tpu.memory_space<vmem>>
    %dma_wait3A_331 = tpu.memref_squeeze %dma_wait3A_330 : memref<1x125xi32, #tpu.memory_space<vmem>> -> memref<125xi32, #tpu.memory_space<vmem>>
    %dma_wait3A_332 = arith.constant 0 : i32
    %dma_wait3A_333 = arith.constant 0 : i32
    %dma_wait3A_334 = tpu.memref_slice %arg2[%dma_wait3A_332, %dma_wait3A_333] : memref<10016x32xf32, #tpu.memory_space<hbm>> -> memref<10016x32xf32, #tpu.memory_space<hbm>>
    %dma_wait3A_335 = tpu.memref_slice %arg10[%dma_wait3A_324] : memref<12x!tpu.dma_semaphore, #tpu.memory_space<semaphore_mem>> -> memref<1x!tpu.dma_semaphore, #tpu.memory_space<semaphore_mem>>
    %dma_wait3A_336 = tpu.memref_squeeze %dma_wait3A_335 : memref<1x!tpu.dma_semaphore, #tpu.memory_space<semaphore_mem>> -> memref<!tpu.dma_semaphore, #tpu.memory_space<semaphore_mem>>
    tpu.wait_indirect_dma semaphore(%dma_wait3A_336 : memref<!tpu.dma_semaphore, #tpu.memory_space<semaphore_mem>>) src(%dma_wait3A_334 : memref<10016x32xf32, #tpu.memory_space<hbm>>) dst(%dma_wait3A_328 : memref<125x32xf32, #tpu.memory_space<vmem>>)
    %dma_start3A_337 = arith.constant 3 : i32
    %dma_start3A_338 = arith.constant 3 : i32
    %dma_start3A_339 = arith.constant 3 : i32
    %dma_start3A_340 = arith.constant 0 : i32
    %dma_start3A_341 = arith.constant 0 : i32
    %dma_start3A_342 = tpu.memref_slice %arg7[%dma_start3A_337, %dma_start3A_340, %dma_start3A_341] : memref<12x125x32xf32, #tpu.memory_space<vmem>> -> memref<1x125x32xf32, #tpu.memory_space<vmem>>
    %dma_start3A_343 = tpu.memref_squeeze %dma_start3A_342 : memref<1x125x32xf32, #tpu.memory_space<vmem>> -> memref<125x32xf32, #tpu.memory_space<vmem>>
    %dma_start3A_344 = arith.constant 0 : i32
    %dma_start3A_345 = tpu.memref_slice %arg6[%dma_start3A_338, %dma_start3A_344] : memref<80x125xi32, #tpu.memory_space<vmem>> -> memref<1x125xi32, #tpu.memory_space<vmem>>
    %dma_start3A_346 = tpu.memref_squeeze %dma_start3A_345 : memref<1x125xi32, #tpu.memory_space<vmem>> -> memref<125xi32, #tpu.memory_space<vmem>>
    %dma_start3A_347 = arith.constant 0 : i32
    %dma_start3A_348 = arith.constant 0 : i32
    %dma_start3A_349 = tpu.memref_slice %arg9[%dma_start3A_347, %dma_start3A_348] : memref<10016x32xf32, #tpu.memory_space<vmem_shared>> -> memref<10016x32xf32, #tpu.memory_space<vmem_shared>>
    %dma_start3A_350 = tpu.memref_slice %arg11[%dma_start3A_339] : memref<12x!tpu.dma_semaphore, #tpu.memory_space<semaphore_mem>> -> memref<1x!tpu.dma_semaphore, #tpu.memory_space<semaphore_mem>>
    %dma_start3A_351 = tpu.memref_squeeze %dma_start3A_350 : memref<1x!tpu.dma_semaphore, #tpu.memory_space<semaphore_mem>> -> memref<!tpu.dma_semaphore, #tpu.memory_space<semaphore_mem>>
    tpu.enqueue_indirect_dma source(%dma_start3A_343 : memref<125x32xf32, #tpu.memory_space<vmem>>) target(%dma_start3A_349 : memref<10016x32xf32, #tpu.memory_space<vmem_shared>>) offsets(%dma_start3A_346 : memref<125xi32, #tpu.memory_space<vmem>>) semaphore(%dma_start3A_351 : memref<!tpu.dma_semaphore, #tpu.memory_space<semaphore_mem>>) {add = true}
    %dma_start3A_352 = arith.constant 10 : i32
    %dma_start3A_353 = arith.constant 10 : i32
    %dma_start3A_354 = arith.constant 10 : i32
    %dma_start3A_355 = arith.constant 0 : i32
    %dma_start3A_356 = arith.constant 0 : i32
    %dma_start3A_357 = tpu.memref_slice %arg7[%dma_start3A_353, %dma_start3A_355, %dma_start3A_356] : memref<12x125x32xf32, #tpu.memory_space<vmem>> -> memref<1x125x32xf32, #tpu.memory_space<vmem>>
    %dma_start3A_358 = tpu.memref_squeeze %dma_start3A_357 : memref<1x125x32xf32, #tpu.memory_space<vmem>> -> memref<125x32xf32, #tpu.memory_space<vmem>>
    %dma_start3A_359 = arith.constant 0 : i32
    %dma_start3A_360 = tpu.memref_slice %arg5[%dma_start3A_352, %dma_start3A_359] : memref<80x125xi32, #tpu.memory_space<vmem>> -> memref<1x125xi32, #tpu.memory_space<vmem>>
    %dma_start3A_361 = tpu.memref_squeeze %dma_start3A_360 : memref<1x125xi32, #tpu.memory_space<vmem>> -> memref<125xi32, #tpu.memory_space<vmem>>
    %dma_start3A_362 = arith.constant 0 : i32
    %dma_start3A_363 = arith.constant 0 : i32
    %dma_start3A_364 = tpu.memref_slice %arg2[%dma_start3A_362, %dma_start3A_363] : memref<10016x32xf32, #tpu.memory_space<hbm>> -> memref<10016x32xf32, #tpu.memory_space<hbm>>
    %dma_start3A_365 = tpu.memref_slice %arg10[%dma_start3A_354] : memref<12x!tpu.dma_semaphore, #tpu.memory_space<semaphore_mem>> -> memref<1x!tpu.dma_semaphore, #tpu.memory_space<semaphore_mem>>
    %dma_start3A_366 = tpu.memref_squeeze %dma_start3A_365 : memref<1x!tpu.dma_semaphore, #tpu.memory_space<semaphore_mem>> -> memref<!tpu.dma_semaphore, #tpu.memory_space<semaphore_mem>>
    tpu.enqueue_indirect_dma source(%dma_start3A_364 : memref<10016x32xf32, #tpu.memory_space<hbm>>) target(%dma_start3A_358 : memref<125x32xf32, #tpu.memory_space<vmem>>) offsets(%dma_start3A_361 : memref<125xi32, #tpu.memory_space<vmem>>) semaphore(%dma_start3A_366 : memref<!tpu.dma_semaphore, #tpu.memory_space<semaphore_mem>>)
    %dma_wait3A_367 = arith.constant 0 : i32
    %dma_wait3A_368 = arith.constant 4 : i32
    %dma_wait3A_369 = arith.constant 4 : i32
    %dma_wait3A_370 = arith.constant 0 : i32
    %dma_wait3A_371 = arith.constant 0 : i32
    %dma_wait3A_372 = tpu.memref_slice %arg7[%dma_wait3A_368, %dma_wait3A_370, %dma_wait3A_371] : memref<12x125x32xf32, #tpu.memory_space<vmem>> -> memref<1x125x32xf32, #tpu.memory_space<vmem>>
    %dma_wait3A_373 = tpu.memref_squeeze %dma_wait3A_372 : memref<1x125x32xf32, #tpu.memory_space<vmem>> -> memref<125x32xf32, #tpu.memory_space<vmem>>
    %dma_wait3A_374 = arith.constant 0 : i32
    %dma_wait3A_375 = tpu.memref_slice %arg5[%dma_wait3A_367, %dma_wait3A_374] : memref<80x125xi32, #tpu.memory_space<vmem>> -> memref<1x125xi32, #tpu.memory_space<vmem>>
    %dma_wait3A_376 = tpu.memref_squeeze %dma_wait3A_375 : memref<1x125xi32, #tpu.memory_space<vmem>> -> memref<125xi32, #tpu.memory_space<vmem>>
    %dma_wait3A_377 = arith.constant 0 : i32
    %dma_wait3A_378 = arith.constant 0 : i32
    %dma_wait3A_379 = tpu.memref_slice %arg2[%dma_wait3A_377, %dma_wait3A_378] : memref<10016x32xf32, #tpu.memory_space<hbm>> -> memref<10016x32xf32, #tpu.memory_space<hbm>>
    %dma_wait3A_380 = tpu.memref_slice %arg10[%dma_wait3A_369] : memref<12x!tpu.dma_semaphore, #tpu.memory_space<semaphore_mem>> -> memref<1x!tpu.dma_semaphore, #tpu.memory_space<semaphore_mem>>
    %dma_wait3A_381 = tpu.memref_squeeze %dma_wait3A_380 : memref<1x!tpu.dma_semaphore, #tpu.memory_space<semaphore_mem>> -> memref<!tpu.dma_semaphore, #tpu.memory_space<semaphore_mem>>
    tpu.wait_indirect_dma semaphore(%dma_wait3A_381 : memref<!tpu.dma_semaphore, #tpu.memory_space<semaphore_mem>>) src(%dma_wait3A_379 : memref<10016x32xf32, #tpu.memory_space<hbm>>) dst(%dma_wait3A_373 : memref<125x32xf32, #tpu.memory_space<vmem>>)
    %dma_start3A_382 = arith.constant 4 : i32
    %dma_start3A_383 = arith.constant 4 : i32
    %dma_start3A_384 = arith.constant 4 : i32
    %dma_start3A_385 = arith.constant 0 : i32
    %dma_start3A_386 = arith.constant 0 : i32
    %dma_start3A_387 = tpu.memref_slice %arg7[%dma_start3A_382, %dma_start3A_385, %dma_start3A_386] : memref<12x125x32xf32, #tpu.memory_space<vmem>> -> memref<1x125x32xf32, #tpu.memory_space<vmem>>
    %dma_start3A_388 = tpu.memref_squeeze %dma_start3A_387 : memref<1x125x32xf32, #tpu.memory_space<vmem>> -> memref<125x32xf32, #tpu.memory_space<vmem>>
    %dma_start3A_389 = arith.constant 0 : i32
    %dma_start3A_390 = tpu.memref_slice %arg6[%dma_start3A_383, %dma_start3A_389] : memref<80x125xi32, #tpu.memory_space<vmem>> -> memref<1x125xi32, #tpu.memory_space<vmem>>
    %dma_start3A_391 = tpu.memref_squeeze %dma_start3A_390 : memref<1x125xi32, #tpu.memory_space<vmem>> -> memref<125xi32, #tpu.memory_space<vmem>>
    %dma_start3A_392 = arith.constant 0 : i32
    %dma_start3A_393 = arith.constant 0 : i32
    %dma_start3A_394 = tpu.memref_slice %arg9[%dma_start3A_392, %dma_start3A_393] : memref<10016x32xf32, #tpu.memory_space<vmem_shared>> -> memref<10016x32xf32, #tpu.memory_space<vmem_shared>>
    %dma_start3A_395 = tpu.memref_slice %arg11[%dma_start3A_384] : memref<12x!tpu.dma_semaphore, #tpu.memory_space<semaphore_mem>> -> memref<1x!tpu.dma_semaphore, #tpu.memory_space<semaphore_mem>>
    %dma_start3A_396 = tpu.memref_squeeze %dma_start3A_395 : memref<1x!tpu.dma_semaphore, #tpu.memory_space<semaphore_mem>> -> memref<!tpu.dma_semaphore, #tpu.memory_space<semaphore_mem>>
    tpu.enqueue_indirect_dma source(%dma_start3A_388 : memref<125x32xf32, #tpu.memory_space<vmem>>) target(%dma_start3A_394 : memref<10016x32xf32, #tpu.memory_space<vmem_shared>>) offsets(%dma_start3A_391 : memref<125xi32, #tpu.memory_space<vmem>>) semaphore(%dma_start3A_396 : memref<!tpu.dma_semaphore, #tpu.memory_space<semaphore_mem>>) {add = true}
    %dma_start3A_397 = arith.constant 11 : i32
    %dma_start3A_398 = arith.constant 11 : i32
    %dma_start3A_399 = arith.constant 11 : i32
    %dma_start3A_400 = arith.constant 0 : i32
    %dma_start3A_401 = arith.constant 0 : i32
    %dma_start3A_402 = tpu.memref_slice %arg7[%dma_start3A_398, %dma_start3A_400, %dma_start3A_401] : memref<12x125x32xf32, #tpu.memory_space<vmem>> -> memref<1x125x32xf32, #tpu.memory_space<vmem>>
    %dma_start3A_403 = tpu.memref_squeeze %dma_start3A_402 : memref<1x125x32xf32, #tpu.memory_space<vmem>> -> memref<125x32xf32, #tpu.memory_space<vmem>>
    %dma_start3A_404 = arith.constant 0 : i32
    %dma_start3A_405 = tpu.memref_slice %arg5[%dma_start3A_397, %dma_start3A_404] : memref<80x125xi32, #tpu.memory_space<vmem>> -> memref<1x125xi32, #tpu.memory_space<vmem>>
    %dma_start3A_406 = tpu.memref_squeeze %dma_start3A_405 : memref<1x125xi32, #tpu.memory_space<vmem>> -> memref<125xi32, #tpu.memory_space<vmem>>
    %dma_start3A_407 = arith.constant 0 : i32
    %dma_start3A_408 = arith.constant 0 : i32
    %dma_start3A_409 = tpu.memref_slice %arg2[%dma_start3A_407, %dma_start3A_408] : memref<10016x32xf32, #tpu.memory_space<hbm>> -> memref<10016x32xf32, #tpu.memory_space<hbm>>
    %dma_start3A_410 = tpu.memref_slice %arg10[%dma_start3A_399] : memref<12x!tpu.dma_semaphore, #tpu.memory_space<semaphore_mem>> -> memref<1x!tpu.dma_semaphore, #tpu.memory_space<semaphore_mem>>
    %dma_start3A_411 = tpu.memref_squeeze %dma_start3A_410 : memref<1x!tpu.dma_semaphore, #tpu.memory_space<semaphore_mem>> -> memref<!tpu.dma_semaphore, #tpu.memory_space<semaphore_mem>>
    tpu.enqueue_indirect_dma source(%dma_start3A_409 : memref<10016x32xf32, #tpu.memory_space<hbm>>) target(%dma_start3A_403 : memref<125x32xf32, #tpu.memory_space<vmem>>) offsets(%dma_start3A_406 : memref<125xi32, #tpu.memory_space<vmem>>) semaphore(%dma_start3A_411 : memref<!tpu.dma_semaphore, #tpu.memory_space<semaphore_mem>>)
    %dma_wait3A_412 = arith.constant 0 : i32
    %dma_wait3A_413 = arith.constant 5 : i32
    %dma_wait3A_414 = arith.constant 5 : i32
    %dma_wait3A_415 = arith.constant 0 : i32
    %dma_wait3A_416 = arith.constant 0 : i32
    %dma_wait3A_417 = tpu.memref_slice %arg7[%dma_wait3A_413, %dma_wait3A_415, %dma_wait3A_416] : memref<12x125x32xf32, #tpu.memory_space<vmem>> -> memref<1x125x32xf32, #tpu.memory_space<vmem>>
    %dma_wait3A_418 = tpu.memref_squeeze %dma_wait3A_417 : memref<1x125x32xf32, #tpu.memory_space<vmem>> -> memref<125x32xf32, #tpu.memory_space<vmem>>
    %dma_wait3A_419 = arith.constant 0 : i32
    %dma_wait3A_420 = tpu.memref_slice %arg5[%dma_wait3A_412, %dma_wait3A_419] : memref<80x125xi32, #tpu.memory_space<vmem>> -> memref<1x125xi32, #tpu.memory_space<vmem>>
    %dma_wait3A_421 = tpu.memref_squeeze %dma_wait3A_420 : memref<1x125xi32, #tpu.memory_space<vmem>> -> memref<125xi32, #tpu.memory_space<vmem>>
    %dma_wait3A_422 = arith.constant 0 : i32
    %dma_wait3A_423 = arith.constant 0 : i32
    %dma_wait3A_424 = tpu.memref_slice %arg2[%dma_wait3A_422, %dma_wait3A_423] : memref<10016x32xf32, #tpu.memory_space<hbm>> -> memref<10016x32xf32, #tpu.memory_space<hbm>>
    %dma_wait3A_425 = tpu.memref_slice %arg10[%dma_wait3A_414] : memref<12x!tpu.dma_semaphore, #tpu.memory_space<semaphore_mem>> -> memref<1x!tpu.dma_semaphore, #tpu.memory_space<semaphore_mem>>
    %dma_wait3A_426 = tpu.memref_squeeze %dma_wait3A_425 : memref<1x!tpu.dma_semaphore, #tpu.memory_space<semaphore_mem>> -> memref<!tpu.dma_semaphore, #tpu.memory_space<semaphore_mem>>
    tpu.wait_indirect_dma semaphore(%dma_wait3A_426 : memref<!tpu.dma_semaphore, #tpu.memory_space<semaphore_mem>>) src(%dma_wait3A_424 : memref<10016x32xf32, #tpu.memory_space<hbm>>) dst(%dma_wait3A_418 : memref<125x32xf32, #tpu.memory_space<vmem>>)
    %dma_start3A_427 = arith.constant 5 : i32
    %dma_start3A_428 = arith.constant 5 : i32
    %dma_start3A_429 = arith.constant 5 : i32
    %dma_start3A_430 = arith.constant 0 : i32
    %dma_start3A_431 = arith.constant 0 : i32
    %dma_start3A_432 = tpu.memref_slice %arg7[%dma_start3A_427, %dma_start3A_430, %dma_start3A_431] : memref<12x125x32xf32, #tpu.memory_space<vmem>> -> memref<1x125x32xf32, #tpu.memory_space<vmem>>
    %dma_start3A_433 = tpu.memref_squeeze %dma_start3A_432 : memref<1x125x32xf32, #tpu.memory_space<vmem>> -> memref<125x32xf32, #tpu.memory_space<vmem>>
    %dma_start3A_434 = arith.constant 0 : i32
    %dma_start3A_435 = tpu.memref_slice %arg6[%dma_start3A_428, %dma_start3A_434] : memref<80x125xi32, #tpu.memory_space<vmem>> -> memref<1x125xi32, #tpu.memory_space<vmem>>
    %dma_start3A_436 = tpu.memref_squeeze %dma_start3A_435 : memref<1x125xi32, #tpu.memory_space<vmem>> -> memref<125xi32, #tpu.memory_space<vmem>>
    %dma_start3A_437 = arith.constant 0 : i32
    %dma_start3A_438 = arith.constant 0 : i32
    %dma_start3A_439 = tpu.memref_slice %arg9[%dma_start3A_437, %dma_start3A_438] : memref<10016x32xf32, #tpu.memory_space<vmem_shared>> -> memref<10016x32xf32, #tpu.memory_space<vmem_shared>>
    %dma_start3A_440 = tpu.memref_slice %arg11[%dma_start3A_429] : memref<12x!tpu.dma_semaphore, #tpu.memory_space<semaphore_mem>> -> memref<1x!tpu.dma_semaphore, #tpu.memory_space<semaphore_mem>>
    %dma_start3A_441 = tpu.memref_squeeze %dma_start3A_440 : memref<1x!tpu.dma_semaphore, #tpu.memory_space<semaphore_mem>> -> memref<!tpu.dma_semaphore, #tpu.memory_space<semaphore_mem>>
    tpu.enqueue_indirect_dma source(%dma_start3A_433 : memref<125x32xf32, #tpu.memory_space<vmem>>) target(%dma_start3A_439 : memref<10016x32xf32, #tpu.memory_space<vmem_shared>>) offsets(%dma_start3A_436 : memref<125xi32, #tpu.memory_space<vmem>>) semaphore(%dma_start3A_441 : memref<!tpu.dma_semaphore, #tpu.memory_space<semaphore_mem>>) {add = true}
    %scan3A_442 = arith.constant 0 : i32
    %scan3A_443 = arith.constant 68 : i32
    %scan3A_444 = arith.addi %scan3A_442, %scan3A_443 : i32
    %scan3A_445 = arith.constant 1 : i32
    scf.for %scan3A_808 = %scan3A_442 to %scan3A_444 step %scan3A_445  : i32 {
      %mul3A_809 = arith.constant 1 : i32
      %mul3A_810 = arith.muli %scan3A_808, %mul3A_809 : i32
      %add3A_811 = arith.constant 6 : i32
      %add3A_812 = arith.addi %add3A_811, %mul3A_810 : i32
      %rem3A = arith.constant 12 : i32
      %rem3A_813 = arith.remsi %add3A_812, %rem3A : i32
      %add3A_814 = arith.constant 6 : i32
      %add3A_815 = arith.addi %add3A_812, %add3A_814 : i32
      %rem3A_816 = arith.constant 12 : i32
      %rem3A_817 = arith.remsi %add3A_815, %rem3A_816 : i32
      %dma_wait3A_818 = arith.constant 0 : i32
      %dma_wait3A_819 = arith.constant 0 : i32
      %dma_wait3A_820 = arith.constant 0 : i32
      %dma_wait3A_821 = tpu.memref_slice %arg7[%rem3A_817, %dma_wait3A_819, %dma_wait3A_820] : memref<12x125x32xf32, #tpu.memory_space<vmem>> -> memref<1x125x32xf32, #tpu.memory_space<vmem>>
      %dma_wait3A_822 = tpu.memref_squeeze %dma_wait3A_821 : memref<1x125x32xf32, #tpu.memory_space<vmem>> -> memref<125x32xf32, #tpu.memory_space<vmem>>
      %dma_wait3A_823 = arith.constant 0 : i32
      %dma_wait3A_824 = tpu.memref_slice %arg6[%dma_wait3A_818, %dma_wait3A_823] : memref<80x125xi32, #tpu.memory_space<vmem>> -> memref<1x125xi32, #tpu.memory_space<vmem>>
      %dma_wait3A_825 = tpu.memref_squeeze %dma_wait3A_824 : memref<1x125xi32, #tpu.memory_space<vmem>> -> memref<125xi32, #tpu.memory_space<vmem>>
      %dma_wait3A_826 = arith.constant 0 : i32
      %dma_wait3A_827 = arith.constant 0 : i32
      %dma_wait3A_828 = tpu.memref_slice %arg9[%dma_wait3A_826, %dma_wait3A_827] : memref<10016x32xf32, #tpu.memory_space<vmem_shared>> -> memref<10016x32xf32, #tpu.memory_space<vmem_shared>>
      %dma_wait3A_829 = tpu.memref_slice %arg11[%rem3A_817] : memref<12x!tpu.dma_semaphore, #tpu.memory_space<semaphore_mem>> -> memref<1x!tpu.dma_semaphore, #tpu.memory_space<semaphore_mem>>
      %dma_wait3A_830 = tpu.memref_squeeze %dma_wait3A_829 : memref<1x!tpu.dma_semaphore, #tpu.memory_space<semaphore_mem>> -> memref<!tpu.dma_semaphore, #tpu.memory_space<semaphore_mem>>
      tpu.wait_indirect_dma semaphore(%dma_wait3A_830 : memref<!tpu.dma_semaphore, #tpu.memory_space<semaphore_mem>>) src(%dma_wait3A_822 : memref<125x32xf32, #tpu.memory_space<vmem>>) dst(%dma_wait3A_828 : memref<10016x32xf32, #tpu.memory_space<vmem_shared>>)
      %add3A_831 = arith.constant 6 : i32
      %add3A_832 = arith.addi %add3A_812, %add3A_831 : i32
      %dma_start3A_833 = arith.constant 0 : i32
      %dma_start3A_834 = arith.constant 0 : i32
      %dma_start3A_835 = tpu.memref_slice %arg7[%rem3A_817, %dma_start3A_833, %dma_start3A_834] : memref<12x125x32xf32, #tpu.memory_space<vmem>> -> memref<1x125x32xf32, #tpu.memory_space<vmem>>
      %dma_start3A_836 = tpu.memref_squeeze %dma_start3A_835 : memref<1x125x32xf32, #tpu.memory_space<vmem>> -> memref<125x32xf32, #tpu.memory_space<vmem>>
      %dma_start3A_837 = arith.constant 0 : i32
      %dma_start3A_838 = tpu.memref_slice %arg5[%add3A_832, %dma_start3A_837] : memref<80x125xi32, #tpu.memory_space<vmem>> -> memref<1x125xi32, #tpu.memory_space<vmem>>
      %dma_start3A_839 = tpu.memref_squeeze %dma_start3A_838 : memref<1x125xi32, #tpu.memory_space<vmem>> -> memref<125xi32, #tpu.memory_space<vmem>>
      %dma_start3A_840 = arith.constant 0 : i32
      %dma_start3A_841 = arith.constant 0 : i32
      %dma_start3A_842 = tpu.memref_slice %arg2[%dma_start3A_840, %dma_start3A_841] : memref<10016x32xf32, #tpu.memory_space<hbm>> -> memref<10016x32xf32, #tpu.memory_space<hbm>>
      %dma_start3A_843 = tpu.memref_slice %arg10[%rem3A_817] : memref<12x!tpu.dma_semaphore, #tpu.memory_space<semaphore_mem>> -> memref<1x!tpu.dma_semaphore, #tpu.memory_space<semaphore_mem>>
      %dma_start3A_844 = tpu.memref_squeeze %dma_start3A_843 : memref<1x!tpu.dma_semaphore, #tpu.memory_space<semaphore_mem>> -> memref<!tpu.dma_semaphore, #tpu.memory_space<semaphore_mem>>
      tpu.enqueue_indirect_dma source(%dma_start3A_842 : memref<10016x32xf32, #tpu.memory_space<hbm>>) target(%dma_start3A_836 : memref<125x32xf32, #tpu.memory_space<vmem>>) offsets(%dma_start3A_839 : memref<125xi32, #tpu.memory_space<vmem>>) semaphore(%dma_start3A_844 : memref<!tpu.dma_semaphore, #tpu.memory_space<semaphore_mem>>)
      %dma_wait3A_845 = arith.constant 0 : i32
      %dma_wait3A_846 = arith.constant 0 : i32
      %dma_wait3A_847 = arith.constant 0 : i32
      %dma_wait3A_848 = tpu.memref_slice %arg7[%rem3A_813, %dma_wait3A_846, %dma_wait3A_847] : memref<12x125x32xf32, #tpu.memory_space<vmem>> -> memref<1x125x32xf32, #tpu.memory_space<vmem>>
      %dma_wait3A_849 = tpu.memref_squeeze %dma_wait3A_848 : memref<1x125x32xf32, #tpu.memory_space<vmem>> -> memref<125x32xf32, #tpu.memory_space<vmem>>
      %dma_wait3A_850 = arith.constant 0 : i32
      %dma_wait3A_851 = tpu.memref_slice %arg5[%dma_wait3A_845, %dma_wait3A_850] : memref<80x125xi32, #tpu.memory_space<vmem>> -> memref<1x125xi32, #tpu.memory_space<vmem>>
      %dma_wait3A_852 = tpu.memref_squeeze %dma_wait3A_851 : memref<1x125xi32, #tpu.memory_space<vmem>> -> memref<125xi32, #tpu.memory_space<vmem>>
      %dma_wait3A_853 = arith.constant 0 : i32
      %dma_wait3A_854 = arith.constant 0 : i32
      %dma_wait3A_855 = tpu.memref_slice %arg2[%dma_wait3A_853, %dma_wait3A_854] : memref<10016x32xf32, #tpu.memory_space<hbm>> -> memref<10016x32xf32, #tpu.memory_space<hbm>>
      %dma_wait3A_856 = tpu.memref_slice %arg10[%rem3A_813] : memref<12x!tpu.dma_semaphore, #tpu.memory_space<semaphore_mem>> -> memref<1x!tpu.dma_semaphore, #tpu.memory_space<semaphore_mem>>
      %dma_wait3A_857 = tpu.memref_squeeze %dma_wait3A_856 : memref<1x!tpu.dma_semaphore, #tpu.memory_space<semaphore_mem>> -> memref<!tpu.dma_semaphore, #tpu.memory_space<semaphore_mem>>
      tpu.wait_indirect_dma semaphore(%dma_wait3A_857 : memref<!tpu.dma_semaphore, #tpu.memory_space<semaphore_mem>>) src(%dma_wait3A_855 : memref<10016x32xf32, #tpu.memory_space<hbm>>) dst(%dma_wait3A_849 : memref<125x32xf32, #tpu.memory_space<vmem>>)
      %dma_start3A_858 = arith.constant 0 : i32
      %dma_start3A_859 = arith.constant 0 : i32
      %dma_start3A_860 = tpu.memref_slice %arg7[%rem3A_813, %dma_start3A_858, %dma_start3A_859] : memref<12x125x32xf32, #tpu.memory_space<vmem>> -> memref<1x125x32xf32, #tpu.memory_space<vmem>>
      %dma_start3A_861 = tpu.memref_squeeze %dma_start3A_860 : memref<1x125x32xf32, #tpu.memory_space<vmem>> -> memref<125x32xf32, #tpu.memory_space<vmem>>
      %dma_start3A_862 = arith.constant 0 : i32
      %dma_start3A_863 = tpu.memref_slice %arg6[%add3A_812, %dma_start3A_862] : memref<80x125xi32, #tpu.memory_space<vmem>> -> memref<1x125xi32, #tpu.memory_space<vmem>>
      %dma_start3A_864 = tpu.memref_squeeze %dma_start3A_863 : memref<1x125xi32, #tpu.memory_space<vmem>> -> memref<125xi32, #tpu.memory_space<vmem>>
      %dma_start3A_865 = arith.constant 0 : i32
      %dma_start3A_866 = arith.constant 0 : i32
      %dma_start3A_867 = tpu.memref_slice %arg9[%dma_start3A_865, %dma_start3A_866] : memref<10016x32xf32, #tpu.memory_space<vmem_shared>> -> memref<10016x32xf32, #tpu.memory_space<vmem_shared>>
      %dma_start3A_868 = tpu.memref_slice %arg11[%rem3A_813] : memref<12x!tpu.dma_semaphore, #tpu.memory_space<semaphore_mem>> -> memref<1x!tpu.dma_semaphore, #tpu.memory_space<semaphore_mem>>
      %dma_start3A_869 = tpu.memref_squeeze %dma_start3A_868 : memref<1x!tpu.dma_semaphore, #tpu.memory_space<semaphore_mem>> -> memref<!tpu.dma_semaphore, #tpu.memory_space<semaphore_mem>>
      tpu.enqueue_indirect_dma source(%dma_start3A_861 : memref<125x32xf32, #tpu.memory_space<vmem>>) target(%dma_start3A_867 : memref<10016x32xf32, #tpu.memory_space<vmem_shared>>) offsets(%dma_start3A_864 : memref<125xi32, #tpu.memory_space<vmem>>) semaphore(%dma_start3A_869 : memref<!tpu.dma_semaphore, #tpu.memory_space<semaphore_mem>>) {add = true}
    }
    %scan3A_446 = arith.constant 68 : i32
    %dma_wait3A_447 = arith.constant 0 : i32
    %dma_wait3A_448 = arith.constant 2 : i32
    %dma_wait3A_449 = arith.constant 2 : i32
    %dma_wait3A_450 = arith.constant 0 : i32
    %dma_wait3A_451 = arith.constant 0 : i32
    %dma_wait3A_452 = tpu.memref_slice %arg7[%dma_wait3A_448, %dma_wait3A_450, %dma_wait3A_451] : memref<12x125x32xf32, #tpu.memory_space<vmem>> -> memref<1x125x32xf32, #tpu.memory_space<vmem>>
    %dma_wait3A_453 = tpu.memref_squeeze %dma_wait3A_452 : memref<1x125x32xf32, #tpu.memory_space<vmem>> -> memref<125x32xf32, #tpu.memory_space<vmem>>
    %dma_wait3A_454 = arith.constant 0 : i32
    %dma_wait3A_455 = tpu.memref_slice %arg5[%dma_wait3A_447, %dma_wait3A_454] : memref<80x125xi32, #tpu.memory_space<vmem>> -> memref<1x125xi32, #tpu.memory_space<vmem>>
    %dma_wait3A_456 = tpu.memref_squeeze %dma_wait3A_455 : memref<1x125xi32, #tpu.memory_space<vmem>> -> memref<125xi32, #tpu.memory_space<vmem>>
    %dma_wait3A_457 = arith.constant 0 : i32
    %dma_wait3A_458 = arith.constant 0 : i32
    %dma_wait3A_459 = tpu.memref_slice %arg2[%dma_wait3A_457, %dma_wait3A_458] : memref<10016x32xf32, #tpu.memory_space<hbm>> -> memref<10016x32xf32, #tpu.memory_space<hbm>>
    %dma_wait3A_460 = tpu.memref_slice %arg10[%dma_wait3A_449] : memref<12x!tpu.dma_semaphore, #tpu.memory_space<semaphore_mem>> -> memref<1x!tpu.dma_semaphore, #tpu.memory_space<semaphore_mem>>
    %dma_wait3A_461 = tpu.memref_squeeze %dma_wait3A_460 : memref<1x!tpu.dma_semaphore, #tpu.memory_space<semaphore_mem>> -> memref<!tpu.dma_semaphore, #tpu.memory_space<semaphore_mem>>
    tpu.wait_indirect_dma semaphore(%dma_wait3A_461 : memref<!tpu.dma_semaphore, #tpu.memory_space<semaphore_mem>>) src(%dma_wait3A_459 : memref<10016x32xf32, #tpu.memory_space<hbm>>) dst(%dma_wait3A_453 : memref<125x32xf32, #tpu.memory_space<vmem>>)
    %dma_start3A_462 = arith.constant 2 : i32
    %dma_start3A_463 = arith.constant 74 : i32
    %dma_start3A_464 = arith.constant 2 : i32
    %dma_start3A_465 = arith.constant 0 : i32
    %dma_start3A_466 = arith.constant 0 : i32
    %dma_start3A_467 = tpu.memref_slice %arg7[%dma_start3A_462, %dma_start3A_465, %dma_start3A_466] : memref<12x125x32xf32, #tpu.memory_space<vmem>> -> memref<1x125x32xf32, #tpu.memory_space<vmem>>
    %dma_start3A_468 = tpu.memref_squeeze %dma_start3A_467 : memref<1x125x32xf32, #tpu.memory_space<vmem>> -> memref<125x32xf32, #tpu.memory_space<vmem>>
    %dma_start3A_469 = arith.constant 0 : i32
    %dma_start3A_470 = tpu.memref_slice %arg6[%dma_start3A_463, %dma_start3A_469] : memref<80x125xi32, #tpu.memory_space<vmem>> -> memref<1x125xi32, #tpu.memory_space<vmem>>
    %dma_start3A_471 = tpu.memref_squeeze %dma_start3A_470 : memref<1x125xi32, #tpu.memory_space<vmem>> -> memref<125xi32, #tpu.memory_space<vmem>>
    %dma_start3A_472 = arith.constant 0 : i32
    %dma_start3A_473 = arith.constant 0 : i32
    %dma_start3A_474 = tpu.memref_slice %arg9[%dma_start3A_472, %dma_start3A_473] : memref<10016x32xf32, #tpu.memory_space<vmem_shared>> -> memref<10016x32xf32, #tpu.memory_space<vmem_shared>>
    %dma_start3A_475 = tpu.memref_slice %arg11[%dma_start3A_464] : memref<12x!tpu.dma_semaphore, #tpu.memory_space<semaphore_mem>> -> memref<1x!tpu.dma_semaphore, #tpu.memory_space<semaphore_mem>>
    %dma_start3A_476 = tpu.memref_squeeze %dma_start3A_475 : memref<1x!tpu.dma_semaphore, #tpu.memory_space<semaphore_mem>> -> memref<!tpu.dma_semaphore, #tpu.memory_space<semaphore_mem>>
    tpu.enqueue_indirect_dma source(%dma_start3A_468 : memref<125x32xf32, #tpu.memory_space<vmem>>) target(%dma_start3A_474 : memref<10016x32xf32, #tpu.memory_space<vmem_shared>>) offsets(%dma_start3A_471 : memref<125xi32, #tpu.memory_space<vmem>>) semaphore(%dma_start3A_476 : memref<!tpu.dma_semaphore, #tpu.memory_space<semaphore_mem>>) {add = true}
    %dma_wait3A_477 = arith.constant 0 : i32
    %dma_wait3A_478 = arith.constant 3 : i32
    %dma_wait3A_479 = arith.constant 3 : i32
    %dma_wait3A_480 = arith.constant 0 : i32
    %dma_wait3A_481 = arith.constant 0 : i32
    %dma_wait3A_482 = tpu.memref_slice %arg7[%dma_wait3A_478, %dma_wait3A_480, %dma_wait3A_481] : memref<12x125x32xf32, #tpu.memory_space<vmem>> -> memref<1x125x32xf32, #tpu.memory_space<vmem>>
    %dma_wait3A_483 = tpu.memref_squeeze %dma_wait3A_482 : memref<1x125x32xf32, #tpu.memory_space<vmem>> -> memref<125x32xf32, #tpu.memory_space<vmem>>
    %dma_wait3A_484 = arith.constant 0 : i32
    %dma_wait3A_485 = tpu.memref_slice %arg5[%dma_wait3A_477, %dma_wait3A_484] : memref<80x125xi32, #tpu.memory_space<vmem>> -> memref<1x125xi32, #tpu.memory_space<vmem>>
    %dma_wait3A_486 = tpu.memref_squeeze %dma_wait3A_485 : memref<1x125xi32, #tpu.memory_space<vmem>> -> memref<125xi32, #tpu.memory_space<vmem>>
    %dma_wait3A_487 = arith.constant 0 : i32
    %dma_wait3A_488 = arith.constant 0 : i32
    %dma_wait3A_489 = tpu.memref_slice %arg2[%dma_wait3A_487, %dma_wait3A_488] : memref<10016x32xf32, #tpu.memory_space<hbm>> -> memref<10016x32xf32, #tpu.memory_space<hbm>>
    %dma_wait3A_490 = tpu.memref_slice %arg10[%dma_wait3A_479] : memref<12x!tpu.dma_semaphore, #tpu.memory_space<semaphore_mem>> -> memref<1x!tpu.dma_semaphore, #tpu.memory_space<semaphore_mem>>
    %dma_wait3A_491 = tpu.memref_squeeze %dma_wait3A_490 : memref<1x!tpu.dma_semaphore, #tpu.memory_space<semaphore_mem>> -> memref<!tpu.dma_semaphore, #tpu.memory_space<semaphore_mem>>
    tpu.wait_indirect_dma semaphore(%dma_wait3A_491 : memref<!tpu.dma_semaphore, #tpu.memory_space<semaphore_mem>>) src(%dma_wait3A_489 : memref<10016x32xf32, #tpu.memory_space<hbm>>) dst(%dma_wait3A_483 : memref<125x32xf32, #tpu.memory_space<vmem>>)
    %dma_start3A_492 = arith.constant 3 : i32
    %dma_start3A_493 = arith.constant 75 : i32
    %dma_start3A_494 = arith.constant 3 : i32
    %dma_start3A_495 = arith.constant 0 : i32
    %dma_start3A_496 = arith.constant 0 : i32
    %dma_start3A_497 = tpu.memref_slice %arg7[%dma_start3A_492, %dma_start3A_495, %dma_start3A_496] : memref<12x125x32xf32, #tpu.memory_space<vmem>> -> memref<1x125x32xf32, #tpu.memory_space<vmem>>
    %dma_start3A_498 = tpu.memref_squeeze %dma_start3A_497 : memref<1x125x32xf32, #tpu.memory_space<vmem>> -> memref<125x32xf32, #tpu.memory_space<vmem>>
    %dma_start3A_499 = arith.constant 0 : i32
    %dma_start3A_500 = tpu.memref_slice %arg6[%dma_start3A_493, %dma_start3A_499] : memref<80x125xi32, #tpu.memory_space<vmem>> -> memref<1x125xi32, #tpu.memory_space<vmem>>
    %dma_start3A_501 = tpu.memref_squeeze %dma_start3A_500 : memref<1x125xi32, #tpu.memory_space<vmem>> -> memref<125xi32, #tpu.memory_space<vmem>>
    %dma_start3A_502 = arith.constant 0 : i32
    %dma_start3A_503 = arith.constant 0 : i32
    %dma_start3A_504 = tpu.memref_slice %arg9[%dma_start3A_502, %dma_start3A_503] : memref<10016x32xf32, #tpu.memory_space<vmem_shared>> -> memref<10016x32xf32, #tpu.memory_space<vmem_shared>>
    %dma_start3A_505 = tpu.memref_slice %arg11[%dma_start3A_494] : memref<12x!tpu.dma_semaphore, #tpu.memory_space<semaphore_mem>> -> memref<1x!tpu.dma_semaphore, #tpu.memory_space<semaphore_mem>>
    %dma_start3A_506 = tpu.memref_squeeze %dma_start3A_505 : memref<1x!tpu.dma_semaphore, #tpu.memory_space<semaphore_mem>> -> memref<!tpu.dma_semaphore, #tpu.memory_space<semaphore_mem>>
    tpu.enqueue_indirect_dma source(%dma_start3A_498 : memref<125x32xf32, #tpu.memory_space<vmem>>) target(%dma_start3A_504 : memref<10016x32xf32, #tpu.memory_space<vmem_shared>>) offsets(%dma_start3A_501 : memref<125xi32, #tpu.memory_space<vmem>>) semaphore(%dma_start3A_506 : memref<!tpu.dma_semaphore, #tpu.memory_space<semaphore_mem>>) {add = true}
    %dma_wait3A_507 = arith.constant 0 : i32
    %dma_wait3A_508 = arith.constant 4 : i32
    %dma_wait3A_509 = arith.constant 4 : i32
    %dma_wait3A_510 = arith.constant 0 : i32
    %dma_wait3A_511 = arith.constant 0 : i32
    %dma_wait3A_512 = tpu.memref_slice %arg7[%dma_wait3A_508, %dma_wait3A_510, %dma_wait3A_511] : memref<12x125x32xf32, #tpu.memory_space<vmem>> -> memref<1x125x32xf32, #tpu.memory_space<vmem>>
    %dma_wait3A_513 = tpu.memref_squeeze %dma_wait3A_512 : memref<1x125x32xf32, #tpu.memory_space<vmem>> -> memref<125x32xf32, #tpu.memory_space<vmem>>
    %dma_wait3A_514 = arith.constant 0 : i32
    %dma_wait3A_515 = tpu.memref_slice %arg5[%dma_wait3A_507, %dma_wait3A_514] : memref<80x125xi32, #tpu.memory_space<vmem>> -> memref<1x125xi32, #tpu.memory_space<vmem>>
    %dma_wait3A_516 = tpu.memref_squeeze %dma_wait3A_515 : memref<1x125xi32, #tpu.memory_space<vmem>> -> memref<125xi32, #tpu.memory_space<vmem>>
    %dma_wait3A_517 = arith.constant 0 : i32
    %dma_wait3A_518 = arith.constant 0 : i32
    %dma_wait3A_519 = tpu.memref_slice %arg2[%dma_wait3A_517, %dma_wait3A_518] : memref<10016x32xf32, #tpu.memory_space<hbm>> -> memref<10016x32xf32, #tpu.memory_space<hbm>>
    %dma_wait3A_520 = tpu.memref_slice %arg10[%dma_wait3A_509] : memref<12x!tpu.dma_semaphore, #tpu.memory_space<semaphore_mem>> -> memref<1x!tpu.dma_semaphore, #tpu.memory_space<semaphore_mem>>
    %dma_wait3A_521 = tpu.memref_squeeze %dma_wait3A_520 : memref<1x!tpu.dma_semaphore, #tpu.memory_space<semaphore_mem>> -> memref<!tpu.dma_semaphore, #tpu.memory_space<semaphore_mem>>
    tpu.wait_indirect_dma semaphore(%dma_wait3A_521 : memref<!tpu.dma_semaphore, #tpu.memory_space<semaphore_mem>>) src(%dma_wait3A_519 : memref<10016x32xf32, #tpu.memory_space<hbm>>) dst(%dma_wait3A_513 : memref<125x32xf32, #tpu.memory_space<vmem>>)
    %dma_start3A_522 = arith.constant 4 : i32
    %dma_start3A_523 = arith.constant 76 : i32
    %dma_start3A_524 = arith.constant 4 : i32
    %dma_start3A_525 = arith.constant 0 : i32
    %dma_start3A_526 = arith.constant 0 : i32
    %dma_start3A_527 = tpu.memref_slice %arg7[%dma_start3A_522, %dma_start3A_525, %dma_start3A_526] : memref<12x125x32xf32, #tpu.memory_space<vmem>> -> memref<1x125x32xf32, #tpu.memory_space<vmem>>
    %dma_start3A_528 = tpu.memref_squeeze %dma_start3A_527 : memref<1x125x32xf32, #tpu.memory_space<vmem>> -> memref<125x32xf32, #tpu.memory_space<vmem>>
    %dma_start3A_529 = arith.constant 0 : i32
    %dma_start3A_530 = tpu.memref_slice %arg6[%dma_start3A_523, %dma_start3A_529] : memref<80x125xi32, #tpu.memory_space<vmem>> -> memref<1x125xi32, #tpu.memory_space<vmem>>
    %dma_start3A_531 = tpu.memref_squeeze %dma_start3A_530 : memref<1x125xi32, #tpu.memory_space<vmem>> -> memref<125xi32, #tpu.memory_space<vmem>>
    %dma_start3A_532 = arith.constant 0 : i32
    %dma_start3A_533 = arith.constant 0 : i32
    %dma_start3A_534 = tpu.memref_slice %arg9[%dma_start3A_532, %dma_start3A_533] : memref<10016x32xf32, #tpu.memory_space<vmem_shared>> -> memref<10016x32xf32, #tpu.memory_space<vmem_shared>>
    %dma_start3A_535 = tpu.memref_slice %arg11[%dma_start3A_524] : memref<12x!tpu.dma_semaphore, #tpu.memory_space<semaphore_mem>> -> memref<1x!tpu.dma_semaphore, #tpu.memory_space<semaphore_mem>>
    %dma_start3A_536 = tpu.memref_squeeze %dma_start3A_535 : memref<1x!tpu.dma_semaphore, #tpu.memory_space<semaphore_mem>> -> memref<!tpu.dma_semaphore, #tpu.memory_space<semaphore_mem>>
    tpu.enqueue_indirect_dma source(%dma_start3A_528 : memref<125x32xf32, #tpu.memory_space<vmem>>) target(%dma_start3A_534 : memref<10016x32xf32, #tpu.memory_space<vmem_shared>>) offsets(%dma_start3A_531 : memref<125xi32, #tpu.memory_space<vmem>>) semaphore(%dma_start3A_536 : memref<!tpu.dma_semaphore, #tpu.memory_space<semaphore_mem>>) {add = true}
    %dma_wait3A_537 = arith.constant 0 : i32
    %dma_wait3A_538 = arith.constant 5 : i32
    %dma_wait3A_539 = arith.constant 5 : i32
    %dma_wait3A_540 = arith.constant 0 : i32
    %dma_wait3A_541 = arith.constant 0 : i32
    %dma_wait3A_542 = tpu.memref_slice %arg7[%dma_wait3A_538, %dma_wait3A_540, %dma_wait3A_541] : memref<12x125x32xf32, #tpu.memory_space<vmem>> -> memref<1x125x32xf32, #tpu.memory_space<vmem>>
    %dma_wait3A_543 = tpu.memref_squeeze %dma_wait3A_542 : memref<1x125x32xf32, #tpu.memory_space<vmem>> -> memref<125x32xf32, #tpu.memory_space<vmem>>
    %dma_wait3A_544 = arith.constant 0 : i32
    %dma_wait3A_545 = tpu.memref_slice %arg5[%dma_wait3A_537, %dma_wait3A_544] : memref<80x125xi32, #tpu.memory_space<vmem>> -> memref<1x125xi32, #tpu.memory_space<vmem>>
    %dma_wait3A_546 = tpu.memref_squeeze %dma_wait3A_545 : memref<1x125xi32, #tpu.memory_space<vmem>> -> memref<125xi32, #tpu.memory_space<vmem>>
    %dma_wait3A_547 = arith.constant 0 : i32
    %dma_wait3A_548 = arith.constant 0 : i32
    %dma_wait3A_549 = tpu.memref_slice %arg2[%dma_wait3A_547, %dma_wait3A_548] : memref<10016x32xf32, #tpu.memory_space<hbm>> -> memref<10016x32xf32, #tpu.memory_space<hbm>>
    %dma_wait3A_550 = tpu.memref_slice %arg10[%dma_wait3A_539] : memref<12x!tpu.dma_semaphore, #tpu.memory_space<semaphore_mem>> -> memref<1x!tpu.dma_semaphore, #tpu.memory_space<semaphore_mem>>
    %dma_wait3A_551 = tpu.memref_squeeze %dma_wait3A_550 : memref<1x!tpu.dma_semaphore, #tpu.memory_space<semaphore_mem>> -> memref<!tpu.dma_semaphore, #tpu.memory_space<semaphore_mem>>
    tpu.wait_indirect_dma semaphore(%dma_wait3A_551 : memref<!tpu.dma_semaphore, #tpu.memory_space<semaphore_mem>>) src(%dma_wait3A_549 : memref<10016x32xf32, #tpu.memory_space<hbm>>) dst(%dma_wait3A_543 : memref<125x32xf32, #tpu.memory_space<vmem>>)
    %dma_start3A_552 = arith.constant 5 : i32
    %dma_start3A_553 = arith.constant 77 : i32
    %dma_start3A_554 = arith.constant 5 : i32
    %dma_start3A_555 = arith.constant 0 : i32
    %dma_start3A_556 = arith.constant 0 : i32
    %dma_start3A_557 = tpu.memref_slice %arg7[%dma_start3A_552, %dma_start3A_555, %dma_start3A_556] : memref<12x125x32xf32, #tpu.memory_space<vmem>> -> memref<1x125x32xf32, #tpu.memory_space<vmem>>
    %dma_start3A_558 = tpu.memref_squeeze %dma_start3A_557 : memref<1x125x32xf32, #tpu.memory_space<vmem>> -> memref<125x32xf32, #tpu.memory_space<vmem>>
    %dma_start3A_559 = arith.constant 0 : i32
    %dma_start3A_560 = tpu.memref_slice %arg6[%dma_start3A_553, %dma_start3A_559] : memref<80x125xi32, #tpu.memory_space<vmem>> -> memref<1x125xi32, #tpu.memory_space<vmem>>
    %dma_start3A_561 = tpu.memref_squeeze %dma_start3A_560 : memref<1x125xi32, #tpu.memory_space<vmem>> -> memref<125xi32, #tpu.memory_space<vmem>>
    %dma_start3A_562 = arith.constant 0 : i32
    %dma_start3A_563 = arith.constant 0 : i32
    %dma_start3A_564 = tpu.memref_slice %arg9[%dma_start3A_562, %dma_start3A_563] : memref<10016x32xf32, #tpu.memory_space<vmem_shared>> -> memref<10016x32xf32, #tpu.memory_space<vmem_shared>>
    %dma_start3A_565 = tpu.memref_slice %arg11[%dma_start3A_554] : memref<12x!tpu.dma_semaphore, #tpu.memory_space<semaphore_mem>> -> memref<1x!tpu.dma_semaphore, #tpu.memory_space<semaphore_mem>>
    %dma_start3A_566 = tpu.memref_squeeze %dma_start3A_565 : memref<1x!tpu.dma_semaphore, #tpu.memory_space<semaphore_mem>> -> memref<!tpu.dma_semaphore, #tpu.memory_space<semaphore_mem>>
    tpu.enqueue_indirect_dma source(%dma_start3A_558 : memref<125x32xf32, #tpu.memory_space<vmem>>) target(%dma_start3A_564 : memref<10016x32xf32, #tpu.memory_space<vmem_shared>>) offsets(%dma_start3A_561 : memref<125xi32, #tpu.memory_space<vmem>>) semaphore(%dma_start3A_566 : memref<!tpu.dma_semaphore, #tpu.memory_space<semaphore_mem>>) {add = true}
    %dma_wait3A_567 = arith.constant 0 : i32
    %dma_wait3A_568 = arith.constant 6 : i32
    %dma_wait3A_569 = arith.constant 6 : i32
    %dma_wait3A_570 = arith.constant 0 : i32
    %dma_wait3A_571 = arith.constant 0 : i32
    %dma_wait3A_572 = tpu.memref_slice %arg7[%dma_wait3A_568, %dma_wait3A_570, %dma_wait3A_571] : memref<12x125x32xf32, #tpu.memory_space<vmem>> -> memref<1x125x32xf32, #tpu.memory_space<vmem>>
    %dma_wait3A_573 = tpu.memref_squeeze %dma_wait3A_572 : memref<1x125x32xf32, #tpu.memory_space<vmem>> -> memref<125x32xf32, #tpu.memory_space<vmem>>
    %dma_wait3A_574 = arith.constant 0 : i32
    %dma_wait3A_575 = tpu.memref_slice %arg5[%dma_wait3A_567, %dma_wait3A_574] : memref<80x125xi32, #tpu.memory_space<vmem>> -> memref<1x125xi32, #tpu.memory_space<vmem>>
    %dma_wait3A_576 = tpu.memref_squeeze %dma_wait3A_575 : memref<1x125xi32, #tpu.memory_space<vmem>> -> memref<125xi32, #tpu.memory_space<vmem>>
    %dma_wait3A_577 = arith.constant 0 : i32
    %dma_wait3A_578 = arith.constant 0 : i32
    %dma_wait3A_579 = tpu.memref_slice %arg2[%dma_wait3A_577, %dma_wait3A_578] : memref<10016x32xf32, #tpu.memory_space<hbm>> -> memref<10016x32xf32, #tpu.memory_space<hbm>>
    %dma_wait3A_580 = tpu.memref_slice %arg10[%dma_wait3A_569] : memref<12x!tpu.dma_semaphore, #tpu.memory_space<semaphore_mem>> -> memref<1x!tpu.dma_semaphore, #tpu.memory_space<semaphore_mem>>
    %dma_wait3A_581 = tpu.memref_squeeze %dma_wait3A_580 : memref<1x!tpu.dma_semaphore, #tpu.memory_space<semaphore_mem>> -> memref<!tpu.dma_semaphore, #tpu.memory_space<semaphore_mem>>
    tpu.wait_indirect_dma semaphore(%dma_wait3A_581 : memref<!tpu.dma_semaphore, #tpu.memory_space<semaphore_mem>>) src(%dma_wait3A_579 : memref<10016x32xf32, #tpu.memory_space<hbm>>) dst(%dma_wait3A_573 : memref<125x32xf32, #tpu.memory_space<vmem>>)
    %dma_start3A_582 = arith.constant 6 : i32
    %dma_start3A_583 = arith.constant 78 : i32
    %dma_start3A_584 = arith.constant 6 : i32
    %dma_start3A_585 = arith.constant 0 : i32
    %dma_start3A_586 = arith.constant 0 : i32
    %dma_start3A_587 = tpu.memref_slice %arg7[%dma_start3A_582, %dma_start3A_585, %dma_start3A_586] : memref<12x125x32xf32, #tpu.memory_space<vmem>> -> memref<1x125x32xf32, #tpu.memory_space<vmem>>
    %dma_start3A_588 = tpu.memref_squeeze %dma_start3A_587 : memref<1x125x32xf32, #tpu.memory_space<vmem>> -> memref<125x32xf32, #tpu.memory_space<vmem>>
    %dma_start3A_589 = arith.constant 0 : i32
    %dma_start3A_590 = tpu.memref_slice %arg6[%dma_start3A_583, %dma_start3A_589] : memref<80x125xi32, #tpu.memory_space<vmem>> -> memref<1x125xi32, #tpu.memory_space<vmem>>
    %dma_start3A_591 = tpu.memref_squeeze %dma_start3A_590 : memref<1x125xi32, #tpu.memory_space<vmem>> -> memref<125xi32, #tpu.memory_space<vmem>>
    %dma_start3A_592 = arith.constant 0 : i32
    %dma_start3A_593 = arith.constant 0 : i32
    %dma_start3A_594 = tpu.memref_slice %arg9[%dma_start3A_592, %dma_start3A_593] : memref<10016x32xf32, #tpu.memory_space<vmem_shared>> -> memref<10016x32xf32, #tpu.memory_space<vmem_shared>>
    %dma_start3A_595 = tpu.memref_slice %arg11[%dma_start3A_584] : memref<12x!tpu.dma_semaphore, #tpu.memory_space<semaphore_mem>> -> memref<1x!tpu.dma_semaphore, #tpu.memory_space<semaphore_mem>>
    %dma_start3A_596 = tpu.memref_squeeze %dma_start3A_595 : memref<1x!tpu.dma_semaphore, #tpu.memory_space<semaphore_mem>> -> memref<!tpu.dma_semaphore, #tpu.memory_space<semaphore_mem>>
    tpu.enqueue_indirect_dma source(%dma_start3A_588 : memref<125x32xf32, #tpu.memory_space<vmem>>) target(%dma_start3A_594 : memref<10016x32xf32, #tpu.memory_space<vmem_shared>>) offsets(%dma_start3A_591 : memref<125xi32, #tpu.memory_space<vmem>>) semaphore(%dma_start3A_596 : memref<!tpu.dma_semaphore, #tpu.memory_space<semaphore_mem>>) {add = true}
    %dma_wait3A_597 = arith.constant 0 : i32
    %dma_wait3A_598 = arith.constant 7 : i32
    %dma_wait3A_599 = arith.constant 7 : i32
    %dma_wait3A_600 = arith.constant 0 : i32
    %dma_wait3A_601 = arith.constant 0 : i32
    %dma_wait3A_602 = tpu.memref_slice %arg7[%dma_wait3A_598, %dma_wait3A_600, %dma_wait3A_601] : memref<12x125x32xf32, #tpu.memory_space<vmem>> -> memref<1x125x32xf32, #tpu.memory_space<vmem>>
    %dma_wait3A_603 = tpu.memref_squeeze %dma_wait3A_602 : memref<1x125x32xf32, #tpu.memory_space<vmem>> -> memref<125x32xf32, #tpu.memory_space<vmem>>
    %dma_wait3A_604 = arith.constant 0 : i32
    %dma_wait3A_605 = tpu.memref_slice %arg5[%dma_wait3A_597, %dma_wait3A_604] : memref<80x125xi32, #tpu.memory_space<vmem>> -> memref<1x125xi32, #tpu.memory_space<vmem>>
    %dma_wait3A_606 = tpu.memref_squeeze %dma_wait3A_605 : memref<1x125xi32, #tpu.memory_space<vmem>> -> memref<125xi32, #tpu.memory_space<vmem>>
    %dma_wait3A_607 = arith.constant 0 : i32
    %dma_wait3A_608 = arith.constant 0 : i32
    %dma_wait3A_609 = tpu.memref_slice %arg2[%dma_wait3A_607, %dma_wait3A_608] : memref<10016x32xf32, #tpu.memory_space<hbm>> -> memref<10016x32xf32, #tpu.memory_space<hbm>>
    %dma_wait3A_610 = tpu.memref_slice %arg10[%dma_wait3A_599] : memref<12x!tpu.dma_semaphore, #tpu.memory_space<semaphore_mem>> -> memref<1x!tpu.dma_semaphore, #tpu.memory_space<semaphore_mem>>
    %dma_wait3A_611 = tpu.memref_squeeze %dma_wait3A_610 : memref<1x!tpu.dma_semaphore, #tpu.memory_space<semaphore_mem>> -> memref<!tpu.dma_semaphore, #tpu.memory_space<semaphore_mem>>
    tpu.wait_indirect_dma semaphore(%dma_wait3A_611 : memref<!tpu.dma_semaphore, #tpu.memory_space<semaphore_mem>>) src(%dma_wait3A_609 : memref<10016x32xf32, #tpu.memory_space<hbm>>) dst(%dma_wait3A_603 : memref<125x32xf32, #tpu.memory_space<vmem>>)
    %dma_start3A_612 = arith.constant 7 : i32
    %dma_start3A_613 = arith.constant 79 : i32
    %dma_start3A_614 = arith.constant 7 : i32
    %dma_start3A_615 = arith.constant 0 : i32
    %dma_start3A_616 = arith.constant 0 : i32
    %dma_start3A_617 = tpu.memref_slice %arg7[%dma_start3A_612, %dma_start3A_615, %dma_start3A_616] : memref<12x125x32xf32, #tpu.memory_space<vmem>> -> memref<1x125x32xf32, #tpu.memory_space<vmem>>
    %dma_start3A_618 = tpu.memref_squeeze %dma_start3A_617 : memref<1x125x32xf32, #tpu.memory_space<vmem>> -> memref<125x32xf32, #tpu.memory_space<vmem>>
    %dma_start3A_619 = arith.constant 0 : i32
    %dma_start3A_620 = tpu.memref_slice %arg6[%dma_start3A_613, %dma_start3A_619] : memref<80x125xi32, #tpu.memory_space<vmem>> -> memref<1x125xi32, #tpu.memory_space<vmem>>
    %dma_start3A_621 = tpu.memref_squeeze %dma_start3A_620 : memref<1x125xi32, #tpu.memory_space<vmem>> -> memref<125xi32, #tpu.memory_space<vmem>>
    %dma_start3A_622 = arith.constant 0 : i32
    %dma_start3A_623 = arith.constant 0 : i32
    %dma_start3A_624 = tpu.memref_slice %arg9[%dma_start3A_622, %dma_start3A_623] : memref<10016x32xf32, #tpu.memory_space<vmem_shared>> -> memref<10016x32xf32, #tpu.memory_space<vmem_shared>>
    %dma_start3A_625 = tpu.memref_slice %arg11[%dma_start3A_614] : memref<12x!tpu.dma_semaphore, #tpu.memory_space<semaphore_mem>> -> memref<1x!tpu.dma_semaphore, #tpu.memory_space<semaphore_mem>>
    %dma_start3A_626 = tpu.memref_squeeze %dma_start3A_625 : memref<1x!tpu.dma_semaphore, #tpu.memory_space<semaphore_mem>> -> memref<!tpu.dma_semaphore, #tpu.memory_space<semaphore_mem>>
    tpu.enqueue_indirect_dma source(%dma_start3A_618 : memref<125x32xf32, #tpu.memory_space<vmem>>) target(%dma_start3A_624 : memref<10016x32xf32, #tpu.memory_space<vmem_shared>>) offsets(%dma_start3A_621 : memref<125xi32, #tpu.memory_space<vmem>>) semaphore(%dma_start3A_626 : memref<!tpu.dma_semaphore, #tpu.memory_space<semaphore_mem>>) {add = true}
    %dma_wait3A_627 = arith.constant 8 : i32
    %dma_wait3A_628 = arith.constant 0 : i32
    %dma_wait3A_629 = arith.constant 8 : i32
    %dma_wait3A_630 = arith.constant 0 : i32
    %dma_wait3A_631 = arith.constant 0 : i32
    %dma_wait3A_632 = tpu.memref_slice %arg7[%dma_wait3A_627, %dma_wait3A_630, %dma_wait3A_631] : memref<12x125x32xf32, #tpu.memory_space<vmem>> -> memref<1x125x32xf32, #tpu.memory_space<vmem>>
    %dma_wait3A_633 = tpu.memref_squeeze %dma_wait3A_632 : memref<1x125x32xf32, #tpu.memory_space<vmem>> -> memref<125x32xf32, #tpu.memory_space<vmem>>
    %dma_wait3A_634 = arith.constant 0 : i32
    %dma_wait3A_635 = tpu.memref_slice %arg6[%dma_wait3A_628, %dma_wait3A_634] : memref<80x125xi32, #tpu.memory_space<vmem>> -> memref<1x125xi32, #tpu.memory_space<vmem>>
    %dma_wait3A_636 = tpu.memref_squeeze %dma_wait3A_635 : memref<1x125xi32, #tpu.memory_space<vmem>> -> memref<125xi32, #tpu.memory_space<vmem>>
    %dma_wait3A_637 = arith.constant 0 : i32
    %dma_wait3A_638 = arith.constant 0 : i32
    %dma_wait3A_639 = tpu.memref_slice %arg9[%dma_wait3A_637, %dma_wait3A_638] : memref<10016x32xf32, #tpu.memory_space<vmem_shared>> -> memref<10016x32xf32, #tpu.memory_space<vmem_shared>>
    %dma_wait3A_640 = tpu.memref_slice %arg11[%dma_wait3A_629] : memref<12x!tpu.dma_semaphore, #tpu.memory_space<semaphore_mem>> -> memref<1x!tpu.dma_semaphore, #tpu.memory_space<semaphore_mem>>
    %dma_wait3A_641 = tpu.memref_squeeze %dma_wait3A_640 : memref<1x!tpu.dma_semaphore, #tpu.memory_space<semaphore_mem>> -> memref<!tpu.dma_semaphore, #tpu.memory_space<semaphore_mem>>
    tpu.wait_indirect_dma semaphore(%dma_wait3A_641 : memref<!tpu.dma_semaphore, #tpu.memory_space<semaphore_mem>>) src(%dma_wait3A_633 : memref<125x32xf32, #tpu.memory_space<vmem>>) dst(%dma_wait3A_639 : memref<10016x32xf32, #tpu.memory_space<vmem_shared>>)
    %dma_wait3A_642 = arith.constant 9 : i32
    %dma_wait3A_643 = arith.constant 0 : i32
    %dma_wait3A_644 = arith.constant 9 : i32
    %dma_wait3A_645 = arith.constant 0 : i32
    %dma_wait3A_646 = arith.constant 0 : i32
    %dma_wait3A_647 = tpu.memref_slice %arg7[%dma_wait3A_642, %dma_wait3A_645, %dma_wait3A_646] : memref<12x125x32xf32, #tpu.memory_space<vmem>> -> memref<1x125x32xf32, #tpu.memory_space<vmem>>
    %dma_wait3A_648 = tpu.memref_squeeze %dma_wait3A_647 : memref<1x125x32xf32, #tpu.memory_space<vmem>> -> memref<125x32xf32, #tpu.memory_space<vmem>>
    %dma_wait3A_649 = arith.constant 0 : i32
    %dma_wait3A_650 = tpu.memref_slice %arg6[%dma_wait3A_643, %dma_wait3A_649] : memref<80x125xi32, #tpu.memory_space<vmem>> -> memref<1x125xi32, #tpu.memory_space<vmem>>
    %dma_wait3A_651 = tpu.memref_squeeze %dma_wait3A_650 : memref<1x125xi32, #tpu.memory_space<vmem>> -> memref<125xi32, #tpu.memory_space<vmem>>
    %dma_wait3A_652 = arith.constant 0 : i32
    %dma_wait3A_653 = arith.constant 0 : i32
    %dma_wait3A_654 = tpu.memref_slice %arg9[%dma_wait3A_652, %dma_wait3A_653] : memref<10016x32xf32, #tpu.memory_space<vmem_shared>> -> memref<10016x32xf32, #tpu.memory_space<vmem_shared>>
    %dma_wait3A_655 = tpu.memref_slice %arg11[%dma_wait3A_644] : memref<12x!tpu.dma_semaphore, #tpu.memory_space<semaphore_mem>> -> memref<1x!tpu.dma_semaphore, #tpu.memory_space<semaphore_mem>>
    %dma_wait3A_656 = tpu.memref_squeeze %dma_wait3A_655 : memref<1x!tpu.dma_semaphore, #tpu.memory_space<semaphore_mem>> -> memref<!tpu.dma_semaphore, #tpu.memory_space<semaphore_mem>>
    tpu.wait_indirect_dma semaphore(%dma_wait3A_656 : memref<!tpu.dma_semaphore, #tpu.memory_space<semaphore_mem>>) src(%dma_wait3A_648 : memref<125x32xf32, #tpu.memory_space<vmem>>) dst(%dma_wait3A_654 : memref<10016x32xf32, #tpu.memory_space<vmem_shared>>)
    %dma_wait3A_657 = arith.constant 10 : i32
    %dma_wait3A_658 = arith.constant 0 : i32
    %dma_wait3A_659 = arith.constant 10 : i32
    %dma_wait3A_660 = arith.constant 0 : i32
    %dma_wait3A_661 = arith.constant 0 : i32
    %dma_wait3A_662 = tpu.memref_slice %arg7[%dma_wait3A_657, %dma_wait3A_660, %dma_wait3A_661] : memref<12x125x32xf32, #tpu.memory_space<vmem>> -> memref<1x125x32xf32, #tpu.memory_space<vmem>>
    %dma_wait3A_663 = tpu.memref_squeeze %dma_wait3A_662 : memref<1x125x32xf32, #tpu.memory_space<vmem>> -> memref<125x32xf32, #tpu.memory_space<vmem>>
    %dma_wait3A_664 = arith.constant 0 : i32
    %dma_wait3A_665 = tpu.memref_slice %arg6[%dma_wait3A_658, %dma_wait3A_664] : memref<80x125xi32, #tpu.memory_space<vmem>> -> memref<1x125xi32, #tpu.memory_space<vmem>>
    %dma_wait3A_666 = tpu.memref_squeeze %dma_wait3A_665 : memref<1x125xi32, #tpu.memory_space<vmem>> -> memref<125xi32, #tpu.memory_space<vmem>>
    %dma_wait3A_667 = arith.constant 0 : i32
    %dma_wait3A_668 = arith.constant 0 : i32
    %dma_wait3A_669 = tpu.memref_slice %arg9[%dma_wait3A_667, %dma_wait3A_668] : memref<10016x32xf32, #tpu.memory_space<vmem_shared>> -> memref<10016x32xf32, #tpu.memory_space<vmem_shared>>
    %dma_wait3A_670 = tpu.memref_slice %arg11[%dma_wait3A_659] : memref<12x!tpu.dma_semaphore, #tpu.memory_space<semaphore_mem>> -> memref<1x!tpu.dma_semaphore, #tpu.memory_space<semaphore_mem>>
    %dma_wait3A_671 = tpu.memref_squeeze %dma_wait3A_670 : memref<1x!tpu.dma_semaphore, #tpu.memory_space<semaphore_mem>> -> memref<!tpu.dma_semaphore, #tpu.memory_space<semaphore_mem>>
    tpu.wait_indirect_dma semaphore(%dma_wait3A_671 : memref<!tpu.dma_semaphore, #tpu.memory_space<semaphore_mem>>) src(%dma_wait3A_663 : memref<125x32xf32, #tpu.memory_space<vmem>>) dst(%dma_wait3A_669 : memref<10016x32xf32, #tpu.memory_space<vmem_shared>>)
    %dma_wait3A_672 = arith.constant 11 : i32
    %dma_wait3A_673 = arith.constant 0 : i32
    %dma_wait3A_674 = arith.constant 11 : i32
    %dma_wait3A_675 = arith.constant 0 : i32
    %dma_wait3A_676 = arith.constant 0 : i32
    %dma_wait3A_677 = tpu.memref_slice %arg7[%dma_wait3A_672, %dma_wait3A_675, %dma_wait3A_676] : memref<12x125x32xf32, #tpu.memory_space<vmem>> -> memref<1x125x32xf32, #tpu.memory_space<vmem>>
    %dma_wait3A_678 = tpu.memref_squeeze %dma_wait3A_677 : memref<1x125x32xf32, #tpu.memory_space<vmem>> -> memref<125x32xf32, #tpu.memory_space<vmem>>
    %dma_wait3A_679 = arith.constant 0 : i32
    %dma_wait3A_680 = tpu.memref_slice %arg6[%dma_wait3A_673, %dma_wait3A_679] : memref<80x125xi32, #tpu.memory_space<vmem>> -> memref<1x125xi32, #tpu.memory_space<vmem>>
    %dma_wait3A_681 = tpu.memref_squeeze %dma_wait3A_680 : memref<1x125xi32, #tpu.memory_space<vmem>> -> memref<125xi32, #tpu.memory_space<vmem>>
    %dma_wait3A_682 = arith.constant 0 : i32
    %dma_wait3A_683 = arith.constant 0 : i32
    %dma_wait3A_684 = tpu.memref_slice %arg9[%dma_wait3A_682, %dma_wait3A_683] : memref<10016x32xf32, #tpu.memory_space<vmem_shared>> -> memref<10016x32xf32, #tpu.memory_space<vmem_shared>>
    %dma_wait3A_685 = tpu.memref_slice %arg11[%dma_wait3A_674] : memref<12x!tpu.dma_semaphore, #tpu.memory_space<semaphore_mem>> -> memref<1x!tpu.dma_semaphore, #tpu.memory_space<semaphore_mem>>
    %dma_wait3A_686 = tpu.memref_squeeze %dma_wait3A_685 : memref<1x!tpu.dma_semaphore, #tpu.memory_space<semaphore_mem>> -> memref<!tpu.dma_semaphore, #tpu.memory_space<semaphore_mem>>
    tpu.wait_indirect_dma semaphore(%dma_wait3A_686 : memref<!tpu.dma_semaphore, #tpu.memory_space<semaphore_mem>>) src(%dma_wait3A_678 : memref<125x32xf32, #tpu.memory_space<vmem>>) dst(%dma_wait3A_684 : memref<10016x32xf32, #tpu.memory_space<vmem_shared>>)
    %dma_wait3A_687 = arith.constant 0 : i32
    %dma_wait3A_688 = arith.constant 0 : i32
    %dma_wait3A_689 = arith.constant 0 : i32
    %dma_wait3A_690 = arith.constant 0 : i32
    %dma_wait3A_691 = arith.constant 0 : i32
    %dma_wait3A_692 = tpu.memref_slice %arg7[%dma_wait3A_687, %dma_wait3A_690, %dma_wait3A_691] : memref<12x125x32xf32, #tpu.memory_space<vmem>> -> memref<1x125x32xf32, #tpu.memory_space<vmem>>
    %dma_wait3A_693 = tpu.memref_squeeze %dma_wait3A_692 : memref<1x125x32xf32, #tpu.memory_space<vmem>> -> memref<125x32xf32, #tpu.memory_space<vmem>>
    %dma_wait3A_694 = arith.constant 0 : i32
    %dma_wait3A_695 = tpu.memref_slice %arg6[%dma_wait3A_688, %dma_wait3A_694] : memref<80x125xi32, #tpu.memory_space<vmem>> -> memref<1x125xi32, #tpu.memory_space<vmem>>
    %dma_wait3A_696 = tpu.memref_squeeze %dma_wait3A_695 : memref<1x125xi32, #tpu.memory_space<vmem>> -> memref<125xi32, #tpu.memory_space<vmem>>
    %dma_wait3A_697 = arith.constant 0 : i32
    %dma_wait3A_698 = arith.constant 0 : i32
    %dma_wait3A_699 = tpu.memref_slice %arg9[%dma_wait3A_697, %dma_wait3A_698] : memref<10016x32xf32, #tpu.memory_space<vmem_shared>> -> memref<10016x32xf32, #tpu.memory_space<vmem_shared>>
    %dma_wait3A_700 = tpu.memref_slice %arg11[%dma_wait3A_689] : memref<12x!tpu.dma_semaphore, #tpu.memory_space<semaphore_mem>> -> memref<1x!tpu.dma_semaphore, #tpu.memory_space<semaphore_mem>>
    %dma_wait3A_701 = tpu.memref_squeeze %dma_wait3A_700 : memref<1x!tpu.dma_semaphore, #tpu.memory_space<semaphore_mem>> -> memref<!tpu.dma_semaphore, #tpu.memory_space<semaphore_mem>>
    tpu.wait_indirect_dma semaphore(%dma_wait3A_701 : memref<!tpu.dma_semaphore, #tpu.memory_space<semaphore_mem>>) src(%dma_wait3A_693 : memref<125x32xf32, #tpu.memory_space<vmem>>) dst(%dma_wait3A_699 : memref<10016x32xf32, #tpu.memory_space<vmem_shared>>)
    %dma_wait3A_702 = arith.constant 1 : i32
    %dma_wait3A_703 = arith.constant 0 : i32
    %dma_wait3A_704 = arith.constant 1 : i32
    %dma_wait3A_705 = arith.constant 0 : i32
    %dma_wait3A_706 = arith.constant 0 : i32
    %dma_wait3A_707 = tpu.memref_slice %arg7[%dma_wait3A_702, %dma_wait3A_705, %dma_wait3A_706] : memref<12x125x32xf32, #tpu.memory_space<vmem>> -> memref<1x125x32xf32, #tpu.memory_space<vmem>>
    %dma_wait3A_708 = tpu.memref_squeeze %dma_wait3A_707 : memref<1x125x32xf32, #tpu.memory_space<vmem>> -> memref<125x32xf32, #tpu.memory_space<vmem>>
    %dma_wait3A_709 = arith.constant 0 : i32
    %dma_wait3A_710 = tpu.memref_slice %arg6[%dma_wait3A_703, %dma_wait3A_709] : memref<80x125xi32, #tpu.memory_space<vmem>> -> memref<1x125xi32, #tpu.memory_space<vmem>>
    %dma_wait3A_711 = tpu.memref_squeeze %dma_wait3A_710 : memref<1x125xi32, #tpu.memory_space<vmem>> -> memref<125xi32, #tpu.memory_space<vmem>>
    %dma_wait3A_712 = arith.constant 0 : i32
    %dma_wait3A_713 = arith.constant 0 : i32
    %dma_wait3A_714 = tpu.memref_slice %arg9[%dma_wait3A_712, %dma_wait3A_713] : memref<10016x32xf32, #tpu.memory_space<vmem_shared>> -> memref<10016x32xf32, #tpu.memory_space<vmem_shared>>
    %dma_wait3A_715 = tpu.memref_slice %arg11[%dma_wait3A_704] : memref<12x!tpu.dma_semaphore, #tpu.memory_space<semaphore_mem>> -> memref<1x!tpu.dma_semaphore, #tpu.memory_space<semaphore_mem>>
    %dma_wait3A_716 = tpu.memref_squeeze %dma_wait3A_715 : memref<1x!tpu.dma_semaphore, #tpu.memory_space<semaphore_mem>> -> memref<!tpu.dma_semaphore, #tpu.memory_space<semaphore_mem>>
    tpu.wait_indirect_dma semaphore(%dma_wait3A_716 : memref<!tpu.dma_semaphore, #tpu.memory_space<semaphore_mem>>) src(%dma_wait3A_708 : memref<125x32xf32, #tpu.memory_space<vmem>>) dst(%dma_wait3A_714 : memref<10016x32xf32, #tpu.memory_space<vmem_shared>>)
    %dma_wait3A_717 = arith.constant 2 : i32
    %dma_wait3A_718 = arith.constant 0 : i32
    %dma_wait3A_719 = arith.constant 2 : i32
    %dma_wait3A_720 = arith.constant 0 : i32
    %dma_wait3A_721 = arith.constant 0 : i32
    %dma_wait3A_722 = tpu.memref_slice %arg7[%dma_wait3A_717, %dma_wait3A_720, %dma_wait3A_721] : memref<12x125x32xf32, #tpu.memory_space<vmem>> -> memref<1x125x32xf32, #tpu.memory_space<vmem>>
    %dma_wait3A_723 = tpu.memref_squeeze %dma_wait3A_722 : memref<1x125x32xf32, #tpu.memory_space<vmem>> -> memref<125x32xf32, #tpu.memory_space<vmem>>
    %dma_wait3A_724 = arith.constant 0 : i32
    %dma_wait3A_725 = tpu.memref_slice %arg6[%dma_wait3A_718, %dma_wait3A_724] : memref<80x125xi32, #tpu.memory_space<vmem>> -> memref<1x125xi32, #tpu.memory_space<vmem>>
    %dma_wait3A_726 = tpu.memref_squeeze %dma_wait3A_725 : memref<1x125xi32, #tpu.memory_space<vmem>> -> memref<125xi32, #tpu.memory_space<vmem>>
    %dma_wait3A_727 = arith.constant 0 : i32
    %dma_wait3A_728 = arith.constant 0 : i32
    %dma_wait3A_729 = tpu.memref_slice %arg9[%dma_wait3A_727, %dma_wait3A_728] : memref<10016x32xf32, #tpu.memory_space<vmem_shared>> -> memref<10016x32xf32, #tpu.memory_space<vmem_shared>>
    %dma_wait3A_730 = tpu.memref_slice %arg11[%dma_wait3A_719] : memref<12x!tpu.dma_semaphore, #tpu.memory_space<semaphore_mem>> -> memref<1x!tpu.dma_semaphore, #tpu.memory_space<semaphore_mem>>
    %dma_wait3A_731 = tpu.memref_squeeze %dma_wait3A_730 : memref<1x!tpu.dma_semaphore, #tpu.memory_space<semaphore_mem>> -> memref<!tpu.dma_semaphore, #tpu.memory_space<semaphore_mem>>
    tpu.wait_indirect_dma semaphore(%dma_wait3A_731 : memref<!tpu.dma_semaphore, #tpu.memory_space<semaphore_mem>>) src(%dma_wait3A_723 : memref<125x32xf32, #tpu.memory_space<vmem>>) dst(%dma_wait3A_729 : memref<10016x32xf32, #tpu.memory_space<vmem_shared>>)
    %dma_wait3A_732 = arith.constant 3 : i32
    %dma_wait3A_733 = arith.constant 0 : i32
    %dma_wait3A_734 = arith.constant 3 : i32
    %dma_wait3A_735 = arith.constant 0 : i32
    %dma_wait3A_736 = arith.constant 0 : i32
    %dma_wait3A_737 = tpu.memref_slice %arg7[%dma_wait3A_732, %dma_wait3A_735, %dma_wait3A_736] : memref<12x125x32xf32, #tpu.memory_space<vmem>> -> memref<1x125x32xf32, #tpu.memory_space<vmem>>
    %dma_wait3A_738 = tpu.memref_squeeze %dma_wait3A_737 : memref<1x125x32xf32, #tpu.memory_space<vmem>> -> memref<125x32xf32, #tpu.memory_space<vmem>>
    %dma_wait3A_739 = arith.constant 0 : i32
    %dma_wait3A_740 = tpu.memref_slice %arg6[%dma_wait3A_733, %dma_wait3A_739] : memref<80x125xi32, #tpu.memory_space<vmem>> -> memref<1x125xi32, #tpu.memory_space<vmem>>
    %dma_wait3A_741 = tpu.memref_squeeze %dma_wait3A_740 : memref<1x125xi32, #tpu.memory_space<vmem>> -> memref<125xi32, #tpu.memory_space<vmem>>
    %dma_wait3A_742 = arith.constant 0 : i32
    %dma_wait3A_743 = arith.constant 0 : i32
    %dma_wait3A_744 = tpu.memref_slice %arg9[%dma_wait3A_742, %dma_wait3A_743] : memref<10016x32xf32, #tpu.memory_space<vmem_shared>> -> memref<10016x32xf32, #tpu.memory_space<vmem_shared>>
    %dma_wait3A_745 = tpu.memref_slice %arg11[%dma_wait3A_734] : memref<12x!tpu.dma_semaphore, #tpu.memory_space<semaphore_mem>> -> memref<1x!tpu.dma_semaphore, #tpu.memory_space<semaphore_mem>>
    %dma_wait3A_746 = tpu.memref_squeeze %dma_wait3A_745 : memref<1x!tpu.dma_semaphore, #tpu.memory_space<semaphore_mem>> -> memref<!tpu.dma_semaphore, #tpu.memory_space<semaphore_mem>>
    tpu.wait_indirect_dma semaphore(%dma_wait3A_746 : memref<!tpu.dma_semaphore, #tpu.memory_space<semaphore_mem>>) src(%dma_wait3A_738 : memref<125x32xf32, #tpu.memory_space<vmem>>) dst(%dma_wait3A_744 : memref<10016x32xf32, #tpu.memory_space<vmem_shared>>)
    %dma_wait3A_747 = arith.constant 4 : i32
    %dma_wait3A_748 = arith.constant 0 : i32
    %dma_wait3A_749 = arith.constant 4 : i32
    %dma_wait3A_750 = arith.constant 0 : i32
    %dma_wait3A_751 = arith.constant 0 : i32
    %dma_wait3A_752 = tpu.memref_slice %arg7[%dma_wait3A_747, %dma_wait3A_750, %dma_wait3A_751] : memref<12x125x32xf32, #tpu.memory_space<vmem>> -> memref<1x125x32xf32, #tpu.memory_space<vmem>>
    %dma_wait3A_753 = tpu.memref_squeeze %dma_wait3A_752 : memref<1x125x32xf32, #tpu.memory_space<vmem>> -> memref<125x32xf32, #tpu.memory_space<vmem>>
    %dma_wait3A_754 = arith.constant 0 : i32
    %dma_wait3A_755 = tpu.memref_slice %arg6[%dma_wait3A_748, %dma_wait3A_754] : memref<80x125xi32, #tpu.memory_space<vmem>> -> memref<1x125xi32, #tpu.memory_space<vmem>>
    %dma_wait3A_756 = tpu.memref_squeeze %dma_wait3A_755 : memref<1x125xi32, #tpu.memory_space<vmem>> -> memref<125xi32, #tpu.memory_space<vmem>>
    %dma_wait3A_757 = arith.constant 0 : i32
    %dma_wait3A_758 = arith.constant 0 : i32
    %dma_wait3A_759 = tpu.memref_slice %arg9[%dma_wait3A_757, %dma_wait3A_758] : memref<10016x32xf32, #tpu.memory_space<vmem_shared>> -> memref<10016x32xf32, #tpu.memory_space<vmem_shared>>
    %dma_wait3A_760 = tpu.memref_slice %arg11[%dma_wait3A_749] : memref<12x!tpu.dma_semaphore, #tpu.memory_space<semaphore_mem>> -> memref<1x!tpu.dma_semaphore, #tpu.memory_space<semaphore_mem>>
    %dma_wait3A_761 = tpu.memref_squeeze %dma_wait3A_760 : memref<1x!tpu.dma_semaphore, #tpu.memory_space<semaphore_mem>> -> memref<!tpu.dma_semaphore, #tpu.memory_space<semaphore_mem>>
    tpu.wait_indirect_dma semaphore(%dma_wait3A_761 : memref<!tpu.dma_semaphore, #tpu.memory_space<semaphore_mem>>) src(%dma_wait3A_753 : memref<125x32xf32, #tpu.memory_space<vmem>>) dst(%dma_wait3A_759 : memref<10016x32xf32, #tpu.memory_space<vmem_shared>>)
    %dma_wait3A_762 = arith.constant 5 : i32
    %dma_wait3A_763 = arith.constant 0 : i32
    %dma_wait3A_764 = arith.constant 5 : i32
    %dma_wait3A_765 = arith.constant 0 : i32
    %dma_wait3A_766 = arith.constant 0 : i32
    %dma_wait3A_767 = tpu.memref_slice %arg7[%dma_wait3A_762, %dma_wait3A_765, %dma_wait3A_766] : memref<12x125x32xf32, #tpu.memory_space<vmem>> -> memref<1x125x32xf32, #tpu.memory_space<vmem>>
    %dma_wait3A_768 = tpu.memref_squeeze %dma_wait3A_767 : memref<1x125x32xf32, #tpu.memory_space<vmem>> -> memref<125x32xf32, #tpu.memory_space<vmem>>
    %dma_wait3A_769 = arith.constant 0 : i32
    %dma_wait3A_770 = tpu.memref_slice %arg6[%dma_wait3A_763, %dma_wait3A_769] : memref<80x125xi32, #tpu.memory_space<vmem>> -> memref<1x125xi32, #tpu.memory_space<vmem>>
    %dma_wait3A_771 = tpu.memref_squeeze %dma_wait3A_770 : memref<1x125xi32, #tpu.memory_space<vmem>> -> memref<125xi32, #tpu.memory_space<vmem>>
    %dma_wait3A_772 = arith.constant 0 : i32
    %dma_wait3A_773 = arith.constant 0 : i32
    %dma_wait3A_774 = tpu.memref_slice %arg9[%dma_wait3A_772, %dma_wait3A_773] : memref<10016x32xf32, #tpu.memory_space<vmem_shared>> -> memref<10016x32xf32, #tpu.memory_space<vmem_shared>>
    %dma_wait3A_775 = tpu.memref_slice %arg11[%dma_wait3A_764] : memref<12x!tpu.dma_semaphore, #tpu.memory_space<semaphore_mem>> -> memref<1x!tpu.dma_semaphore, #tpu.memory_space<semaphore_mem>>
    %dma_wait3A_776 = tpu.memref_squeeze %dma_wait3A_775 : memref<1x!tpu.dma_semaphore, #tpu.memory_space<semaphore_mem>> -> memref<!tpu.dma_semaphore, #tpu.memory_space<semaphore_mem>>
    tpu.wait_indirect_dma semaphore(%dma_wait3A_776 : memref<!tpu.dma_semaphore, #tpu.memory_space<semaphore_mem>>) src(%dma_wait3A_768 : memref<125x32xf32, #tpu.memory_space<vmem>>) dst(%dma_wait3A_774 : memref<10016x32xf32, #tpu.memory_space<vmem_shared>>)
    %dma_wait3A_777 = arith.constant 6 : i32
    %dma_wait3A_778 = arith.constant 0 : i32
    %dma_wait3A_779 = arith.constant 6 : i32
    %dma_wait3A_780 = arith.constant 0 : i32
    %dma_wait3A_781 = arith.constant 0 : i32
    %dma_wait3A_782 = tpu.memref_slice %arg7[%dma_wait3A_777, %dma_wait3A_780, %dma_wait3A_781] : memref<12x125x32xf32, #tpu.memory_space<vmem>> -> memref<1x125x32xf32, #tpu.memory_space<vmem>>
    %dma_wait3A_783 = tpu.memref_squeeze %dma_wait3A_782 : memref<1x125x32xf32, #tpu.memory_space<vmem>> -> memref<125x32xf32, #tpu.memory_space<vmem>>
    %dma_wait3A_784 = arith.constant 0 : i32
    %dma_wait3A_785 = tpu.memref_slice %arg6[%dma_wait3A_778, %dma_wait3A_784] : memref<80x125xi32, #tpu.memory_space<vmem>> -> memref<1x125xi32, #tpu.memory_space<vmem>>
    %dma_wait3A_786 = tpu.memref_squeeze %dma_wait3A_785 : memref<1x125xi32, #tpu.memory_space<vmem>> -> memref<125xi32, #tpu.memory_space<vmem>>
    %dma_wait3A_787 = arith.constant 0 : i32
    %dma_wait3A_788 = arith.constant 0 : i32
    %dma_wait3A_789 = tpu.memref_slice %arg9[%dma_wait3A_787, %dma_wait3A_788] : memref<10016x32xf32, #tpu.memory_space<vmem_shared>> -> memref<10016x32xf32, #tpu.memory_space<vmem_shared>>
    %dma_wait3A_790 = tpu.memref_slice %arg11[%dma_wait3A_779] : memref<12x!tpu.dma_semaphore, #tpu.memory_space<semaphore_mem>> -> memref<1x!tpu.dma_semaphore, #tpu.memory_space<semaphore_mem>>
    %dma_wait3A_791 = tpu.memref_squeeze %dma_wait3A_790 : memref<1x!tpu.dma_semaphore, #tpu.memory_space<semaphore_mem>> -> memref<!tpu.dma_semaphore, #tpu.memory_space<semaphore_mem>>
    tpu.wait_indirect_dma semaphore(%dma_wait3A_791 : memref<!tpu.dma_semaphore, #tpu.memory_space<semaphore_mem>>) src(%dma_wait3A_783 : memref<125x32xf32, #tpu.memory_space<vmem>>) dst(%dma_wait3A_789 : memref<10016x32xf32, #tpu.memory_space<vmem_shared>>)
    %dma_wait3A_792 = arith.constant 7 : i32
    %dma_wait3A_793 = arith.constant 0 : i32
    %dma_wait3A_794 = arith.constant 7 : i32
    %dma_wait3A_795 = arith.constant 0 : i32
    %dma_wait3A_796 = arith.constant 0 : i32
    %dma_wait3A_797 = tpu.memref_slice %arg7[%dma_wait3A_792, %dma_wait3A_795, %dma_wait3A_796] : memref<12x125x32xf32, #tpu.memory_space<vmem>> -> memref<1x125x32xf32, #tpu.memory_space<vmem>>
    %dma_wait3A_798 = tpu.memref_squeeze %dma_wait3A_797 : memref<1x125x32xf32, #tpu.memory_space<vmem>> -> memref<125x32xf32, #tpu.memory_space<vmem>>
    %dma_wait3A_799 = arith.constant 0 : i32
    %dma_wait3A_800 = tpu.memref_slice %arg6[%dma_wait3A_793, %dma_wait3A_799] : memref<80x125xi32, #tpu.memory_space<vmem>> -> memref<1x125xi32, #tpu.memory_space<vmem>>
    %dma_wait3A_801 = tpu.memref_squeeze %dma_wait3A_800 : memref<1x125xi32, #tpu.memory_space<vmem>> -> memref<125xi32, #tpu.memory_space<vmem>>
    %dma_wait3A_802 = arith.constant 0 : i32
    %dma_wait3A_803 = arith.constant 0 : i32
    %dma_wait3A_804 = tpu.memref_slice %arg9[%dma_wait3A_802, %dma_wait3A_803] : memref<10016x32xf32, #tpu.memory_space<vmem_shared>> -> memref<10016x32xf32, #tpu.memory_space<vmem_shared>>
    %dma_wait3A_805 = tpu.memref_slice %arg11[%dma_wait3A_794] : memref<12x!tpu.dma_semaphore, #tpu.memory_space<semaphore_mem>> -> memref<1x!tpu.dma_semaphore, #tpu.memory_space<semaphore_mem>>
    %dma_wait3A_806 = tpu.memref_squeeze %dma_wait3A_805 : memref<1x!tpu.dma_semaphore, #tpu.memory_space<semaphore_mem>> -> memref<!tpu.dma_semaphore, #tpu.memory_space<semaphore_mem>>
    tpu.wait_indirect_dma semaphore(%dma_wait3A_806 : memref<!tpu.dma_semaphore, #tpu.memory_space<semaphore_mem>>) src(%dma_wait3A_798 : memref<125x32xf32, #tpu.memory_space<vmem>>) dst(%dma_wait3A_804 : memref<10016x32xf32, #tpu.memory_space<vmem_shared>>)
    %barrier3A_807 = arith.constant 0 : index
    tpu.barrier barrier_id(%barrier3A_807)
    "tpu.region"() ({
      %run_scoped3A = tpu.sem_alloc : memref<!tpu.dma_semaphore, #tpu.memory_space<semaphore_mem>>
      %dma_start3A_808 = arith.constant 0 : i32
      %dma_start3A_809 = arith.constant 0 : i32
      %dma_start3A_810 = tpu.memref_slice %arg4[%arg0, %dma_start3A_808, %dma_start3A_809] : memref<2x10016x32xf32, #tpu.memory_space<hbm>> -> memref<1x10016x32xf32, #tpu.memory_space<hbm>>
      %dma_start3A_811 = tpu.memref_squeeze %dma_start3A_810 : memref<1x10016x32xf32, #tpu.memory_space<hbm>> -> memref<10016x32xf32, #tpu.memory_space<hbm>>
      %dma_start3A_812 = arith.constant 0 : i32
      %dma_start3A_813 = tpu.memref_slice %dma_start3A_811[%mul3A_44, %dma_start3A_812] : memref<10016x32xf32, #tpu.memory_space<hbm>> -> memref<626x32xf32, #tpu.memory_space<hbm>>
      %dma_start3A_814 = arith.constant 0 : i32
      %dma_start3A_815 = tpu.memref_slice %arg9[%mul3A_44, %dma_start3A_814] : memref<10016x32xf32, #tpu.memory_space<vmem_shared>> -> memref<626x32xf32, #tpu.memory_space<vmem_shared>>
      tpu.enqueue_dma source(%dma_start3A_815 : memref<626x32xf32, #tpu.memory_space<vmem_shared>>) target(%dma_start3A_813 : memref<626x32xf32, #tpu.memory_space<hbm>>) target_semaphore(%run_scoped3A : memref<!tpu.dma_semaphore, #tpu.memory_space<semaphore_mem>>)
      %dma_wait3A_816 = arith.constant 0 : i32
      %dma_wait3A_817 = arith.constant 0 : i32
      %dma_wait3A_818 = tpu.memref_slice %arg4[%arg0, %dma_wait3A_816, %dma_wait3A_817] : memref<2x10016x32xf32, #tpu.memory_space<hbm>> -> memref<1x10016x32xf32, #tpu.memory_space<hbm>>
      %dma_wait3A_819 = tpu.memref_squeeze %dma_wait3A_818 : memref<1x10016x32xf32, #tpu.memory_space<hbm>> -> memref<10016x32xf32, #tpu.memory_space<hbm>>
      %dma_wait3A_820 = arith.constant 0 : i32
      %dma_wait3A_821 = tpu.memref_slice %dma_wait3A_819[%mul3A_44, %dma_wait3A_820] : memref<10016x32xf32, #tpu.memory_space<hbm>> -> memref<626x32xf32, #tpu.memory_space<hbm>>
      %dma_wait3A_822 = arith.constant 0 : i32
      %dma_wait3A_823 = tpu.memref_slice %arg9[%mul3A_44, %dma_wait3A_822] : memref<10016x32xf32, #tpu.memory_space<vmem_shared>> -> memref<626x32xf32, #tpu.memory_space<vmem_shared>>
      tpu.wait_dma2 semaphore(%run_scoped3A : memref<!tpu.dma_semaphore, #tpu.memory_space<semaphore_mem>>) src(%dma_wait3A_823 : memref<626x32xf32, #tpu.memory_space<vmem_shared>>) dst(%dma_wait3A_821 : memref<626x32xf32, #tpu.memory_space<hbm>>)
      tpu.yield
    }) : () -> ()
    return
  }
}

module attributes {stable_mosaic.version = 14 : i64} {
  func.func @body(%arg0: memref<10000x128xf32, #tpu.memory_space<vmem>>, %arg1: memref<128x32xf32, #tpu.memory_space<vmem>>, %arg2: memref<2x32x80x125xi32, #tpu.memory_space<hbm>>, %arg3: memref<10016x32xf32, #tpu.memory_space<vmem>>) attributes {dimension_semantics = [], scalar_prefetch = 0 : i64, scratch_operands = 0 : i64, tpu.core_type = #tpu.core_type<tc>} {
    %get3A = arith.constant 0 : index
    %get3A_0 = arith.constant 0 : index
    %get3A_1 = vector.load %arg0[%get3A, %get3A_0] : memref<10000x128xf32, #tpu.memory_space<vmem>>, vector<10000x128xf32>
    %get3A_2 = arith.constant 0 : index
    %get3A_3 = arith.constant 0 : index
    %get3A_4 = vector.load %arg1[%get3A_2, %get3A_3] : memref<128x32xf32, #tpu.memory_space<vmem>>, vector<128x32xf32>
    %dot_general3A = arith.constant dense<0.000000e+00> : vector<10000x32xf32>
    %dot_general3A_5 = tpu.matmul %get3A_1, %get3A_4, %dot_general3A {dimension_numbers = #tpu.dot_dimension_numbers<[1], [0], [0], [1], [0, 0, 1, 1], [], []>, precision = #tpu.contract_precision<fp32>, transpose_lhs_hint = false} : vector<10000x128xf32>, vector<128x32xf32>, vector<10000x32xf32> -> vector<10000x32xf32>
    %broadcast_in_dim3A = arith.constant 0.000000e+00 : f32
    %broadcast_in_dim3A_6 = vector.broadcast %broadcast_in_dim3A : f32 to vector<16x32xf32>
    %concatenate3A = tpu.concatenate %dot_general3A_5, %broadcast_in_dim3A_6 in 0 : vector<10000x32xf32>, vector<16x32xf32> -> vector<10016x32xf32>
    %swap3A = arith.constant 0 : index
    %swap3A_7 = arith.constant 0 : index
    %swap3A_8 = vector.load %arg3[%swap3A, %swap3A_7] : memref<10016x32xf32, #tpu.memory_space<vmem>>, vector<10016x32xf32>
    tpu.vector_store %arg3[%swap3A, %swap3A_7], %concatenate3A {strides = array<i32>} : memref<10016x32xf32, #tpu.memory_space<vmem>>, vector<10016x32xf32>,
    return
  }
}

module attributes {stable_mosaic.version = 14 : i64} {
  func.func @body(%arg0: memref<2x2504x128xf32, #tpu.memory_space<vmem>>, %arg1: memref<2504x128xf32, #tpu.memory_space<vmem>>, %arg2: memref<128x128xf32, #tpu.memory_space<vmem>>, %arg3: memref<1x128xf32, #tpu.memory_space<vmem>>, %arg4: memref<2504x128xf32, #tpu.memory_space<vmem>>) attributes {dimension_semantics = [], scalar_prefetch = 0 : i64, scratch_operands = 0 : i64, tpu.core_type = #tpu.core_type<tc>} {
    %get3A = arith.constant 0 : index
    %get3A_0 = arith.constant 0 : index
    %get3A_1 = arith.constant 0 : index
    %get3A_2 = vector.load %arg0[%get3A, %get3A_0, %get3A_1] : memref<2x2504x128xf32, #tpu.memory_space<vmem>>, vector<1x2504x128xf32>
    %get3A_3 = vector.shape_cast %get3A_2 : vector<1x2504x128xf32> to vector<2504x128xf32>
    %get3A_4 = arith.constant 1 : index
    %get3A_5 = arith.constant 0 : index
    %get3A_6 = arith.constant 0 : index
    %get3A_7 = vector.load %arg0[%get3A_4, %get3A_5, %get3A_6] : memref<2x2504x128xf32, #tpu.memory_space<vmem>>, vector<1x2504x128xf32>
    %get3A_8 = vector.shape_cast %get3A_7 : vector<1x2504x128xf32> to vector<2504x128xf32>
    %add3A = arith.addf %get3A_3, %get3A_8 : vector<2504x128xf32>
    %get3A_9 = arith.constant 0 : index
    %get3A_10 = arith.constant 0 : index
    %get3A_11 = vector.load %arg1[%get3A_9, %get3A_10] : memref<2504x128xf32, #tpu.memory_space<vmem>>, vector<2504x128xf32>
    %mul3A = arith.constant 1.100000e+00 : f32
    %mul3A_12 = vector.broadcast %mul3A : f32 to vector<2504x128xf32>
    %mul3A_13 = arith.mulf %mul3A_12, %get3A_11 : vector<2504x128xf32>
    %add3A_14 = arith.addf %add3A, %mul3A_13 : vector<2504x128xf32>
    %get3A_15 = arith.constant 0 : index
    %get3A_16 = arith.constant 0 : index
    %get3A_17 = vector.load %arg3[%get3A_15, %get3A_16] : memref<1x128xf32, #tpu.memory_space<vmem>>, vector<1x128xf32>
    %add3A_18 = vector.broadcast %get3A_17 : vector<1x128xf32> to vector<2504x128xf32>
    %add3A_19 = arith.addf %add3A_14, %add3A_18 : vector<2504x128xf32>
    %max3A = arith.constant 0.000000e+00 : f32
    %max3A_20 = vector.broadcast %max3A : f32 to vector<2504x128xf32>
    %max3A_21 = arith.maximumf %add3A_19, %max3A_20 : vector<2504x128xf32>
    %iota3A = tpu.iota {dimensions = array<i32: 0>} : vector<2504x1xi32>
    %lt3A = arith.constant 2500 : i32
    %lt3A_22 = vector.broadcast %lt3A : i32 to vector<2504x1xi32>
    %lt3A_23 = arith.cmpi slt, %iota3A, %lt3A_22 : vector<2504x1xi32>
    %jit3A = arith.constant 0.000000e+00 : f32
    %broadcast_in_dim3A = vector.shape_cast %lt3A_23 : vector<2504x1xi1> to vector<2504x1xi1>
    %broadcast_in_dim3A_24 = vector.broadcast %broadcast_in_dim3A : vector<2504x1xi1> to vector<2504x128xi1>
    %broadcast_in_dim3A_25 = vector.broadcast %jit3A : f32 to vector<2504x128xf32>
    %select_n3A = arith.select %broadcast_in_dim3A_24, %max3A_21, %broadcast_in_dim3A_25 : vector<2504x128xi1>, vector<2504x128xf32>
    %get3A_26 = arith.constant 0 : index
    %get3A_27 = arith.constant 0 : index
    %get3A_28 = vector.load %arg2[%get3A_26, %get3A_27] : memref<128x128xf32, #tpu.memory_space<vmem>>, vector<128x128xf32>
    %dot_general3A = arith.constant dense<0.000000e+00> : vector<2504x128xf32>
    %dot_general3A_29 = tpu.matmul %select_n3A, %get3A_28, %dot_general3A {dimension_numbers = #tpu.dot_dimension_numbers<[1], [0], [0], [1], [0, 0, 1, 1], [], []>, precision = #tpu.contract_precision<fp32>, transpose_lhs_hint = false} : vector<2504x128xf32>, vector<128x128xf32>, vector<2504x128xf32> -> vector<2504x128xf32>
    %swap3A = arith.constant 0 : index
    %swap3A_30 = arith.constant 0 : index
    %swap3A_31 = vector.load %arg4[%swap3A, %swap3A_30] : memref<2504x128xf32, #tpu.memory_space<vmem>>, vector<2504x128xf32>
    tpu.vector_store %arg4[%swap3A, %swap3A_30], %dot_general3A_29 {strides = array<i32>} : memref<2504x128xf32, #tpu.memory_space<vmem>>, vector<2504x128xf32>,
    return
  }
}

module attributes {stable_mosaic.version = 14 : i64} {
  func.func @body(%arg0: memref<2x2504x128xf32, #tpu.memory_space<vmem>>, %arg1: memref<2504x128xf32, #tpu.memory_space<vmem>>, %arg2: memref<128x64xf32, #tpu.memory_space<vmem>>, %arg3: memref<1x128xf32, #tpu.memory_space<vmem>>, %arg4: memref<1x64xf32, #tpu.memory_space<vmem>>) attributes {dimension_semantics = [], scalar_prefetch = 0 : i64, scratch_operands = 0 : i64, tpu.core_type = #tpu.core_type<tc>} {
    %get3A = arith.constant 0 : index
    %get3A_0 = arith.constant 0 : index
    %get3A_1 = arith.constant 0 : index
    %get3A_2 = vector.load %arg0[%get3A, %get3A_0, %get3A_1] : memref<2x2504x128xf32, #tpu.memory_space<vmem>>, vector<1x2504x128xf32>
    %get3A_3 = vector.shape_cast %get3A_2 : vector<1x2504x128xf32> to vector<2504x128xf32>
    %get3A_4 = arith.constant 1 : index
    %get3A_5 = arith.constant 0 : index
    %get3A_6 = arith.constant 0 : index
    %get3A_7 = vector.load %arg0[%get3A_4, %get3A_5, %get3A_6] : memref<2x2504x128xf32, #tpu.memory_space<vmem>>, vector<1x2504x128xf32>
    %get3A_8 = vector.shape_cast %get3A_7 : vector<1x2504x128xf32> to vector<2504x128xf32>
    %add3A = arith.addf %get3A_3, %get3A_8 : vector<2504x128xf32>
    %get3A_9 = arith.constant 0 : index
    %get3A_10 = arith.constant 0 : index
    %get3A_11 = vector.load %arg1[%get3A_9, %get3A_10] : memref<2504x128xf32, #tpu.memory_space<vmem>>, vector<2504x128xf32>
    %mul3A = arith.constant 1.100000e+00 : f32
    %mul3A_12 = vector.broadcast %mul3A : f32 to vector<2504x128xf32>
    %mul3A_13 = arith.mulf %mul3A_12, %get3A_11 : vector<2504x128xf32>
    %add3A_14 = arith.addf %add3A, %mul3A_13 : vector<2504x128xf32>
    %get3A_15 = arith.constant 0 : index
    %get3A_16 = arith.constant 0 : index
    %get3A_17 = vector.load %arg3[%get3A_15, %get3A_16] : memref<1x128xf32, #tpu.memory_space<vmem>>, vector<1x128xf32>
    %add3A_18 = vector.broadcast %get3A_17 : vector<1x128xf32> to vector<2504x128xf32>
    %add3A_19 = arith.addf %add3A_14, %add3A_18 : vector<2504x128xf32>
    %max3A = arith.constant 0.000000e+00 : f32
    %max3A_20 = vector.broadcast %max3A : f32 to vector<2504x128xf32>
    %max3A_21 = arith.maximumf %add3A_19, %max3A_20 : vector<2504x128xf32>
    %iota3A = tpu.iota {dimensions = array<i32: 0>} : vector<2504x1xi32>
    %lt3A = arith.constant 2500 : i32
    %lt3A_22 = vector.broadcast %lt3A : i32 to vector<2504x1xi32>
    %lt3A_23 = arith.cmpi slt, %iota3A, %lt3A_22 : vector<2504x1xi32>
    %jit3A = arith.constant 0.000000e+00 : f32
    %broadcast_in_dim3A = vector.shape_cast %lt3A_23 : vector<2504x1xi1> to vector<2504x1xi1>
    %broadcast_in_dim3A_24 = vector.broadcast %broadcast_in_dim3A : vector<2504x1xi1> to vector<2504x128xi1>
    %broadcast_in_dim3A_25 = vector.broadcast %jit3A : f32 to vector<2504x128xf32>
    %select_n3A = arith.select %broadcast_in_dim3A_24, %max3A_21, %broadcast_in_dim3A_25 : vector<2504x128xi1>, vector<2504x128xf32>
    %reduce_sum3A = arith.constant dense<0.000000e+00> : vector<128xf32>
    %reduce_sum3A_26 = vector.multi_reduction <add>, %select_n3A, %reduce_sum3A [0] : vector<2504x128xf32> to vector<128xf32>
    %broadcast_in_dim3A_27 = vector.shape_cast %reduce_sum3A_26 : vector<128xf32> to vector<1x128xf32>
    %get3A_28 = arith.constant 0 : index
    %get3A_29 = arith.constant 0 : index
    %get3A_30 = vector.load %arg2[%get3A_28, %get3A_29] : memref<128x64xf32, #tpu.memory_space<vmem>>, vector<128x64xf32>
    %dot_general3A = arith.constant dense<0.000000e+00> : vector<1x64xf32>
    %dot_general3A_31 = tpu.matmul %broadcast_in_dim3A_27, %get3A_30, %dot_general3A {dimension_numbers = #tpu.dot_dimension_numbers<[1], [0], [0], [1], [0, 0, 1, 1], [], []>, precision = #tpu.contract_precision<fp32>, transpose_lhs_hint = false} : vector<1x128xf32>, vector<128x64xf32>, vector<1x64xf32> -> vector<1x64xf32>
    %swap3A = arith.constant 0 : index
    %swap3A_32 = arith.constant 0 : index
    %swap3A_33 = vector.load %arg4[%swap3A, %swap3A_32] : memref<1x64xf32, #tpu.memory_space<vmem>>, vector<1x64xf32>
    tpu.vector_store %arg4[%swap3A, %swap3A_32], %dot_general3A_31 {strides = array<i32>} : memref<1x64xf32, #tpu.memory_space<vmem>>, vector<1x64xf32>,
    return
  }
}

</mosaic_0001>

<sc_bundles>
// kernel: kernel.10.cloned.1.call-start
scs
__scs_entry_jumppad:
0x0: {  	(pc) =	sbr.rel $0x88, $3  }
0x1: {  	(tag) =	ssettag $0x0;
	lr =	simm.s32 $0x1  }
0x2: {  	[smem:$0x3F98] =	sst lr;
	_ =	strace $0xD0000000  }
0x3: {  	_ = 	snop  }
0x4: {  	_ = 	snop  }
0x5: {  	_ = 	snop  }
0x6: {  	_ = 	snop  }
0x7: {  	_ = 	snop  }
__scs_overlays_trampoline_lowered:
0x8: {  	[smem:$0x3FA7] =	sst s0  }
0x9: {  	[smem:$0x3FA8] =	sst s1  }
0xa: {  	[smem:$0x3FA9] =	sst s2  }
0xb: {  	[smem:$0x3FAA] =	sst s3  }
0xc: {  	[smem:$0x3FAB] =	sst s4  }
0xd: {  	[smem:$0x3FAC] =	sst s5  }
0xe: {  	[smem:$0x3FAD] =	sst s6  }
0xf: {  	[smem:$0x3FAE] =	sst s7  }
0x10: {  	[smem:$0x3FAF] =	sst s8  }
0x11: {  	[smem:$0x3FB0] =	sst s9;
	s0 =	simm.s32 @!p0 $0x0  }
0x12: {  	s1 =	sld [smem:$0x3F96];
	s0 =	simm.s32 @p0 $0x1  }
0x13: {  	[smem:$0x3FB1] =	sst s0;
	s0 =	simm.s32 @!p1 $0x0  }
0x14: {  	s2 =	sld [smem:$0x3F95];
	s0 =	simm.s32 @p1 $0x1  }
0x15: {  	[smem:$0x3FB2] =	sst s0;
	s0 =	simm.s32 @!p2 $0x0  }
0x16: {  	s3 =	sld [smem:$0x3FDB];
	s0 =	simm.s32 @p2 $0x1  }
0x17: {  	s4 =	simm.s32 $0x1BF5;
	[smem:$0x3FB4] =	sst s0  }
0x18: {  	s0 =	sld [smem:$0x3F97];
	_ =	swait.ge [sflag:s4], $0x0  }
0x19: {  	s7 =	sld [smem:$0x3F98]  }
0x1a: {  	s8 =	sadd.s32 $0xFFFFE003, lr  }
0x1b: {  	s9 =	sadd.s32 $0xFFFFFEF7, lr;
	s5 =	simm.s32 $0xFFFFFFFF;
	p2 =	slt.u32 s8, $0xFFFFF086  }
0x1c: {  	p1 =	slt.u32 s9, $0xF7A;
	s5 =	simm.s32 @!p2 $0x0  }
0x1d: {  	s5 =	simm.s32 @p1 $0x1;
	p0 =	seq.s32 s7, s2  }
0x1e: {  	s7 =	smul.u32 @!p0 $0xF7A, s2;
	p2 =	seq.s32 @!p0 s5, $0x0  }
0x1f: {  	s9 =	smul.u32 $0xF7A, s1;
	s8 =	simm.s32 @!p0 $0x1BF5;
	p2 =	por !p2, p0  }
0x20: {  	[sflag:s8] =	ssyncset.s32 @!p0 $0xFFFFF086;
	s6 =	sadd.s32 @!p0 s3, s7;
	s7 =	simm.s32 @!p0 $0x108  }
0x21: {  	s3 =	sadd.s32 s3, s9;
	s6 =	sadd.s32 @!p0 $0x88, s6;
	s7 =	simm.s32 @p2 $0x1082  }
0x22: {  	[simem:s7], [sflag:s8] =	dma.local @!p0 [hbm:s6], $0xF7A  }
0x23: {  	s9 =	sor.u32 $0xD0000000, s2;
	s6 =	simm.s32 $0x108;
	_ =	swait.ge @!p0 [sflag:s8], $0x0  }
0x24: {  	s3 =	sadd.s32 $0x88, s3;
	s6 =	simm.s32 @!p1 $0x1082;
	[sflag:s4] =	ssyncset.s32 $0xFFFFF086  }
0x25: {  	[simem:s6], [sflag:s4] =	dma.local [hbm:s3], $0xF7A  }
0x26: {  	[smem:$0x3F98] =	sst s1;
	(tag) =	ssettag s2;
	_ =	strace s9  }
0x27: {  	s1 =	sld [smem:$0x3FA8]  }
0x28: {  	s2 =	sld [smem:$0x3FA9]  }
0x29: {  	s4 =	sld [smem:$0x3FAB]  }
0x2a: {  	p0 =	seq.s32 s5, $0x0;
	s5 =	sld [smem:$0x3FAC]  }
0x2b: {  	s6 =	sld [smem:$0x3FAD]  }
0x2c: {  	s7 =	sld [smem:$0x3FAE]  }
0x2d: {  	s3 =	simm.s32 $0x108;
	s8 =	sld [smem:$0x3FAF]  }
0x2e: {  	s3 =	simm.s32 @!p0 $0x1082;
	s9 =	sld [smem:$0x3FB0]  }
0x2f: {  	lr =	sadd.s32 s0, s3;
	s0 =	sld [smem:$0x3FA7]  }
0x30: {  	s3 =	sld [smem:$0x3FAA]  }
0x31: {  	[smem:$0x3FB3] =	sst s10  }
0x32: {  	s10 =	sld [smem:$0x3FB1];
	_ =	sdelay $0x3  }
0x33: {  	p0 =	seq.s32 s10, $0x1;
	s10 =	sld [smem:$0x3FB3];
	_ =	sdelay $0x3  }
0x34: {  	[smem:$0x3FB3] =	sst s10  }
0x35: {  	s10 =	sld [smem:$0x3FB2];
	_ =	sdelay $0x3  }
0x36: {  	p1 =	seq.s32 s10, $0x1;
	s10 =	sld [smem:$0x3FB3];
	_ =	sdelay $0x3  }
0x37: {  	[smem:$0x3FB3] =	sst s10  }
0x38: {  	s10 =	sld [smem:$0x3FB4]  }
0x39: {  	_ = 	snop;
	(pc) =	sbr.ind lr, $3  }
0x3a: {  	_ = 	snop  }
0x3b: {  	_ = 	snop  }
0x3c: {  	p2 =	seq.s32 s10, $0x1;
	s10 =	sld [smem:$0x3FB3]  }
0x3d: {  	_ =	shalt  }
0x3e: {  	_ =	shalt  }
0x3f: {  	_ =	shalt  }
0x40: {  	_ =	shalt  }
0x41: {  	_ =	shalt  }
0x42: {  	_ =	shalt  }
0x43: {  	_ =	shalt  }
0x44: {  	_ =	shalt  }
0x45: {  	_ =	shalt  }
0x46: {  	_ =	shalt  }
0x47: {  	_ =	shalt  }
0x48: {  	_ =	shalt  }
0x49: {  	_ =	shalt  }
0x4a: {  	_ =	shalt  }
0x4b: {  	_ =	shalt  }
0x4c: {  	_ =	shalt  }
0x4d: {  	_ =	shalt  }
0x4e: {  	_ =	shalt  }
0x4f: {  	_ =	shalt  }
0x50: {  	_ =	shalt  }
0x51: {  	_ =	shalt  }
0x52: {  	_ =	shalt  }
0x53: {  	_ =	shalt  }
0x54: {  	_ =	shalt  }
0x55: {  	_ =	shalt  }
0x56: {  	_ =	shalt  }
0x57: {  	_ =	shalt  }
0x58: {  	_ =	shalt  }
0x59: {  	_ =	shalt  }
0x5a: {  	_ =	shalt  }
0x5b: {  	_ =	shalt  }
0x5c: {  	_ =	shalt  }
0x5d: {  	_ =	shalt  }
0x5e: {  	_ =	shalt  }
0x5f: {  	_ =	shalt  }
0x60: {  	_ =	shalt  }
0x61: {  	_ =	shalt  }
0x62: {  	_ =	shalt  }
0x63: {  	_ =	shalt  }
0x64: {  	_ =	shalt  }
0x65: {  	_ =	shalt  }
0x66: {  	_ =	shalt  }
0x67: {  	_ =	shalt  }
0x68: {  	_ =	shalt  }
0x69: {  	_ =	shalt  }
0x6a: {  	_ =	shalt  }
0x6b: {  	_ =	shalt  }
0x6c: {  	_ =	shalt  }
0x6d: {  	_ =	shalt  }
0x6e: {  	_ =	shalt  }
0x6f: {  	_ =	shalt  }
0x70: {  	_ =	shalt  }
0x71: {  	_ =	shalt  }
0x72: {  	_ =	shalt  }
0x73: {  	_ =	shalt  }
0x74: {  	_ =	shalt  }
0x75: {  	_ =	shalt  }
0x76: {  	_ =	shalt  }
0x77: {  	_ =	shalt  }
0x78: {  	_ =	shalt  }
0x79: {  	_ =	shalt  }
0x7a: {  	_ =	shalt  }
0x7b: {  	_ =	shalt  }
0x7c: {  	_ =	shalt  }
0x7d: {  	_ =	shalt  }
0x7e: {  	_ =	shalt  }
0x7f: {  	_ =	shalt  }
0x80: {  	_ =	shalt  }
0x81: {  	_ =	shalt  }
0x82: {  	_ =	shalt  }
0x83: {  	_ =	shalt  }
0x84: {  	_ =	shalt  }
0x85: {  	_ =	shalt  }
0x86: {  	_ =	shalt  }
0x87: {  	_ =	shalt  }
.Lfunc_end0:
.L_simem_size_0:
called_computation.1_lowered:
.L_overlay_start_0:
0x88: {  	s2 =	sld [smem:$0x3FD9]  }
0x89: {  	s3 =	sld [smem:$0x3FFE];
	_ =	sdelay $0x1  }
0x8a: {  	s1 =	srdreg.scid  }
0x8b: {  	s0 =	sand.u32 $0x1, s1  }
0x8c: {  	s16 =	sshll.u32 s0, $0xA;
	s2 =	sadd.s32 s3, s2  }
0x8d: {  	s2 =	sadd.s32 s2, s16  }
0x8e: {  	[smem:$0x3FBF] =	sst s2  }
0x8f: {  	_ = 	snop  }
0x90: {  	(tm) =	ssettm $0x1  }
0x91: {  	s17 =	sld [smem:$0x3FFB];
	_ =	sdelay $0x3  }
0x92: {  	_ =	strace s17  }
0x93: {  	s2 =	sld [smem:$0x3FFC];
	_ =	sdelay $0x3  }
0x94: {  	_ =	strace s2  }
0x95: {  	s2 =	sld [smem:$0x3FFD];
	_ =	sdelay $0x3  }
0x96: {  	_ =	strace s2  }
0x97: {  	_ =	strace $0x8FFFFFFF  }
0x98: {  	s18 =	sld [smem:$0x3FDB];
	_ =	sdelay $0x1  }
0x99: {  	s19 =	simm.s32 $_scs_section_size  }
0x9a: {  	s4 =	simm.s32 $_size__tile_overlayer_lowered;
	s5 =	simm.s32 $_tile_overlayer_lowered  }
0x9b: {  	s22 =	simm.s32 $0x1BFF;
	s21 =	sshll.u32 s5, $0x1;
	s2 =	sadd.s32 s19, s18  }
0x9c: {  	s6 =	simm.s32 $0x0;
	s20 =	sshll.u32 s4, $0x1;
	s4 =	sadd.s32 s21, s2  }
0x9d: {  	[timem:s6], [sflag:s22] =	dma.local [hbm:s4], s20  }
0x9e: {  	_ =	swait.ge [sflag:s22], s20  }
0x9f: {  	s3 =	ssub.s32 $0x0, s20;
	[sflag:s22] =	ssyncset.done $0x0  }
0xa0: {  	[sflag:s22] =	ssyncadd.s32 s3;
	_ =	sdelay $0x1  }
0xa1: {  	s23 =	simm.s32 $0x1B8B  }
0xa2: {  	_ =	swait.ge [sflag:s23], $0x1  }
0xa3: {  	[sflag:s23] =	ssyncset.done $0x0  }
0xa4: {  	s25 =	simm.s32 $0x1B8E;
	s24 =	sld [smem:$0x3FFE];
	[sflag:s23] =	ssyncadd.s32 $0xFFFFFFFF  }
0xa5: {  	s26 =	simm.s32 $execute0_lowered;
	[smem:$0x3FD2] =	sst s25  }
0xa6: {  	s4 =	sshll.u32 s26, $0x1;
	_ =	strace $0x80000049;
	[dreg:$0x1] =	wrdreg $0xFFFFFFFF  }
0xa7: {  	s28 =	simm.s32 $_size_execute0_lowered;
	s2 =	sadd.s32 s2, s4;
	[dreg:$0x0] =	wrdreg $0x0  }
0xa8: {  	s4 =	sshll.u32 s28, $0x1;
	[dreg:$0x2] =	wrdreg s2  }
0xa9: {  	[dreg:$0x3] =	wrdreg s4  }
0xaa: {  	[dreg:$0x4] =	wrdreg $0xC0  }
0xab: {  	_ =	task [dreg:s6], $0x5FFFF  }
0xac: {  	[dreg:$0x1] =	wrdreg $0xFFFFFFFF  }
0xad: {  	[dreg:$0x0] =	wrdreg $0x60  }
0xae: {  	[dreg:$0x2] =	wrdreg s24  }
0xaf: {  	[dreg:$0x3] =	wrdreg $0x159C00  }
0xb0: {  	[dreg:$0x4] =	wrdreg $0x9  }
0xb1: {  	_ =	task.clear_ibuf [dreg:s6], $0x5FFFF;
	_ =	strace $0x90000049  }
0xb2: {  	s29 =	simm.s32 $0x9;
	_ =	strace $0x8000004B  }
0xb3: {  	_ =	swait.ge [sflag:s29], $0x1  }
0xb4: {  	[sflag:s29] =	ssyncadd.s32 $0xFFFFFFFF  }
0xb5: {  	_ =	strace $0x9000004B  }
0xb6: {  	_ =	sfence  }
0xb7: {  	s30 =	sld [smem:$0x0];
	_ =	sdelay $0x2  }
0xb8: {  	s31 =	sshll.u32 s1, $0xD;
	s1 =	sshrl.u32 s1, $0x2  }
0xb9: {  	s3 =	sand.u32 $0x4000, s31;
	s1 =	sadd.s32 s1, s30  }
0xba: {  	s0 =	sor.u32 s3, s0;
	s1 =	sshll.u32 s1, $0x11  }
0xbb: {  	s0 =	sor.u32 s1, s0  }
0xbc: {  	s0 =	sadd.s32 $0x8F2B, s0  }
0xbd: {  	[sflag:s0] =	ssyncadd.remote.s32 $0x1  }
0xbe: {  	_ =	sfence.sel $0xFFFF  }
0xbf: {  	[dreg:$0x0] =	wrdreg $0xFFFFFFFF;
	(pc) =	sbr.abs _section_cstart, $3  }
0xc0: {  	[dreg:$0x1] =	wrdreg $0xFFFFFFFF  }
0xc1: {  	_ =	task.clear_ibuf [dreg:s6], $0x2FFFF;
	_ =	strace $0x9FFFFFFF  }
0xc2: {  	(tm) =	ssettm $0x7FFFFFFF  }
0xc3: {  	_ =	shalt  }
tec
execute0_lowered:
.L_overlay_start_1:
0x0: {  	(tag) =	ssettag $0x1  }
0x1: {  	s0 =	rddreg [dreg:$0x0]  }
0x2: {  	s1 =	rddreg [dreg:$0x1];
	s2 =	srdreg.scid  }
0x3: {  	s15 =	simm.s32 $0x0;
	s7 =	stileid.u32;
	s19 =	simm.s32 $0x2800  }
0x4: {  	s11 =	simm.s32 $0x1A;
	s12 =	simm.s32 $0x19;
	s13 =	simm.s32 $0x7D  }
0x5: {  	s20 =	simm.s32 $0x6F40;
	s21 =	simm.s32 $0x7EE0;
	s22 =	simm.s32 $0x8E80  }
0x6: {  	s23 =	simm.s32 $0x9E20;
	s29 =	simm.s32 $0xBD60;
	s17 =	simm.s32 $0x3  }
0x7: {  	s30 =	simm.s32 $0x6;
	s9 =	simm.s32 $0xD;
	s14 =	simm.s32 $0x10  }
0x8: {  	s16 =	simm.s32 $0x11;
	s28 =	simm.s32 $0x12;
	s24 =	simm.s32 $0x13  }
0x9: {  	s31 =	simm.s32 $0x14;
	s2 =	sand.u32 $0x1, s2;
	[smem:$0x7FF] =	sst s15  }
0xa: {  	s4 =	sadd.s32 $0x16000, s0;
	s8 =	smul.u32 $0x4E40, s7;
	s3 =	sshll.u32 s2, $0x4  }
0xb: {  	_ =	strace $0x8000004A;
	s5 =	smul.u32 $0x9C80, s2;
	s2 =	ssub.s32 $0x2, s2  }
0xc: {  	s3 =	sor.u32 s7, s3;
	s6 =	sshrl.u32 s2, $0x1;
	s7 =	sadd.s32 s8, s1  }
0xd: {  	s26 =	sshrl.u32 s8, $0x3;
	s3 =	smul.u32 $0x500, s3;
	s2 =	ssub.s32 s2, s6  }
0xe: {  	s8 =	simm.s32 $0xF;
	s6 =	simm.s32 $0xE;
	s2 =	smax.u32 s2, $0x1  }
0xf: {  	s3 =	sadd.s32 s3, s0;
	s0 =	sadd.s32 s5, s0;
	[dreg:$0x5] =	wrdreg s2  }
0x10: {  	s2 =	simm.s32 $0x5;
	s5 =	simm.s32 $0x18;
	s25 =	sadd.s32 $0x2000, s3  }
0x11: {  	s3 =	sadd.s32 $0xC000, s3;
	s0 =	sadd.s32 $0x1FE00, s0;
	[dreg:$0x3] =	wrdreg s25  }
0x12: {  	[dreg:$0x4] =	wrdreg s3;
	s0 =	sadd.s32 s26, s0;
	s25 =	simm.s32 $0xADC0  }
0x13: {  	v0 =	vimm.f32 $0.0e+00;
	s26 =	simm.s32 $0x4;
	s3 =	simm.s32 $0x0;
	[dreg:$0x6] =	wrdreg s0  }
.LBB2_1:
0x14: {  	s0 =	rddreg [dreg:$0x3]  }
0x15: {  	[tilespmem:s15], [sflag:$0x19] =	stream.linear.gather [hbm4b:s0+s15], $0x2800, $0x38;
	[tilespmem:$0x1A800] =	vst v63  }
0x16: {  	s18 =	rddreg [dreg:$0x4];
	s10 =	simm.s32 $0x0;
	s0 =	simm.s32 $0x80  }
0x17: {  	[tilespmem:s19], [sflag:$0x19] =	stream.linear.gather [hbm4b:s18+s15], $0x2800, $0x38;
	[tilespmem:$0x1A800] =	vst v63  }
.LBB2_2:
0x18: {  	p0 =	sne.s32 s0, $0x13880;
	[tilespmem:s10+$0x10B80] =	vst v0;
	s18 =	smov.u32 s0;
	s0 =	sadd.s32 $0x80, s0  }
.Ltmp0:
0x19: {  	[tilespmem:s10+$0x10B90] =	vst v0;
	(pc) =	sbr.rel @p0 .LBB2_2-.Ltmp0, $2  }
0x1a: {  	_ =	sdelay $0x2  }
0x1b: {  	s10 =	sshra.s32 s18, $0x2  }
0x1c: {  	[tilespmem:s10+$0x10B80] =	vst v0  }
0x1d: {  	[tilespmem:s10+$0x10B90] =	vst v0;
	s0 =	simm.s32 $0x10B80  }
0x1e: {  	[spmem:s7] =	stream.linear.scatter [tilespmem:s0], [sflag:$0x1A], $0x4E40, $0x38;
	[tilespmem:$0x1A800] =	vst v63  }
0x1f: {  	_ =	swait.ge [sflag:s11], $0x4E40  }
0x20: {  	[sflag:s11] =	ssyncset.done $0x0  }
0x21: {  	[sflag:s11] =	ssyncadd.s32 $0xFFFFB1C0  }
0x22: {  	_ =	swait.ge [sflag:s12], $0x2800  }
0x23: {  	[sflag:s12] =	ssyncset.done $0x0  }
0x24: {  	[sflag:s12] =	ssyncadd.s32 $0xFFFFD800  }
0x25: {  	_ =	swait.ge [sflag:s12], $0x2800  }
0x26: {  	[sflag:s12] =	ssyncset.done $0x0  }
0x27: {  	s0 =	simm.s32 $0x5000;
	[sflag:s12] =	ssyncadd.s32 $0xFFFFD800  }
0x28: {  	[tilespmem:s0], [sflag:$0x1] =	stream.indirect.gather [hbm4b:s4+s13], $0x20, s15, s13, $0xb8;
	[tilespmem:$0x1A800] =	vst v63  }
0x29: {  	s18 =	simm.s32 $0x80;
	s15 =	simm.s32 $0x5FA0  }
0x2a: {  	[tilespmem:s15], [sflag:$0x2] =	stream.indirect.gather [hbm4b:s4+s13], $0x20, s18, s13, $0xb8;
	[tilespmem:$0x1A800] =	vst v63  }
0x2b: {  	s18 =	simm.s32 $0x100  }
0x2c: {  	[tilespmem:s20], [sflag:$0x3] =	stream.indirect.gather [hbm4b:s4+s13], $0x20, s18, s13, $0xb8;
	[tilespmem:$0x1A800] =	vst v63  }
0x2d: {  	s18 =	simm.s32 $0x180  }
0x2e: {  	[tilespmem:s21], [sflag:$0x4] =	stream.indirect.gather [hbm4b:s4+s13], $0x20, s18, s13, $0xb8;
	[tilespmem:$0x1A800] =	vst v63  }
0x2f: {  	s18 =	simm.s32 $0x200  }
0x30: {  	[tilespmem:s22], [sflag:$0x5] =	stream.indirect.gather [hbm4b:s4+s13], $0x20, s18, s13, $0xb8;
	[tilespmem:$0x1A800] =	vst v63  }
0x31: {  	s18 =	simm.s32 $0x280  }
0x32: {  	[tilespmem:s23], [sflag:$0x6] =	stream.indirect.gather [hbm4b:s4+s13], $0x20, s18, s13, $0xb8;
	[tilespmem:$0x1A800] =	vst v63  }
0x33: {  	s18 =	simm.s32 $0x300;
	[bflag:$0x0] =	sbarrier.arrive $0xFFFF  }
0x34: {  	[tilespmem:s25], [sflag:$0x7] =	stream.indirect.gather [hbm4b:s4+s13], $0x20, s18, s13, $0xb8;
	[tilespmem:$0x1A800] =	vst v63  }
0x35: {  	s18 =	simm.s32 $0x1  }
0x36: {  	_ =	swait.ge [sflag:s18], $0xFA0  }
0x37: {  	[sflag:s18] =	ssyncset.done $0x0  }
0x38: {  	[sflag:s18] =	ssyncadd.s32 $0xFFFFF060  }
0x39: {  	[spmem:s1] =	stream.indirect.scatter.add.f32 [tilespmem:s0], [sflag:$0xD], $0x20, s19, s13, $0xb8;
	[tilespmem:$0x1A800] =	vst v63  }
0x3a: {  	s25 =	simm.s32 $0x2;
	s19 =	simm.s32 $0x380  }
0x3b: {  	[tilespmem:s29], [sflag:$0x8] =	stream.indirect.gather [hbm4b:s4+s13], $0x20, s19, s13, $0xb8;
	[tilespmem:$0x1A800] =	vst v63  }
0x3c: {  	_ =	swait.ge [sflag:s25], $0xFA0  }
0x3d: {  	[sflag:s25] =	ssyncset.done $0x0  }
0x3e: {  	s10 =	simm.s32 $0x2880;
	[sflag:s25] =	ssyncadd.s32 $0xFFFFF060  }
0x3f: {  	[spmem:s1] =	stream.indirect.scatter.add.f32 [tilespmem:s15], [sflag:$0xE], $0x20, s10, s13, $0xb8;
	[tilespmem:$0x1A800] =	vst v63  }
0x40: {  	s18 =	simm.s32 $0x400;
	s19 =	simm.s32 $0xCD00  }
0x41: {  	[tilespmem:s19], [sflag:$0x9] =	stream.indirect.gather [hbm4b:s4+s13], $0x20, s18, s13, $0xb8;
	[tilespmem:$0x1A800] =	vst v63  }
0x42: {  	_ =	swait.ge [sflag:s17], $0xFA0  }
0x43: {  	[sflag:s17] =	ssyncset.done $0x0  }
0x44: {  	s25 =	simm.s32 $0x2900;
	[sflag:s17] =	ssyncadd.s32 $0xFFFFF060  }
0x45: {  	[spmem:s1] =	stream.indirect.scatter.add.f32 [tilespmem:s20], [sflag:$0xF], $0x20, s25, s13, $0xb8;
	[tilespmem:$0x1A800] =	vst v63  }
0x46: {  	s10 =	simm.s32 $0x480;
	s15 =	simm.s32 $0xDCA0  }
0x47: {  	[tilespmem:s15], [sflag:$0xA] =	stream.indirect.gather [hbm4b:s4+s13], $0x20, s10, s13, $0xb8;
	[tilespmem:$0x1A800] =	vst v63  }
0x48: {  	_ =	swait.ge [sflag:s26], $0xFA0  }
0x49: {  	[sflag:s26] =	ssyncset.done $0x0  }
0x4a: {  	s18 =	simm.s32 $0x2980;
	s15 =	simm.s32 $0xC;
	[sflag:s26] =	ssyncadd.s32 $0xFFFFF060  }
0x4b: {  	[spmem:s1] =	stream.indirect.scatter.add.f32 [tilespmem:s21], [sflag:$0x10], $0x20, s18, s13, $0xb8;
	[tilespmem:$0x1A800] =	vst v63  }
0x4c: {  	s19 =	simm.s32 $0x500;
	s20 =	simm.s32 $0xEC40;
	s0 =	smul.u32 $0xAB, s15  }
0x4d: {  	[tilespmem:s20], [sflag:$0xB] =	stream.indirect.gather [hbm4b:s4+s13], $0x20, s19, s13, $0xb8;
	[tilespmem:$0x1A800] =	vst v63  }
0x4e: {  	s25 =	simm.s32 $0xFBE0;
	s19 =	sadd.s32 $0xFFFFFBFE, s0;
	s0 =	sshrl.u32 s0, $0xB  }
0x4f: {  	_ =	swait.ge [sflag:s2], $0xFA0;
	s10 =	sshrl.u32 s19, $0xB;
	s0 =	sand.u32 $0x1F, s0  }
0x50: {  	[sflag:s2] =	ssyncset.done $0x0;
	s10 =	sand.u32 $0x1F, s10;
	s0 =	smul.u32 $0xC, s0  }
0x51: {  	s21 =	simm.s32 $0x2A00;
	[sflag:s2] =	ssyncadd.s32 $0xFFFFF060;
	s10 =	smul.u32 $0xC, s10  }
0x52: {  	[spmem:s1] =	stream.indirect.scatter.add.f32 [tilespmem:s22], [sflag:$0x11], $0x20, s21, s13, $0xb8;
	[tilespmem:$0x1A800] =	vst v63  }
0x53: {  	s22 =	simm.s32 $0x580;
	s0 =	ssub.s32 $0xC, s0;
	s10 =	ssub.s32 $0xC, s10  }
0x54: {  	[tilespmem:s25], [sflag:$0xC] =	stream.indirect.gather [hbm4b:s4+s13], $0x20, s22, s13, $0xb8;
	[tilespmem:$0x1A800] =	vst v63  }
0x55: {  	s18 =	simm.s32 $0x2A80;
	s0 =	sand.u32 $0xFF, s0;
	s10 =	sadd.s32 $0xFFFFFFFA, s10  }
0x56: {  	s20 =	smul.u32 $0x3E80, s0;
	s21 =	sadd.s32 $0xD, s0;
	_ =	swait.ge [sflag:s30], $0xFA0  }
0x57: {  	s22 =	simm.s32 $0x2B00;
	s0 =	sadd.s32 $0x1, s0;
	[sflag:s30] =	ssyncset.done $0x0  }
0x58: {  	s25 =	simm.s32 $0x680;
	s10 =	sand.u32 $0xFF, s10;
	[sflag:s30] =	ssyncadd.s32 $0xFFFFF060  }
0x59: {  	[spmem:s1] =	stream.indirect.scatter.add.f32 [tilespmem:s23], [sflag:$0x12], $0x20, s18, s13, $0xb8;
	[tilespmem:$0x1A800] =	vst v63  }
0x5a: {  	s19 =	sshrl.u32 s20, $0x2;
	s20 =	simm.s32 $0xD;
	_ =	swait.ge [sflag:s21], $0xFA0  }
0x5b: {  	s15 =	sadd.s32 $0x1, s10;
	s19 =	sadd.s32 $0x5000, s19;
	[sflag:s21] =	ssyncset.done $0x0  }
0x5c: {  	s18 =	simm.s32 $0x600;
	s23 =	smul.u32 $0x3E80, s10;
	[sflag:s21] =	ssyncadd.s32 $0xFFFFF060  }
0x5d: {  	[tilespmem:s19], [sflag:s0] =	stream.indirect.gather [hbm4b:s4+s13], $0x20, s18, s13, $0xb8;
	[tilespmem:$0x1A800] =	vst v63  }
0x5e: {  	s29 =	smul.u32 $0xAB, s20;
	s10 =	sadd.s32 $0xD, s10;
	_ =	swait.ge [sflag:s15], $0xFA0  }
0x5f: {  	s21 =	sshrl.u32 s23, $0x2;
	s0 =	simm.s32 $0xE;
	[sflag:s15] =	ssyncset.done $0x0  }
0x60: {  	s18 =	simm.s32 $0x2B80;
	s19 =	sadd.s32 $0x5000, s21;
	[sflag:s15] =	ssyncadd.s32 $0xFFFFF060  }
.LBB2_4:
0x61: {  	[spmem:s1] =	stream.indirect.scatter.add.f32 [tilespmem:s19], [sflag:s10], $0x20, s22, s13, $0xb8;
	[tilespmem:$0x1A800] =	vst v63  }
0x62: {  	s10 =	smov.u32 s0;
	s22 =	smov.u32 s18  }
0x63: {  	s23 =	sadd.s32 $0x1, s0;
	s19 =	sadd.s32 $0xFFFFFBFE, s29;
	s29 =	sshrl.u32 s29, $0xB  }
0x64: {  	p0 =	sne.s32 s0, $0x4F;
	s0 =	sshrl.u32 s19, $0xB;
	s19 =	sand.u32 $0x1F, s29  }
0x65: {  	s19 =	smul.u32 $0xC, s19  }
0x66: {  	s0 =	sand.u32 $0x1F, s0  }
0x67: {  	s0 =	smul.u32 $0xC, s0;
	s19 =	ssub.s32 s20, s19  }
0x68: {  	s18 =	sadd.s32 $0x80, s18;
	s19 =	sand.u32 $0xFF, s19  }
0x69: {  	s0 =	ssub.s32 s20, s0;
	s20 =	smov.u32 s10;
	s10 =	smul.u32 $0x3E80, s19  }
0x6a: {  	s0 =	sadd.s32 $0xFFFFFFFA, s0;
	s29 =	sadd.s32 $0xD, s19;
	s19 =	sadd.s32 $0x1, s19  }
0x6b: {  	s0 =	sand.u32 $0xFF, s0;
	_ =	swait.ge [sflag:s29], $0xFA0;
	s10 =	sshrl.u32 s10, $0x2  }
0x6c: {  	[sflag:s29] =	ssyncset.done $0x0;
	s15 =	smul.u32 $0x3E80, s0;
	s21 =	sadd.s32 $0x1, s0  }
.Ltmp1:
0x6d: {  	s10 =	sadd.s32 $0x5000, s10;
	[sflag:s29] =	ssyncadd.s32 $0xFFFFF060;
	(pc) =	sbr.rel @p0 .LBB2_4-.Ltmp1, $4  }
0x6e: {  	[tilespmem:s10], [sflag:s19] =	stream.indirect.gather [hbm4b:s4+s13], $0x20, s25, s13, $0xb8;
	[tilespmem:$0x1A800] =	vst v63  }
0x6f: {  	s29 =	smul.u32 $0xAB, s20;
	s15 =	sshrl.u32 s15, $0x2;
	_ =	swait.ge [sflag:s21], $0xFA0  }
0x70: {  	s10 =	sadd.s32 $0xD, s0;
	s25 =	sadd.s32 $0x80, s25;
	[sflag:s21] =	ssyncset.done $0x0  }
0x71: {  	s0 =	smov.u32 s23;
	s19 =	sadd.s32 $0x5000, s15;
	[sflag:s21] =	ssyncadd.s32 $0xFFFFF060  }
0x72: {  	s0 =	sshrl.u32 s29, $0xB  }
0x73: {  	s0 =	sand.u32 $0x1F, s0  }
0x74: {  	s0 =	smul.u32 $0xC, s0  }
0x75: {  	[spmem:s1] =	stream.indirect.scatter.add.f32 [tilespmem:s19], [sflag:s10], $0x20, s22, s13, $0xb8;
	[tilespmem:$0x1A800] =	vst v63  }
0x76: {  	s15 =	sadd.s32 $0xFFFFFBFE, s29;
	s0 =	ssub.s32 s20, s0  }
0x77: {  	s15 =	sshrl.u32 s15, $0xB;
	s0 =	sand.u32 $0xFF, s0  }
0x78: {  	s22 =	sand.u32 $0x1F, s15;
	s19 =	sadd.s32 $0xD, s0;
	s21 =	smul.u32 $0x3E80, s0  }
0x79: {  	s10 =	smul.u32 $0xC, s22;
	_ =	swait.ge [sflag:s19], $0xFA0  }
0x7a: {  	s0 =	sadd.s32 $0x1, s0;
	[sflag:s19] =	ssyncset.done $0x0;
	s23 =	sshrl.u32 s21, $0x2  }
0x7b: {  	[sflag:s19] =	ssyncadd.s32 $0xFFFFF060;
	s15 =	sadd.s32 $0x5000, s23;
	s19 =	ssub.s32 s20, s10  }
0x7c: {  	[tilespmem:s15], [sflag:s0] =	stream.indirect.gather [hbm4b:s4+s13], $0x20, s25, s13, $0xb8;
	[tilespmem:$0x1A800] =	vst v63  }
0x7d: {  	s0 =	sadd.s32 $0xFFFFFFFA, s19  }
0x7e: {  	s0 =	sand.u32 $0xFF, s0  }
0x7f: {  	s20 =	smul.u32 $0x3E80, s0;
	s21 =	sadd.s32 $0x1, s0  }
0x80: {  	_ =	swait.ge [sflag:s21], $0xFA0  }
0x81: {  	s10 =	sshrl.u32 s20, $0x2;
	[sflag:s21] =	ssyncset.done $0x0  }
0x82: {  	s0 =	sadd.s32 $0xD, s0;
	[sflag:s21] =	ssyncadd.s32 $0xFFFFF060;
	s10 =	sadd.s32 $0x5000, s10  }
0x83: {  	[spmem:s1] =	stream.indirect.scatter.add.f32 [tilespmem:s10], [sflag:s0], $0x20, s18, s13, $0xb8;
	[tilespmem:$0x1A800] =	vst v63  }
0x84: {  	_ =	swait.ge [sflag:s17], $0xFA0  }
0x85: {  	[sflag:s17] =	ssyncset.done $0x0  }
0x86: {  	s22 =	simm.s32 $0x4D00;
	s20 =	simm.s32 $0x6F40;
	[sflag:s17] =	ssyncadd.s32 $0xFFFFF060  }
0x87: {  	[spmem:s1] =	stream.indirect.scatter.add.f32 [tilespmem:s20], [sflag:$0xF], $0x20, s22, s13, $0xb8;
	[tilespmem:$0x1A800] =	vst v63  }
0x88: {  	_ =	swait.ge [sflag:s26], $0xFA0  }
0x89: {  	[sflag:s26] =	ssyncset.done $0x0  }
0x8a: {  	s23 =	simm.s32 $0x4D80;
	s21 =	simm.s32 $0x7EE0;
	[sflag:s26] =	ssyncadd.s32 $0xFFFFF060  }
0x8b: {  	[spmem:s1] =	stream.indirect.scatter.add.f32 [tilespmem:s21], [sflag:$0x10], $0x20, s23, s13, $0xb8;
	[tilespmem:$0x1A800] =	vst v63  }
0x8c: {  	_ =	swait.ge [sflag:s2], $0xFA0  }
0x8d: {  	[sflag:s2] =	ssyncset.done $0x0  }
0x8e: {  	s25 =	simm.s32 $0x4E00;
	s22 =	simm.s32 $0x8E80;
	[sflag:s2] =	ssyncadd.s32 $0xFFFFF060  }
0x8f: {  	[spmem:s1] =	stream.indirect.scatter.add.f32 [tilespmem:s22], [sflag:$0x11], $0x20, s25, s13, $0xb8;
	[tilespmem:$0x1A800] =	vst v63  }
0x90: {  	_ =	swait.ge [sflag:s30], $0xFA0  }
0x91: {  	s15 =	simm.s32 $0x7;
	[sflag:s30] =	ssyncset.done $0x0  }
0x92: {  	s10 =	simm.s32 $0x4E80;
	s23 =	simm.s32 $0x9E20;
	[sflag:s30] =	ssyncadd.s32 $0xFFFFF060  }
0x93: {  	[spmem:s1] =	stream.indirect.scatter.add.f32 [tilespmem:s23], [sflag:$0x12], $0x20, s10, s13, $0xb8;
	[tilespmem:$0x1A800] =	vst v63  }
0x94: {  	_ =	swait.ge [sflag:s15], $0xFA0  }
0x95: {  	s19 =	simm.s32 $0x8;
	[sflag:s15] =	ssyncset.done $0x0  }
0x96: {  	s18 =	simm.s32 $0x4F00;
	s25 =	simm.s32 $0xADC0;
	[sflag:s15] =	ssyncadd.s32 $0xFFFFF060  }
0x97: {  	[spmem:s1] =	stream.indirect.scatter.add.f32 [tilespmem:s25], [sflag:$0x13], $0x20, s18, s13, $0xb8;
	[tilespmem:$0x1A800] =	vst v63  }
0x98: {  	_ =	swait.ge [sflag:s19], $0xFA0  }
0x99: {  	s29 =	simm.s32 $0xBD60;
	[sflag:s19] =	ssyncset.done $0x0  }
0x9a: {  	s10 =	simm.s32 $0x4F80;
	s15 =	simm.s32 $0x15;
	[sflag:s19] =	ssyncadd.s32 $0xFFFFF060  }
0x9b: {  	[spmem:s1] =	stream.indirect.scatter.add.f32 [tilespmem:s29], [sflag:$0x14], $0x20, s10, s13, $0xb8;
	[tilespmem:$0x1A800] =	vst v63  }
0x9c: {  	_ =	swait.ge [sflag:s15], $0xFA0  }
0x9d: {  	[sflag:s15] =	ssyncset.done $0x0  }
0x9e: {  	s18 =	simm.s32 $0x16;
	[sflag:s15] =	ssyncadd.s32 $0xFFFFF060  }
0x9f: {  	_ =	swait.ge [sflag:s18], $0xFA0  }
0xa0: {  	[sflag:s18] =	ssyncset.done $0x0  }
0xa1: {  	s19 =	simm.s32 $0x17;
	[sflag:s18] =	ssyncadd.s32 $0xFFFFF060  }
0xa2: {  	_ =	swait.ge [sflag:s19], $0xFA0  }
0xa3: {  	[sflag:s19] =	ssyncset.done $0x0  }
0xa4: {  	[sflag:s19] =	ssyncadd.s32 $0xFFFFF060  }
0xa5: {  	_ =	swait.ge [sflag:s5], $0xFA0  }
0xa6: {  	[sflag:s5] =	ssyncset.done $0x0  }
0xa7: {  	[sflag:s5] =	ssyncadd.s32 $0xFFFFF060  }
0xa8: {  	_ =	swait.ge [sflag:s9], $0xFA0  }
0xa9: {  	[sflag:s9] =	ssyncset.done $0x0  }
0xaa: {  	[sflag:s9] =	ssyncadd.s32 $0xFFFFF060  }
0xab: {  	_ =	swait.ge [sflag:s6], $0xFA0  }
0xac: {  	[sflag:s6] =	ssyncset.done $0x0  }
0xad: {  	[sflag:s6] =	ssyncadd.s32 $0xFFFFF060  }
0xae: {  	_ =	swait.ge [sflag:s8], $0xFA0  }
0xaf: {  	[sflag:s8] =	ssyncset.done $0x0  }
0xb0: {  	[sflag:s8] =	ssyncadd.s32 $0xFFFFF060  }
0xb1: {  	_ =	swait.ge [sflag:s14], $0xFA0  }
0xb2: {  	[sflag:s14] =	ssyncset.done $0x0  }
0xb3: {  	[sflag:s14] =	ssyncadd.s32 $0xFFFFF060  }
0xb4: {  	_ =	swait.ge [sflag:s16], $0xFA0  }
0xb5: {  	[sflag:s16] =	ssyncset.done $0x0  }
0xb6: {  	[sflag:s16] =	ssyncadd.s32 $0xFFFFF060  }
0xb7: {  	_ =	swait.ge [sflag:s28], $0xFA0  }
0xb8: {  	[sflag:s28] =	ssyncset.done $0x0  }
0xb9: {  	[sflag:s28] =	ssyncadd.s32 $0xFFFFF060  }
0xba: {  	_ =	swait.ge [sflag:s24], $0xFA0  }
0xbb: {  	[sflag:s24] =	ssyncset.done $0x0  }
0xbc: {  	[sflag:s24] =	ssyncadd.s32 $0xFFFFF060  }
0xbd: {  	_ =	swait.ge [sflag:s31], $0xFA0  }
0xbe: {  	[sflag:s31] =	ssyncset.done $0x0  }
0xbf: {  	s10 =	stileid.u32;
	[sflag:s31] =	ssyncadd.s32 $0xFFFFF060  }
0xc0: {  	s0 =	sshll.u32 s10, $0x6;
	[bflag:$0x0] =	sbarrier.arrive $0xFFFF  }
0xc1: {  	s0 =	sor.u32 $0x1C1A, s0;
	s15 =	sshrl.u32 s7, $0x3;
	s18 =	rddreg [dreg:$0x6]  }
0xc2: {  	[hbm:s18], [sflag:s0] =	dma.local [spmem:s15], $0x9C8  }
0xc3: {  	_ =	swait.ge [sflag:s11], $0x9C8  }
0xc4: {  	s3 =	sadd.s32 $0x1, s3;
	s19 =	rddreg [dreg:$0x5]  }
0xc5: {  	p0 =	sne.s32 s3, s19  }
.Ltmp2:
0xc6: {  	_ = 	snop;
	(pc) =	sbr.rel @p0 .LBB2_1-.Ltmp2, $3  }
0xc7: {  	_ =	sdelay $0x1  }
0xc8: {  	[sflag:s11] =	ssyncset.done $0x0  }
0xc9: {  	s15 =	simm.s32 $0x0;
	[sflag:s11] =	ssyncadd.s32 $0xFFFFF638;
	s19 =	simm.s32 $0x2800  }
0xca: {  	_ =	sfence.sel $0x180000  }
0xcb: {  	[bflag:$0x0] =	sbarrier.arrive $0xFFFF  }
0xcc: {  	_ =	strace $0x9000004A  }
0xcd: {  	s0 =	stileid.u32;
	[bflag:$0x2] =	sbarrier.arrive $0xFFFF  }
0xce: {  	p0 =	sne.s32 s0, $0x0;
	s0 =	rddreg [dreg:$0x2]  }
0xcf: {  	s0 =	sadd.s32 @!p0 $0x100000, s0  }
0xd0: {  	[sflag:s0] =	ssyncadd.tile.s32 @!p0 $0x1;
	_ =	shalt  }
.Lfunc_end2:
_tile_overlayer_lowered:
.L_overlay_start_2:
0xd1: {  	(tag) =	ssettag $0x2  }
0xd2: {  	s0 =	rddreg [dreg:$0x0];
	s2 =	stileid.u32  }
0xd3: {  	s1 =	rddreg [dreg:$0x1];
	p0 =	sne.s32 s2, $0x0  }
0xd4: {  	s3 =	rddreg [dreg:$0x2];
	[bflag:$0x3] =	sbarrier.arrive $0xFFFF;
	s2 =	simm.s32 @!p0 $0x1C1A  }
0xd5: {  	[timem:s3], [sflag:s2] =	dma.local @!p0 [hbm:s0], s1  }
0xd6: {  	s0 =	simm.s32 @!p0 $0x1A  }
0xd7: {  	_ =	swait.ge @!p0 [sflag:s0], s1  }
0xd8: {  	s1 =	ssub.s32 @!p0 $0x0, s1;
	[sflag:s0] =	ssyncset.done @!p0 $0x0  }
0xd9: {  	[sflag:s0] =	ssyncadd.s32 @!p0 s1  }
0xda: {  	[bflag:$0x3] =	sbarrier.arrive $0xFFFF  }
0xdb: {  	_ =	shalt  }

// kernel: kernel.7.cloned.1.call-start
scs
__scs_entry_jumppad:
0x0: {  	(pc) =	sbr.rel $0x88, $3  }
0x1: {  	(tag) =	ssettag $0x0;
	lr =	simm.s32 $0x1  }
0x2: {  	[smem:$0x3F98] =	sst lr;
	_ =	strace $0xD0000000  }
0x3: {  	_ = 	snop  }
0x4: {  	_ = 	snop  }
0x5: {  	_ = 	snop  }
0x6: {  	_ = 	snop  }
0x7: {  	_ = 	snop  }
__scs_overlays_trampoline_lowered:
0x8: {  	[smem:$0x3FA7] =	sst s0  }
0x9: {  	[smem:$0x3FA8] =	sst s1  }
0xa: {  	[smem:$0x3FA9] =	sst s2  }
0xb: {  	[smem:$0x3FAA] =	sst s3  }
0xc: {  	[smem:$0x3FAB] =	sst s4  }
0xd: {  	[smem:$0x3FAC] =	sst s5  }
0xe: {  	[smem:$0x3FAD] =	sst s6  }
0xf: {  	[smem:$0x3FAE] =	sst s7  }
0x10: {  	[smem:$0x3FAF] =	sst s8  }
0x11: {  	[smem:$0x3FB0] =	sst s9;
	s0 =	simm.s32 @!p0 $0x0  }
0x12: {  	s1 =	sld [smem:$0x3F96];
	s0 =	simm.s32 @p0 $0x1  }
0x13: {  	[smem:$0x3FB1] =	sst s0;
	s0 =	simm.s32 @!p1 $0x0  }
0x14: {  	s2 =	sld [smem:$0x3F95];
	s0 =	simm.s32 @p1 $0x1  }
0x15: {  	[smem:$0x3FB2] =	sst s0;
	s0 =	simm.s32 @!p2 $0x0  }
0x16: {  	s3 =	sld [smem:$0x3FDB];
	s0 =	simm.s32 @p2 $0x1  }
0x17: {  	s4 =	simm.s32 $0x1BF5;
	[smem:$0x3FB4] =	sst s0  }
0x18: {  	s0 =	sld [smem:$0x3F97];
	_ =	swait.ge [sflag:s4], $0x0  }
0x19: {  	s7 =	sld [smem:$0x3F98]  }
0x1a: {  	s8 =	sadd.s32 $0xFFFFE003, lr  }
0x1b: {  	s9 =	sadd.s32 $0xFFFFFEF7, lr;
	s5 =	simm.s32 $0xFFFFFFFF;
	p2 =	slt.u32 s8, $0xFFFFF086  }
0x1c: {  	p1 =	slt.u32 s9, $0xF7A;
	s5 =	simm.s32 @!p2 $0x0  }
0x1d: {  	s5 =	simm.s32 @p1 $0x1;
	p0 =	seq.s32 s7, s2  }
0x1e: {  	s7 =	smul.u32 @!p0 $0xF7A, s2;
	p2 =	seq.s32 @!p0 s5, $0x0  }
0x1f: {  	s9 =	smul.u32 $0xF7A, s1;
	s8 =	simm.s32 @!p0 $0x1BF5;
	p2 =	por !p2, p0  }
0x20: {  	[sflag:s8] =	ssyncset.s32 @!p0 $0xFFFFF086;
	s6 =	sadd.s32 @!p0 s3, s7;
	s7 =	simm.s32 @!p0 $0x108  }
0x21: {  	s3 =	sadd.s32 s3, s9;
	s6 =	sadd.s32 @!p0 $0x88, s6;
	s7 =	simm.s32 @p2 $0x1082  }
0x22: {  	[simem:s7], [sflag:s8] =	dma.local @!p0 [hbm:s6], $0xF7A  }
0x23: {  	s9 =	sor.u32 $0xD0000000, s2;
	s6 =	simm.s32 $0x108;
	_ =	swait.ge @!p0 [sflag:s8], $0x0  }
0x24: {  	s3 =	sadd.s32 $0x88, s3;
	s6 =	simm.s32 @!p1 $0x1082;
	[sflag:s4] =	ssyncset.s32 $0xFFFFF086  }
0x25: {  	[simem:s6], [sflag:s4] =	dma.local [hbm:s3], $0xF7A  }
0x26: {  	[smem:$0x3F98] =	sst s1;
	(tag) =	ssettag s2;
	_ =	strace s9  }
0x27: {  	s1 =	sld [smem:$0x3FA8]  }
0x28: {  	s2 =	sld [smem:$0x3FA9]  }
0x29: {  	s4 =	sld [smem:$0x3FAB]  }
0x2a: {  	p0 =	seq.s32 s5, $0x0;
	s5 =	sld [smem:$0x3FAC]  }
0x2b: {  	s6 =	sld [smem:$0x3FAD]  }
0x2c: {  	s7 =	sld [smem:$0x3FAE]  }
0x2d: {  	s3 =	simm.s32 $0x108;
	s8 =	sld [smem:$0x3FAF]  }
0x2e: {  	s3 =	simm.s32 @!p0 $0x1082;
	s9 =	sld [smem:$0x3FB0]  }
0x2f: {  	lr =	sadd.s32 s0, s3;
	s0 =	sld [smem:$0x3FA7]  }
0x30: {  	s3 =	sld [smem:$0x3FAA]  }
0x31: {  	[smem:$0x3FB3] =	sst s10  }
0x32: {  	s10 =	sld [smem:$0x3FB1];
	_ =	sdelay $0x3  }
0x33: {  	p0 =	seq.s32 s10, $0x1;
	s10 =	sld [smem:$0x3FB3];
	_ =	sdelay $0x3  }
0x34: {  	[smem:$0x3FB3] =	sst s10  }
0x35: {  	s10 =	sld [smem:$0x3FB2];
	_ =	sdelay $0x3  }
0x36: {  	p1 =	seq.s32 s10, $0x1;
	s10 =	sld [smem:$0x3FB3];
	_ =	sdelay $0x3  }
0x37: {  	[smem:$0x3FB3] =	sst s10  }
0x38: {  	s10 =	sld [smem:$0x3FB4]  }
0x39: {  	_ = 	snop;
	(pc) =	sbr.ind lr, $3  }
0x3a: {  	_ = 	snop  }
0x3b: {  	_ = 	snop  }
0x3c: {  	p2 =	seq.s32 s10, $0x1;
	s10 =	sld [smem:$0x3FB3]  }
0x3d: {  	_ =	shalt  }
0x3e: {  	_ =	shalt  }
0x3f: {  	_ =	shalt  }
0x40: {  	_ =	shalt  }
0x41: {  	_ =	shalt  }
0x42: {  	_ =	shalt  }
0x43: {  	_ =	shalt  }
0x44: {  	_ =	shalt  }
0x45: {  	_ =	shalt  }
0x46: {  	_ =	shalt  }
0x47: {  	_ =	shalt  }
0x48: {  	_ =	shalt  }
0x49: {  	_ =	shalt  }
0x4a: {  	_ =	shalt  }
0x4b: {  	_ =	shalt  }
0x4c: {  	_ =	shalt  }
0x4d: {  	_ =	shalt  }
0x4e: {  	_ =	shalt  }
0x4f: {  	_ =	shalt  }
0x50: {  	_ =	shalt  }
0x51: {  	_ =	shalt  }
0x52: {  	_ =	shalt  }
0x53: {  	_ =	shalt  }
0x54: {  	_ =	shalt  }
0x55: {  	_ =	shalt  }
0x56: {  	_ =	shalt  }
0x57: {  	_ =	shalt  }
0x58: {  	_ =	shalt  }
0x59: {  	_ =	shalt  }
0x5a: {  	_ =	shalt  }
0x5b: {  	_ =	shalt  }
0x5c: {  	_ =	shalt  }
0x5d: {  	_ =	shalt  }
0x5e: {  	_ =	shalt  }
0x5f: {  	_ =	shalt  }
0x60: {  	_ =	shalt  }
0x61: {  	_ =	shalt  }
0x62: {  	_ =	shalt  }
0x63: {  	_ =	shalt  }
0x64: {  	_ =	shalt  }
0x65: {  	_ =	shalt  }
0x66: {  	_ =	shalt  }
0x67: {  	_ =	shalt  }
0x68: {  	_ =	shalt  }
0x69: {  	_ =	shalt  }
0x6a: {  	_ =	shalt  }
0x6b: {  	_ =	shalt  }
0x6c: {  	_ =	shalt  }
0x6d: {  	_ =	shalt  }
0x6e: {  	_ =	shalt  }
0x6f: {  	_ =	shalt  }
0x70: {  	_ =	shalt  }
0x71: {  	_ =	shalt  }
0x72: {  	_ =	shalt  }
0x73: {  	_ =	shalt  }
0x74: {  	_ =	shalt  }
0x75: {  	_ =	shalt  }
0x76: {  	_ =	shalt  }
0x77: {  	_ =	shalt  }
0x78: {  	_ =	shalt  }
0x79: {  	_ =	shalt  }
0x7a: {  	_ =	shalt  }
0x7b: {  	_ =	shalt  }
0x7c: {  	_ =	shalt  }
0x7d: {  	_ =	shalt  }
0x7e: {  	_ =	shalt  }
0x7f: {  	_ =	shalt  }
0x80: {  	_ =	shalt  }
0x81: {  	_ =	shalt  }
0x82: {  	_ =	shalt  }
0x83: {  	_ =	shalt  }
0x84: {  	_ =	shalt  }
0x85: {  	_ =	shalt  }
0x86: {  	_ =	shalt  }
0x87: {  	_ =	shalt  }
.Lfunc_end0:
.L_simem_size_0:
called_computation_lowered:
.L_overlay_start_0:
0x88: {  	s2 =	sld [smem:$0x3FD9]  }
0x89: {  	s3 =	sld [smem:$0x3FFE];
	_ =	sdelay $0x1  }
0x8a: {  	s1 =	srdreg.scid  }
0x8b: {  	s0 =	sand.u32 $0x1, s1  }
0x8c: {  	s16 =	sshll.u32 s0, $0xA;
	s2 =	sadd.s32 s3, s2  }
0x8d: {  	s2 =	sadd.s32 s2, s16  }
0x8e: {  	[smem:$0x3FBF] =	sst s2  }
0x8f: {  	_ = 	snop  }
0x90: {  	(tm) =	ssettm $0x1  }
0x91: {  	s17 =	sld [smem:$0x3FFB];
	_ =	sdelay $0x3  }
0x92: {  	_ =	strace s17  }
0x93: {  	s2 =	sld [smem:$0x3FFC];
	_ =	sdelay $0x3  }
0x94: {  	_ =	strace s2  }
0x95: {  	s2 =	sld [smem:$0x3FFD];
	_ =	sdelay $0x3  }
0x96: {  	_ =	strace s2  }
0x97: {  	_ =	strace $0x8FFFFFFF  }
0x98: {  	s18 =	sld [smem:$0x3FDB];
	_ =	sdelay $0x1  }
0x99: {  	s19 =	simm.s32 $_scs_section_size  }
0x9a: {  	s4 =	simm.s32 $_size__tile_overlayer_lowered;
	s5 =	simm.s32 $_tile_overlayer_lowered  }
0x9b: {  	s22 =	simm.s32 $0x1BFF;
	s21 =	sshll.u32 s5, $0x1;
	s2 =	sadd.s32 s19, s18  }
0x9c: {  	s6 =	simm.s32 $0x0;
	s20 =	sshll.u32 s4, $0x1;
	s4 =	sadd.s32 s21, s2  }
0x9d: {  	[timem:s6], [sflag:s22] =	dma.local [hbm:s4], s20  }
0x9e: {  	_ =	swait.ge [sflag:s22], s20  }
0x9f: {  	s3 =	ssub.s32 $0x0, s20;
	[sflag:s22] =	ssyncset.done $0x0  }
0xa0: {  	[sflag:s22] =	ssyncadd.s32 s3;
	_ =	sdelay $0x1  }
0xa1: {  	s23 =	simm.s32 $0x1B8B  }
0xa2: {  	_ =	swait.ge [sflag:s23], $0x1  }
0xa3: {  	[sflag:s23] =	ssyncset.done $0x0  }
0xa4: {  	s25 =	simm.s32 $0x1B8E;
	s24 =	sld [smem:$0x3FFE];
	[sflag:s23] =	ssyncadd.s32 $0xFFFFFFFF  }
0xa5: {  	s26 =	simm.s32 $execute0_lowered;
	[smem:$0x3FD2] =	sst s25  }
0xa6: {  	s4 =	sshll.u32 s26, $0x1;
	_ =	strace $0x80000046;
	[dreg:$0x1] =	wrdreg $0xFFFFFFFF  }
0xa7: {  	s28 =	simm.s32 $_size_execute0_lowered;
	s2 =	sadd.s32 s2, s4;
	[dreg:$0x0] =	wrdreg $0x0  }
0xa8: {  	s4 =	sshll.u32 s28, $0x1;
	[dreg:$0x2] =	wrdreg s2  }
0xa9: {  	[dreg:$0x3] =	wrdreg s4  }
0xaa: {  	[dreg:$0x4] =	wrdreg $0xC0  }
0xab: {  	_ =	task [dreg:s6], $0x5FFFF  }
0xac: {  	[dreg:$0x1] =	wrdreg $0xFFFFFFFF  }
0xad: {  	[dreg:$0x0] =	wrdreg $0x60  }
0xae: {  	[dreg:$0x2] =	wrdreg s24  }
0xaf: {  	[dreg:$0x3] =	wrdreg $0x159C00  }
0xb0: {  	[dreg:$0x4] =	wrdreg $0x9  }
0xb1: {  	_ =	task.clear_ibuf [dreg:s6], $0x5FFFF;
	_ =	strace $0x90000046  }
0xb2: {  	s29 =	simm.s32 $0x9;
	_ =	strace $0x80000048  }
0xb3: {  	_ =	swait.ge [sflag:s29], $0x1  }
0xb4: {  	[sflag:s29] =	ssyncadd.s32 $0xFFFFFFFF  }
0xb5: {  	_ =	strace $0x90000048  }
0xb6: {  	_ =	sfence  }
0xb7: {  	s30 =	sld [smem:$0x0];
	_ =	sdelay $0x2  }
0xb8: {  	s31 =	sshll.u32 s1, $0xD;
	s1 =	sshrl.u32 s1, $0x2  }
0xb9: {  	s3 =	sand.u32 $0x4000, s31;
	s1 =	sadd.s32 s1, s30  }
0xba: {  	s0 =	sor.u32 s3, s0;
	s1 =	sshll.u32 s1, $0x11  }
0xbb: {  	s0 =	sor.u32 s1, s0  }
0xbc: {  	s0 =	sadd.s32 $0x8F2B, s0  }
0xbd: {  	[sflag:s0] =	ssyncadd.remote.s32 $0x1  }
0xbe: {  	_ =	sfence.sel $0xFFFF  }
0xbf: {  	[dreg:$0x0] =	wrdreg $0xFFFFFFFF;
	(pc) =	sbr.abs _section_cstart, $3  }
0xc0: {  	[dreg:$0x1] =	wrdreg $0xFFFFFFFF  }
0xc1: {  	_ =	task.clear_ibuf [dreg:s6], $0x2FFFF;
	_ =	strace $0x9FFFFFFF  }
0xc2: {  	(tm) =	ssettm $0x7FFFFFFF  }
0xc3: {  	_ =	shalt  }
tec
execute0_lowered:
.L_overlay_start_1:
0x0: {  	(tag) =	ssettag $0x1  }
0x1: {  	s0 =	rddreg [dreg:$0x0]  }
0x2: {  	s1 =	rddreg [dreg:$0x1];
	s2 =	srdreg.scid  }
0x3: {  	s15 =	simm.s32 $0x0;
	s7 =	stileid.u32;
	s19 =	simm.s32 $0x2800  }
0x4: {  	s11 =	simm.s32 $0x1A;
	s12 =	simm.s32 $0x19;
	s13 =	simm.s32 $0x7D  }
0x5: {  	s20 =	simm.s32 $0x6F40;
	s21 =	simm.s32 $0x7EE0;
	s22 =	simm.s32 $0x8E80  }
0x6: {  	s23 =	simm.s32 $0x9E20;
	s29 =	simm.s32 $0xBD60;
	s17 =	simm.s32 $0x3  }
0x7: {  	s30 =	simm.s32 $0x6;
	s9 =	simm.s32 $0xD;
	s14 =	simm.s32 $0x10  }
0x8: {  	s16 =	simm.s32 $0x11;
	s28 =	simm.s32 $0x12;
	s24 =	simm.s32 $0x13  }
0x9: {  	s31 =	simm.s32 $0x14;
	s2 =	sand.u32 $0x1, s2;
	[smem:$0x7FF] =	sst s15  }
0xa: {  	s4 =	sadd.s32 $0x16000, s0;
	s8 =	smul.u32 $0x4E40, s7;
	s3 =	sshll.u32 s2, $0x4  }
0xb: {  	_ =	strace $0x80000047;
	s5 =	smul.u32 $0x9C80, s2;
	s2 =	ssub.s32 $0x2, s2  }
0xc: {  	s3 =	sor.u32 s7, s3;
	s6 =	sshrl.u32 s2, $0x1;
	s7 =	sadd.s32 s8, s1  }
0xd: {  	s26 =	sshrl.u32 s8, $0x3;
	s3 =	smul.u32 $0x500, s3;
	s2 =	ssub.s32 s2, s6  }
0xe: {  	s8 =	simm.s32 $0xF;
	s6 =	simm.s32 $0xE;
	s2 =	smax.u32 s2, $0x1  }
0xf: {  	s3 =	sadd.s32 s3, s0;
	s0 =	sadd.s32 s5, s0;
	[dreg:$0x5] =	wrdreg s2  }
0x10: {  	s2 =	simm.s32 $0x5;
	s5 =	simm.s32 $0x18;
	s25 =	sadd.s32 $0x2000, s3  }
0x11: {  	s3 =	sadd.s32 $0xC000, s3;
	s0 =	sadd.s32 $0x1FE00, s0;
	[dreg:$0x3] =	wrdreg s25  }
0x12: {  	[dreg:$0x4] =	wrdreg s3;
	s0 =	sadd.s32 s26, s0;
	s25 =	simm.s32 $0xADC0  }
0x13: {  	v0 =	vimm.f32 $0.0e+00;
	s26 =	simm.s32 $0x4;
	s3 =	simm.s32 $0x0;
	[dreg:$0x6] =	wrdreg s0  }
.LBB2_1:
0x14: {  	s0 =	rddreg [dreg:$0x3]  }
0x15: {  	[tilespmem:s15], [sflag:$0x19] =	stream.linear.gather [hbm4b:s0+s15], $0x2800, $0x38;
	[tilespmem:$0x1A800] =	vst v63  }
0x16: {  	s18 =	rddreg [dreg:$0x4];
	s10 =	simm.s32 $0x0;
	s0 =	simm.s32 $0x80  }
0x17: {  	[tilespmem:s19], [sflag:$0x19] =	stream.linear.gather [hbm4b:s18+s15], $0x2800, $0x38;
	[tilespmem:$0x1A800] =	vst v63  }
.LBB2_2:
0x18: {  	p0 =	sne.s32 s0, $0x13880;
	[tilespmem:s10+$0x10B80] =	vst v0;
	s18 =	smov.u32 s0;
	s0 =	sadd.s32 $0x80, s0  }
.Ltmp0:
0x19: {  	[tilespmem:s10+$0x10B90] =	vst v0;
	(pc) =	sbr.rel @p0 .LBB2_2-.Ltmp0, $2  }
0x1a: {  	_ =	sdelay $0x2  }
0x1b: {  	s10 =	sshra.s32 s18, $0x2  }
0x1c: {  	[tilespmem:s10+$0x10B80] =	vst v0  }
0x1d: {  	[tilespmem:s10+$0x10B90] =	vst v0;
	s0 =	simm.s32 $0x10B80  }
0x1e: {  	[spmem:s7] =	stream.linear.scatter [tilespmem:s0], [sflag:$0x1A], $0x4E40, $0x38;
	[tilespmem:$0x1A800] =	vst v63  }
0x1f: {  	_ =	swait.ge [sflag:s11], $0x4E40  }
0x20: {  	[sflag:s11] =	ssyncset.done $0x0  }
0x21: {  	[sflag:s11] =	ssyncadd.s32 $0xFFFFB1C0  }
0x22: {  	_ =	swait.ge [sflag:s12], $0x2800  }
0x23: {  	[sflag:s12] =	ssyncset.done $0x0  }
0x24: {  	[sflag:s12] =	ssyncadd.s32 $0xFFFFD800  }
0x25: {  	_ =	swait.ge [sflag:s12], $0x2800  }
0x26: {  	[sflag:s12] =	ssyncset.done $0x0  }
0x27: {  	s0 =	simm.s32 $0x5000;
	[sflag:s12] =	ssyncadd.s32 $0xFFFFD800  }
0x28: {  	[tilespmem:s0], [sflag:$0x1] =	stream.indirect.gather [hbm4b:s4+s13], $0x20, s15, s13, $0xb8;
	[tilespmem:$0x1A800] =	vst v63  }
0x29: {  	s18 =	simm.s32 $0x80;
	s15 =	simm.s32 $0x5FA0  }
0x2a: {  	[tilespmem:s15], [sflag:$0x2] =	stream.indirect.gather [hbm4b:s4+s13], $0x20, s18, s13, $0xb8;
	[tilespmem:$0x1A800] =	vst v63  }
0x2b: {  	s18 =	simm.s32 $0x100  }
0x2c: {  	[tilespmem:s20], [sflag:$0x3] =	stream.indirect.gather [hbm4b:s4+s13], $0x20, s18, s13, $0xb8;
	[tilespmem:$0x1A800] =	vst v63  }
0x2d: {  	s18 =	simm.s32 $0x180  }
0x2e: {  	[tilespmem:s21], [sflag:$0x4] =	stream.indirect.gather [hbm4b:s4+s13], $0x20, s18, s13, $0xb8;
	[tilespmem:$0x1A800] =	vst v63  }
0x2f: {  	s18 =	simm.s32 $0x200  }
0x30: {  	[tilespmem:s22], [sflag:$0x5] =	stream.indirect.gather [hbm4b:s4+s13], $0x20, s18, s13, $0xb8;
	[tilespmem:$0x1A800] =	vst v63  }
0x31: {  	s18 =	simm.s32 $0x280  }
0x32: {  	[tilespmem:s23], [sflag:$0x6] =	stream.indirect.gather [hbm4b:s4+s13], $0x20, s18, s13, $0xb8;
	[tilespmem:$0x1A800] =	vst v63  }
0x33: {  	s18 =	simm.s32 $0x300;
	[bflag:$0x0] =	sbarrier.arrive $0xFFFF  }
0x34: {  	[tilespmem:s25], [sflag:$0x7] =	stream.indirect.gather [hbm4b:s4+s13], $0x20, s18, s13, $0xb8;
	[tilespmem:$0x1A800] =	vst v63  }
0x35: {  	s18 =	simm.s32 $0x1  }
0x36: {  	_ =	swait.ge [sflag:s18], $0xFA0  }
0x37: {  	[sflag:s18] =	ssyncset.done $0x0  }
0x38: {  	[sflag:s18] =	ssyncadd.s32 $0xFFFFF060  }
0x39: {  	[spmem:s1] =	stream.indirect.scatter.add.f32 [tilespmem:s0], [sflag:$0xD], $0x20, s19, s13, $0xb8;
	[tilespmem:$0x1A800] =	vst v63  }
0x3a: {  	s25 =	simm.s32 $0x2;
	s19 =	simm.s32 $0x380  }
0x3b: {  	[tilespmem:s29], [sflag:$0x8] =	stream.indirect.gather [hbm4b:s4+s13], $0x20, s19, s13, $0xb8;
	[tilespmem:$0x1A800] =	vst v63  }
0x3c: {  	_ =	swait.ge [sflag:s25], $0xFA0  }
0x3d: {  	[sflag:s25] =	ssyncset.done $0x0  }
0x3e: {  	s10 =	simm.s32 $0x2880;
	[sflag:s25] =	ssyncadd.s32 $0xFFFFF060  }
0x3f: {  	[spmem:s1] =	stream.indirect.scatter.add.f32 [tilespmem:s15], [sflag:$0xE], $0x20, s10, s13, $0xb8;
	[tilespmem:$0x1A800] =	vst v63  }
0x40: {  	s18 =	simm.s32 $0x400;
	s19 =	simm.s32 $0xCD00  }
0x41: {  	[tilespmem:s19], [sflag:$0x9] =	stream.indirect.gather [hbm4b:s4+s13], $0x20, s18, s13, $0xb8;
	[tilespmem:$0x1A800] =	vst v63  }
0x42: {  	_ =	swait.ge [sflag:s17], $0xFA0  }
0x43: {  	[sflag:s17] =	ssyncset.done $0x0  }
0x44: {  	s25 =	simm.s32 $0x2900;
	[sflag:s17] =	ssyncadd.s32 $0xFFFFF060  }
0x45: {  	[spmem:s1] =	stream.indirect.scatter.add.f32 [tilespmem:s20], [sflag:$0xF], $0x20, s25, s13, $0xb8;
	[tilespmem:$0x1A800] =	vst v63  }
0x46: {  	s10 =	simm.s32 $0x480;
	s15 =	simm.s32 $0xDCA0  }
0x47: {  	[tilespmem:s15], [sflag:$0xA] =	stream.indirect.gather [hbm4b:s4+s13], $0x20, s10, s13, $0xb8;
	[tilespmem:$0x1A800] =	vst v63  }
0x48: {  	_ =	swait.ge [sflag:s26], $0xFA0  }
0x49: {  	[sflag:s26] =	ssyncset.done $0x0  }
0x4a: {  	s18 =	simm.s32 $0x2980;
	s15 =	simm.s32 $0xC;
	[sflag:s26] =	ssyncadd.s32 $0xFFFFF060  }
0x4b: {  	[spmem:s1] =	stream.indirect.scatter.add.f32 [tilespmem:s21], [sflag:$0x10], $0x20, s18, s13, $0xb8;
	[tilespmem:$0x1A800] =	vst v63  }
0x4c: {  	s19 =	simm.s32 $0x500;
	s20 =	simm.s32 $0xEC40;
	s0 =	smul.u32 $0xAB, s15  }
0x4d: {  	[tilespmem:s20], [sflag:$0xB] =	stream.indirect.gather [hbm4b:s4+s13], $0x20, s19, s13, $0xb8;
	[tilespmem:$0x1A800] =	vst v63  }
0x4e: {  	s25 =	simm.s32 $0xFBE0;
	s19 =	sadd.s32 $0xFFFFFBFE, s0;
	s0 =	sshrl.u32 s0, $0xB  }
0x4f: {  	_ =	swait.ge [sflag:s2], $0xFA0;
	s10 =	sshrl.u32 s19, $0xB;
	s0 =	sand.u32 $0x1F, s0  }
0x50: {  	[sflag:s2] =	ssyncset.done $0x0;
	s10 =	sand.u32 $0x1F, s10;
	s0 =	smul.u32 $0xC, s0  }
0x51: {  	s21 =	simm.s32 $0x2A00;
	[sflag:s2] =	ssyncadd.s32 $0xFFFFF060;
	s10 =	smul.u32 $0xC, s10  }
0x52: {  	[spmem:s1] =	stream.indirect.scatter.add.f32 [tilespmem:s22], [sflag:$0x11], $0x20, s21, s13, $0xb8;
	[tilespmem:$0x1A800] =	vst v63  }
0x53: {  	s22 =	simm.s32 $0x580;
	s0 =	ssub.s32 $0xC, s0;
	s10 =	ssub.s32 $0xC, s10  }
0x54: {  	[tilespmem:s25], [sflag:$0xC] =	stream.indirect.gather [hbm4b:s4+s13], $0x20, s22, s13, $0xb8;
	[tilespmem:$0x1A800] =	vst v63  }
0x55: {  	s18 =	simm.s32 $0x2A80;
	s0 =	sand.u32 $0xFF, s0;
	s10 =	sadd.s32 $0xFFFFFFFA, s10  }
0x56: {  	s20 =	smul.u32 $0x3E80, s0;
	s21 =	sadd.s32 $0xD, s0;
	_ =	swait.ge [sflag:s30], $0xFA0  }
0x57: {  	s22 =	simm.s32 $0x2B00;
	s0 =	sadd.s32 $0x1, s0;
	[sflag:s30] =	ssyncset.done $0x0  }
0x58: {  	s25 =	simm.s32 $0x680;
	s10 =	sand.u32 $0xFF, s10;
	[sflag:s30] =	ssyncadd.s32 $0xFFFFF060  }
0x59: {  	[spmem:s1] =	stream.indirect.scatter.add.f32 [tilespmem:s23], [sflag:$0x12], $0x20, s18, s13, $0xb8;
	[tilespmem:$0x1A800] =	vst v63  }
0x5a: {  	s19 =	sshrl.u32 s20, $0x2;
	s20 =	simm.s32 $0xD;
	_ =	swait.ge [sflag:s21], $0xFA0  }
0x5b: {  	s15 =	sadd.s32 $0x1, s10;
	s19 =	sadd.s32 $0x5000, s19;
	[sflag:s21] =	ssyncset.done $0x0  }
0x5c: {  	s18 =	simm.s32 $0x600;
	s23 =	smul.u32 $0x3E80, s10;
	[sflag:s21] =	ssyncadd.s32 $0xFFFFF060  }
0x5d: {  	[tilespmem:s19], [sflag:s0] =	stream.indirect.gather [hbm4b:s4+s13], $0x20, s18, s13, $0xb8;
	[tilespmem:$0x1A800] =	vst v63  }
0x5e: {  	s29 =	smul.u32 $0xAB, s20;
	s10 =	sadd.s32 $0xD, s10;
	_ =	swait.ge [sflag:s15], $0xFA0  }
0x5f: {  	s21 =	sshrl.u32 s23, $0x2;
	s0 =	simm.s32 $0xE;
	[sflag:s15] =	ssyncset.done $0x0  }
0x60: {  	s18 =	simm.s32 $0x2B80;
	s19 =	sadd.s32 $0x5000, s21;
	[sflag:s15] =	ssyncadd.s32 $0xFFFFF060  }
.LBB2_4:
0x61: {  	[spmem:s1] =	stream.indirect.scatter.add.f32 [tilespmem:s19], [sflag:s10], $0x20, s22, s13, $0xb8;
	[tilespmem:$0x1A800] =	vst v63  }
0x62: {  	s10 =	smov.u32 s0;
	s22 =	smov.u32 s18  }
0x63: {  	s23 =	sadd.s32 $0x1, s0;
	s19 =	sadd.s32 $0xFFFFFBFE, s29;
	s29 =	sshrl.u32 s29, $0xB  }
0x64: {  	p0 =	sne.s32 s0, $0x4F;
	s0 =	sshrl.u32 s19, $0xB;
	s19 =	sand.u32 $0x1F, s29  }
0x65: {  	s19 =	smul.u32 $0xC, s19  }
0x66: {  	s0 =	sand.u32 $0x1F, s0  }
0x67: {  	s0 =	smul.u32 $0xC, s0;
	s19 =	ssub.s32 s20, s19  }
0x68: {  	s18 =	sadd.s32 $0x80, s18;
	s19 =	sand.u32 $0xFF, s19  }
0x69: {  	s0 =	ssub.s32 s20, s0;
	s20 =	smov.u32 s10;
	s10 =	smul.u32 $0x3E80, s19  }
0x6a: {  	s0 =	sadd.s32 $0xFFFFFFFA, s0;
	s29 =	sadd.s32 $0xD, s19;
	s19 =	sadd.s32 $0x1, s19  }
0x6b: {  	s0 =	sand.u32 $0xFF, s0;
	_ =	swait.ge [sflag:s29], $0xFA0;
	s10 =	sshrl.u32 s10, $0x2  }
0x6c: {  	[sflag:s29] =	ssyncset.done $0x0;
	s15 =	smul.u32 $0x3E80, s0;
	s21 =	sadd.s32 $0x1, s0  }
.Ltmp1:
0x6d: {  	s10 =	sadd.s32 $0x5000, s10;
	[sflag:s29] =	ssyncadd.s32 $0xFFFFF060;
	(pc) =	sbr.rel @p0 .LBB2_4-.Ltmp1, $4  }
0x6e: {  	[tilespmem:s10], [sflag:s19] =	stream.indirect.gather [hbm4b:s4+s13], $0x20, s25, s13, $0xb8;
	[tilespmem:$0x1A800] =	vst v63  }
0x6f: {  	s29 =	smul.u32 $0xAB, s20;
	s15 =	sshrl.u32 s15, $0x2;
	_ =	swait.ge [sflag:s21], $0xFA0  }
0x70: {  	s10 =	sadd.s32 $0xD, s0;
	s25 =	sadd.s32 $0x80, s25;
	[sflag:s21] =	ssyncset.done $0x0  }
0x71: {  	s0 =	smov.u32 s23;
	s19 =	sadd.s32 $0x5000, s15;
	[sflag:s21] =	ssyncadd.s32 $0xFFFFF060  }
0x72: {  	s0 =	sshrl.u32 s29, $0xB  }
0x73: {  	s0 =	sand.u32 $0x1F, s0  }
0x74: {  	s0 =	smul.u32 $0xC, s0  }
0x75: {  	[spmem:s1] =	stream.indirect.scatter.add.f32 [tilespmem:s19], [sflag:s10], $0x20, s22, s13, $0xb8;
	[tilespmem:$0x1A800] =	vst v63  }
0x76: {  	s15 =	sadd.s32 $0xFFFFFBFE, s29;
	s0 =	ssub.s32 s20, s0  }
0x77: {  	s15 =	sshrl.u32 s15, $0xB;
	s0 =	sand.u32 $0xFF, s0  }
0x78: {  	s22 =	sand.u32 $0x1F, s15;
	s19 =	sadd.s32 $0xD, s0;
	s21 =	smul.u32 $0x3E80, s0  }
0x79: {  	s10 =	smul.u32 $0xC, s22;
	_ =	swait.ge [sflag:s19], $0xFA0  }
0x7a: {  	s0 =	sadd.s32 $0x1, s0;
	[sflag:s19] =	ssyncset.done $0x0;
	s23 =	sshrl.u32 s21, $0x2  }
0x7b: {  	[sflag:s19] =	ssyncadd.s32 $0xFFFFF060;
	s15 =	sadd.s32 $0x5000, s23;
	s19 =	ssub.s32 s20, s10  }
0x7c: {  	[tilespmem:s15], [sflag:s0] =	stream.indirect.gather [hbm4b:s4+s13], $0x20, s25, s13, $0xb8;
	[tilespmem:$0x1A800] =	vst v63  }
0x7d: {  	s0 =	sadd.s32 $0xFFFFFFFA, s19  }
0x7e: {  	s0 =	sand.u32 $0xFF, s0  }
0x7f: {  	s20 =	smul.u32 $0x3E80, s0;
	s21 =	sadd.s32 $0x1, s0  }
0x80: {  	_ =	swait.ge [sflag:s21], $0xFA0  }
0x81: {  	s10 =	sshrl.u32 s20, $0x2;
	[sflag:s21] =	ssyncset.done $0x0  }
0x82: {  	s0 =	sadd.s32 $0xD, s0;
	[sflag:s21] =	ssyncadd.s32 $0xFFFFF060;
	s10 =	sadd.s32 $0x5000, s10  }
0x83: {  	[spmem:s1] =	stream.indirect.scatter.add.f32 [tilespmem:s10], [sflag:s0], $0x20, s18, s13, $0xb8;
	[tilespmem:$0x1A800] =	vst v63  }
0x84: {  	_ =	swait.ge [sflag:s17], $0xFA0  }
0x85: {  	[sflag:s17] =	ssyncset.done $0x0  }
0x86: {  	s22 =	simm.s32 $0x4D00;
	s20 =	simm.s32 $0x6F40;
	[sflag:s17] =	ssyncadd.s32 $0xFFFFF060  }
0x87: {  	[spmem:s1] =	stream.indirect.scatter.add.f32 [tilespmem:s20], [sflag:$0xF], $0x20, s22, s13, $0xb8;
	[tilespmem:$0x1A800] =	vst v63  }
0x88: {  	_ =	swait.ge [sflag:s26], $0xFA0  }
0x89: {  	[sflag:s26] =	ssyncset.done $0x0  }
0x8a: {  	s23 =	simm.s32 $0x4D80;
	s21 =	simm.s32 $0x7EE0;
	[sflag:s26] =	ssyncadd.s32 $0xFFFFF060  }
0x8b: {  	[spmem:s1] =	stream.indirect.scatter.add.f32 [tilespmem:s21], [sflag:$0x10], $0x20, s23, s13, $0xb8;
	[tilespmem:$0x1A800] =	vst v63  }
0x8c: {  	_ =	swait.ge [sflag:s2], $0xFA0  }
0x8d: {  	[sflag:s2] =	ssyncset.done $0x0  }
0x8e: {  	s25 =	simm.s32 $0x4E00;
	s22 =	simm.s32 $0x8E80;
	[sflag:s2] =	ssyncadd.s32 $0xFFFFF060  }
0x8f: {  	[spmem:s1] =	stream.indirect.scatter.add.f32 [tilespmem:s22], [sflag:$0x11], $0x20, s25, s13, $0xb8;
	[tilespmem:$0x1A800] =	vst v63  }
0x90: {  	_ =	swait.ge [sflag:s30], $0xFA0  }
0x91: {  	s15 =	simm.s32 $0x7;
	[sflag:s30] =	ssyncset.done $0x0  }
0x92: {  	s10 =	simm.s32 $0x4E80;
	s23 =	simm.s32 $0x9E20;
	[sflag:s30] =	ssyncadd.s32 $0xFFFFF060  }
0x93: {  	[spmem:s1] =	stream.indirect.scatter.add.f32 [tilespmem:s23], [sflag:$0x12], $0x20, s10, s13, $0xb8;
	[tilespmem:$0x1A800] =	vst v63  }
0x94: {  	_ =	swait.ge [sflag:s15], $0xFA0  }
0x95: {  	s19 =	simm.s32 $0x8;
	[sflag:s15] =	ssyncset.done $0x0  }
0x96: {  	s18 =	simm.s32 $0x4F00;
	s25 =	simm.s32 $0xADC0;
	[sflag:s15] =	ssyncadd.s32 $0xFFFFF060  }
0x97: {  	[spmem:s1] =	stream.indirect.scatter.add.f32 [tilespmem:s25], [sflag:$0x13], $0x20, s18, s13, $0xb8;
	[tilespmem:$0x1A800] =	vst v63  }
0x98: {  	_ =	swait.ge [sflag:s19], $0xFA0  }
0x99: {  	s29 =	simm.s32 $0xBD60;
	[sflag:s19] =	ssyncset.done $0x0  }
0x9a: {  	s10 =	simm.s32 $0x4F80;
	s15 =	simm.s32 $0x15;
	[sflag:s19] =	ssyncadd.s32 $0xFFFFF060  }
0x9b: {  	[spmem:s1] =	stream.indirect.scatter.add.f32 [tilespmem:s29], [sflag:$0x14], $0x20, s10, s13, $0xb8;
	[tilespmem:$0x1A800] =	vst v63  }
0x9c: {  	_ =	swait.ge [sflag:s15], $0xFA0  }
0x9d: {  	[sflag:s15] =	ssyncset.done $0x0  }
0x9e: {  	s18 =	simm.s32 $0x16;
	[sflag:s15] =	ssyncadd.s32 $0xFFFFF060  }
0x9f: {  	_ =	swait.ge [sflag:s18], $0xFA0  }
0xa0: {  	[sflag:s18] =	ssyncset.done $0x0  }
0xa1: {  	s19 =	simm.s32 $0x17;
	[sflag:s18] =	ssyncadd.s32 $0xFFFFF060  }
0xa2: {  	_ =	swait.ge [sflag:s19], $0xFA0  }
0xa3: {  	[sflag:s19] =	ssyncset.done $0x0  }
0xa4: {  	[sflag:s19] =	ssyncadd.s32 $0xFFFFF060  }
0xa5: {  	_ =	swait.ge [sflag:s5], $0xFA0  }
0xa6: {  	[sflag:s5] =	ssyncset.done $0x0  }
0xa7: {  	[sflag:s5] =	ssyncadd.s32 $0xFFFFF060  }
0xa8: {  	_ =	swait.ge [sflag:s9], $0xFA0  }
0xa9: {  	[sflag:s9] =	ssyncset.done $0x0  }
0xaa: {  	[sflag:s9] =	ssyncadd.s32 $0xFFFFF060  }
0xab: {  	_ =	swait.ge [sflag:s6], $0xFA0  }
0xac: {  	[sflag:s6] =	ssyncset.done $0x0  }
0xad: {  	[sflag:s6] =	ssyncadd.s32 $0xFFFFF060  }
0xae: {  	_ =	swait.ge [sflag:s8], $0xFA0  }
0xaf: {  	[sflag:s8] =	ssyncset.done $0x0  }
0xb0: {  	[sflag:s8] =	ssyncadd.s32 $0xFFFFF060  }
0xb1: {  	_ =	swait.ge [sflag:s14], $0xFA0  }
0xb2: {  	[sflag:s14] =	ssyncset.done $0x0  }
0xb3: {  	[sflag:s14] =	ssyncadd.s32 $0xFFFFF060  }
0xb4: {  	_ =	swait.ge [sflag:s16], $0xFA0  }
0xb5: {  	[sflag:s16] =	ssyncset.done $0x0  }
0xb6: {  	[sflag:s16] =	ssyncadd.s32 $0xFFFFF060  }
0xb7: {  	_ =	swait.ge [sflag:s28], $0xFA0  }
0xb8: {  	[sflag:s28] =	ssyncset.done $0x0  }
0xb9: {  	[sflag:s28] =	ssyncadd.s32 $0xFFFFF060  }
0xba: {  	_ =	swait.ge [sflag:s24], $0xFA0  }
0xbb: {  	[sflag:s24] =	ssyncset.done $0x0  }
0xbc: {  	[sflag:s24] =	ssyncadd.s32 $0xFFFFF060  }
0xbd: {  	_ =	swait.ge [sflag:s31], $0xFA0  }
0xbe: {  	[sflag:s31] =	ssyncset.done $0x0  }
0xbf: {  	s10 =	stileid.u32;
	[sflag:s31] =	ssyncadd.s32 $0xFFFFF060  }
0xc0: {  	s0 =	sshll.u32 s10, $0x6;
	[bflag:$0x0] =	sbarrier.arrive $0xFFFF  }
0xc1: {  	s0 =	sor.u32 $0x1C1A, s0;
	s15 =	sshrl.u32 s7, $0x3;
	s18 =	rddreg [dreg:$0x6]  }
0xc2: {  	[hbm:s18], [sflag:s0] =	dma.local [spmem:s15], $0x9C8  }
0xc3: {  	_ =	swait.ge [sflag:s11], $0x9C8  }
0xc4: {  	s3 =	sadd.s32 $0x1, s3;
	s19 =	rddreg [dreg:$0x5]  }
0xc5: {  	p0 =	sne.s32 s3, s19  }
.Ltmp2:
0xc6: {  	_ = 	snop;
	(pc) =	sbr.rel @p0 .LBB2_1-.Ltmp2, $3  }
0xc7: {  	_ =	sdelay $0x1  }
0xc8: {  	[sflag:s11] =	ssyncset.done $0x0  }
0xc9: {  	s15 =	simm.s32 $0x0;
	[sflag:s11] =	ssyncadd.s32 $0xFFFFF638;
	s19 =	simm.s32 $0x2800  }
0xca: {  	_ =	sfence.sel $0x180000  }
0xcb: {  	[bflag:$0x0] =	sbarrier.arrive $0xFFFF  }
0xcc: {  	_ =	strace $0x90000047  }
0xcd: {  	s0 =	stileid.u32;
	[bflag:$0x2] =	sbarrier.arrive $0xFFFF  }
0xce: {  	p0 =	sne.s32 s0, $0x0;
	s0 =	rddreg [dreg:$0x2]  }
0xcf: {  	s0 =	sadd.s32 @!p0 $0x100000, s0  }
0xd0: {  	[sflag:s0] =	ssyncadd.tile.s32 @!p0 $0x1;
	_ =	shalt  }
.Lfunc_end2:
_tile_overlayer_lowered:
.L_overlay_start_2:
0xd1: {  	(tag) =	ssettag $0x2  }
0xd2: {  	s0 =	rddreg [dreg:$0x0];
	s2 =	stileid.u32  }
0xd3: {  	s1 =	rddreg [dreg:$0x1];
	p0 =	sne.s32 s2, $0x0  }
0xd4: {  	s3 =	rddreg [dreg:$0x2];
	[bflag:$0x3] =	sbarrier.arrive $0xFFFF;
	s2 =	simm.s32 @!p0 $0x1C1A  }
0xd5: {  	[timem:s3], [sflag:s2] =	dma.local @!p0 [hbm:s0], s1  }
0xd6: {  	s0 =	simm.s32 @!p0 $0x1A  }
0xd7: {  	_ =	swait.ge @!p0 [sflag:s0], s1  }
0xd8: {  	s1 =	ssub.s32 @!p0 $0x0, s1;
	[sflag:s0] =	ssyncset.done @!p0 $0x0  }
0xd9: {  	[sflag:s0] =	ssyncadd.s32 @!p0 s1  }
0xda: {  	[bflag:$0x3] =	sbarrier.arrive $0xFFFF  }
0xdb: {  	_ =	shalt  }

</sc_bundles>
